<compile_context>
chip_gen: v7x
topology: tpu7x:2x2x1
jax: 0.10.2.dev20260603
libtpu: 0.0.44.dev20260713+nightly
codegen_flags: <defaults>
</compile_context>

<pallas_src>
import functools

import jax
import jax.numpy as jnp
from jax import lax
from jax.experimental import pallas as pl
from jax.experimental.pallas import tpu as pltpu
from jax.experimental.pallas import tpu_sc as plsc

NODE_D = 128
HID = 64
EDGE_D = 16

_NC = 2
_NS = 16
_NW = _NC * _NS


def _elu(x):
    return jnp.where(x > 0, x, jnp.exp(x) - 1.0)


def _softplus(x):
    return jnp.maximum(x, 0.0) + jnp.log(1.0 + jnp.exp(-jnp.abs(x)))


def _precompute_body(nf_ref, wst_ref, wrt_ref, ei_ref, ps_ref, pr_ref,
                     sa_ref, ra_ref):
    nf = nf_ref[...]
    hn = nf.shape[0] // 2
    wst = wst_ref[...]
    wrt = wrt_ref[...]
    ps_ref[...] = jnp.concatenate(
        [jnp.dot(nf[:hn], wst, preferred_element_type=jnp.float32),
         jnp.dot(nf[hn:], wst, preferred_element_type=jnp.float32)], axis=1)
    pr_ref[...] = jnp.concatenate(
        [jnp.dot(nf[:hn], wrt, preferred_element_type=jnp.float32),
         jnp.dot(nf[hn:], wrt, preferred_element_type=jnp.float32)], axis=1)
    s_row = ei_ref[0]
    r_row = ei_ref[1]
    s_row = 2 * s_row - jnp.where(s_row < hn, 0, 2 * hn - 1)
    r_row = 2 * r_row - jnp.where(r_row < hn, 0, 2 * hn - 1)
    off = 0
    for s_ref, r_ref in zip(sa_ref, ra_ref):
        n = s_ref.shape[0]
        s_ref[...] = s_row[off:off + n]
        r_ref[...] = r_row[off:off + n]
        off += n


def _mlp_body(g2a_ref, g2b_ref, eftlo_ref, efthi_ref, w1ea_ref, w2bd_ref,
              b2p_ref, w3c_ref, b3_ref, outlo_ref, outhi_ref):
    g2 = jnp.concatenate([g2a_ref[...], g2b_ref[...]], axis=0)
    rows = g2.shape[0]
    eft2 = jnp.concatenate(
        [eftlo_ref[...], efthi_ref[...],
         jnp.ones((1, rows), jnp.float32)], axis=0)
    a = lax.dot_general(eft2, w1ea_ref[...], (((0,), (0,)), ((), ())),
                        preferred_element_type=jnp.float32)
    h1 = _elu(g2 + a)
    h2 = _elu(jnp.dot(h1, w2bd_ref[...], preferred_element_type=jnp.float32)
              + b2p_ref[...])
    z = lax.dot_general(w3c_ref[...], h2, (((1,), (1,)), ((), ())),
                        preferred_element_type=jnp.float32)
    sp = _softplus(z + b3_ref[...])
    outlo_ref[0] = sp[0:1]
    outhi_ref[0] = sp[1:2]


def _make_gather(n_edges, cpairs):
    half = n_edges // 2
    ppw = half // _NW
    nchunk = ppw // cpairs
    mesh = plsc.VectorSubcoreMesh(core_axis_name="c", subcore_axis_name="s")

    @functools.partial(
        pl.kernel,
        mesh=mesh,
        compiler_params=pltpu.CompilerParams(use_tc_tiling_on_sc=False),
        out_type=jax.ShapeDtypeStruct((half, 2 * HID), jnp.float32),
        scratch_types=[
            pltpu.VMEM((2 * ppw,), jnp.int32),
            pltpu.VMEM((2 * ppw,), jnp.int32),
            pltpu.VMEM((cpairs, HID), jnp.float32),
            pltpu.VMEM((cpairs, HID), jnp.float32),
            pltpu.VMEM((cpairs, HID), jnp.float32),
            pltpu.VMEM((cpairs, HID), jnp.float32),
            pltpu.VMEM((cpairs, HID), jnp.float32),
            pltpu.VMEM((cpairs, HID), jnp.float32),
            pltpu.SemaphoreType.DMA,
            pltpu.SemaphoreType.DMA,
            pltpu.SemaphoreType.DMA,
            pltpu.SemaphoreType.DMA,
        ],
    )
    def _gather(ps_hbm, pr_hbm, s_hbm, r_hbm, out_hbm, idx_s, idx_r,
                bs0, br0, bw0, bs1, br1, bw1, semg0, semg1, semw0, semw1):
        wid = lax.axis_index("s") * _NC + lax.axis_index("c")
        base = wid * ppw
        bufs = ((bs0, br0, bw0, semg0, semw0), (bs1, br1, bw1, semg1, semw1))

        pltpu.sync_copy(s_hbm.at[pl.ds(base, ppw)], idx_s.at[pl.ds(0, ppw)])
        pltpu.sync_copy(s_hbm.at[pl.ds(half + base, ppw)],
                        idx_s.at[pl.ds(ppw, ppw)])
        pltpu.sync_copy(r_hbm.at[pl.ds(base, ppw)], idx_r.at[pl.ds(0, ppw)])
        pltpu.sync_copy(r_hbm.at[pl.ds(half + base, ppw)],
                        idx_r.at[pl.ds(ppw, ppw)])

        def issue_gathers(b, k):
            bs, br, _, semg, _ = bufs[b]
            ioff = b * ppw + k * cpairs
            cs = pltpu.async_copy(
                ps_hbm.at[idx_s.at[pl.ds(ioff, cpairs)]], bs, semg)
            cr = pltpu.async_copy(
                pr_hbm.at[idx_r.at[pl.ds(ioff, cpairs)]], br, semg)
            return cs, cr

        issue_gathers(0, 0)
        issue_gathers(1, 0)

        def chunk_body(k, carry):
            for b in (0, 1):
                bs, br, bw, semg, semw = bufs[b]
                coff = b * HID
                row = base + k * cpairs

                pltpu.make_async_copy(
                    ps_hbm.at[idx_s.at[pl.ds(0, cpairs)]], bs, semg).wait()
                pltpu.make_async_copy(
                    pr_hbm.at[idx_r.at[pl.ds(0, cpairs)]], br, semg).wait()

                @pl.when(k >= 1)
                def _():
                    pltpu.make_async_copy(
                        bw, out_hbm.at[pl.ds(row - cpairs, cpairs),
                                       pl.ds(coff, HID)], semw).wait()

                def add_row(rr, inner):
                    for c4 in range(HID // 16):
                        sl = pl.ds(c4 * 16, 16)
                        bw[rr, sl] = bs[rr, sl] + br[rr, sl]
                    return inner

                lax.fori_loop(0, cpairs, add_row, 0)

                @pl.when(k < nchunk - 1)
                def _():
                    issue_gathers(b, k + 1)

                pltpu.async_copy(
                    bw, out_hbm.at[pl.ds(row, cpairs), pl.ds(coff, HID)], semw)
            return carry

        lax.fori_loop(0, nchunk, chunk_body, 0)

        for b in (0, 1):
            _, _, bw, _, semw = bufs[b]
            row = base + (nchunk - 1) * cpairs
            pltpu.make_async_copy(
                bw, out_hbm.at[pl.ds(row, cpairs), pl.ds(b * HID, HID)],
                semw).wait()

    return _gather


def kernel(node_features, edge_index, edge_features, W1, b1, W2, b2, W3, b3):
    n_nodes = node_features.shape[0]
    n_edges = edge_features.shape[0]
    half = n_edges // 2

    eft = edge_features.T
    w1st = W1[:, :NODE_D].T
    w1rt = W1[:, NODE_D:2 * NODE_D].T
    w1et = W1[:, 2 * NODE_D:].T
    b1_2 = b1.reshape(1, HID)
    b2_2 = b2.reshape(1, HID)
    b3_2 = b3.reshape(1, 1)

    sizes = (89600, 140800, 89600)
    rows = 3200
    ei32 = jnp.asarray(edge_index, jnp.int32)

    zer_e = jnp.zeros((EDGE_D, HID), jnp.float32)
    w1ea = jnp.concatenate([
        jnp.concatenate([w1et, zer_e], axis=1),
        jnp.concatenate([zer_e, w1et], axis=1),
        jnp.concatenate([b1_2, b1_2], axis=1),
    ], axis=0)
    zer_h = jnp.zeros((HID, HID), jnp.float32)
    w2bd = jnp.block([[W2.T, zer_h], [zer_h, W2.T]])
    b2p = jnp.concatenate([b2_2, b2_2], axis=1)
    zer_3 = jnp.zeros((1, HID), jnp.float32)
    w3c = jnp.block([[W3, zer_3], [zer_3, W3]])

    ps_p, pr_p, s_sl, r_sl = pl.pallas_call(
        _precompute_body,
        out_shape=(
            jax.ShapeDtypeStruct((n_nodes // 2, 2 * HID), jnp.float32),
            jax.ShapeDtypeStruct((n_nodes // 2, 2 * HID), jnp.float32),
            tuple(jax.ShapeDtypeStruct((n,), jnp.int32) for n in sizes),
            tuple(jax.ShapeDtypeStruct((n,), jnp.int32) for n in sizes),
        ),
    )(node_features, w1st, w1rt, ei32)
    ps = ps_p.reshape(n_nodes, HID)
    pr = pr_p.reshape(n_nodes, HID)

    pieces = []
    start = 0
    for e_s, s_k, r_k in zip(sizes, s_sl, r_sl):
        half_s = e_s // 2
        g2 = _make_gather(e_s, 200)(ps, pr, s_k, r_k)

        nblocks = half_s // rows
        lo_base = start // rows
        hi_base = (start + half_s) // rows
        out_lo, out_hi = pl.pallas_call(
            _mlp_body,
            grid=(nblocks,),
            in_specs=[
                pl.BlockSpec((rows // 2, 2 * HID), lambda i: (2 * i, 0)),
                pl.BlockSpec((rows // 2, 2 * HID), lambda i: (2 * i + 1, 0)),
                pl.BlockSpec((EDGE_D, rows), lambda i, _b=lo_base: (0, i + _b)),
                pl.BlockSpec((EDGE_D, rows), lambda i, _b=hi_base: (0, i + _b)),
                pl.BlockSpec((2 * EDGE_D + 1, 2 * HID), lambda i: (0, 0)),
                pl.BlockSpec((2 * HID, 2 * HID), lambda i: (0, 0)),
                pl.BlockSpec((1, 2 * HID), lambda i: (0, 0)),
                pl.BlockSpec((2, 2 * HID), lambda i: (0, 0)),
                pl.BlockSpec((1, 1), lambda i: (0, 0)),
            ],
            out_specs=(
                pl.BlockSpec((1, 1, rows), lambda i: (i, 0, 0)),
                pl.BlockSpec((1, 1, rows), lambda i: (i, 0, 0)),
            ),
            out_shape=(
                jax.ShapeDtypeStruct((nblocks, 1, rows), jnp.float32),
                jax.ShapeDtypeStruct((nblocks, 1, rows), jnp.float32),
            ),
        )(g2, g2, eft, eft, w1ea, w2bd, b2p, w3c, b3_2)
        pieces.append(out_lo.reshape(half_s))
        pieces.append(out_hi.reshape(half_s))
        start += e_s
    return jnp.concatenate(pieces)

# --- scband reference (transcript-rebuilt; emitter-appended) ---
"""Pipeline reference for scband-edge-readout-3564822855706 (READ-ONLY COPY).

The authoritative reference and input builder live on the scoring server;
editing this copy changes nothing except your own understanding.
"""

import jax, jax.numpy as jnp
import numpy as np

NODE_DIM = 128
EDGE_DIM = 16
HIDDEN = 64
N_NODES = 10000
N_EDGES = 320000


def setup_inputs(seed: int = 0) -> dict:
    key = jax.random.key(seed)
    k1, k2, k3, k4, k5, k6, k7, k8 = jax.random.split(key, 8)
    node_features = jax.random.normal(k1, (N_NODES, NODE_DIM), dtype=jnp.float32)
    edge_index = jax.random.randint(k2, (2, N_EDGES), 0, N_NODES, dtype=jnp.int64)
    edge_features = jax.random.normal(k3, (N_EDGES, EDGE_DIM), dtype=jnp.float32)
    in_size = 2 * NODE_DIM + EDGE_DIM
    # MLP params (eqx.nn.MLP, depth=2: in->width, width->width, width->out), weight shape (out, in)
    lim1 = 1.0 / np.sqrt(in_size)
    lim2 = 1.0 / np.sqrt(HIDDEN)
    W1 = jax.random.uniform(k4, (HIDDEN, in_size), minval=-lim1, maxval=lim1, dtype=jnp.float32)
    b1 = jax.random.uniform(k5, (HIDDEN,), minval=-lim1, maxval=lim1, dtype=jnp.float32)
    W2 = jax.random.uniform(k6, (HIDDEN, HIDDEN), minval=-lim2, maxval=lim2, dtype=jnp.float32)
    b2 = jax.random.uniform(k7, (HIDDEN,), minval=-lim2, maxval=lim2, dtype=jnp.float32)
    W3 = jax.random.uniform(k8, (1, HIDDEN), minval=-lim2, maxval=lim2, dtype=jnp.float32)
    b3 = jnp.zeros((1,), dtype=jnp.float32)
    return {"node_features": node_features, "edge_index": edge_index, "edge_features": edge_features,
            "W1": W1, "b1": b1, "W2": W2, "b2": b2, "W3": W3, "b3": b3}


def reference(node_features, edge_index, edge_features, W1, b1, W2, b2, W3, b3):
    senders = edge_index[0]
    receivers = edge_index[1]
    h_senders = node_features[senders]
    h_receivers = node_features[receivers]
    edge_input = jnp.concatenate([h_senders, h_receivers, edge_features], axis=-1)
    h = jax.nn.elu(edge_input @ W1.T + b1)
    h = jax.nn.elu(h @ W2.T + b2)
    out = jax.nn.softplus(h @ W3.T + b3)
    return out.squeeze(-1)

if __name__ == "__main__":
    import jax
    _d = setup_inputs()
    print(jax.jit(kernel)(*tuple(_d.values())))

</pallas_src>

<mosaic_0001>
#map = affine_map<(d0, d1) -> (0, 0)>
#map1 = affine_map<(d0, d1) -> (0)>
module attributes {stable_mosaic.version = 14 : i64} {
  func.func @_gather(%arg0: i32, %arg1: i32, %arg2: memref<10000x64xf32, #tpu.memory_space<hbm>>, %arg3: memref<10000x64xf32, #tpu.memory_space<hbm>>, %arg4: memref<140800xi32, #tpu.memory_space<hbm>>, %arg5: memref<140800xi32, #tpu.memory_space<hbm>>, %arg6: memref<70400x128xf32, #tpu.memory_space<hbm>>, %arg7: memref<4400xi32, #tpu.memory_space<vmem>>, %arg8: memref<4400xi32, #tpu.memory_space<vmem>>, %arg9: memref<200x64xf32, #tpu.memory_space<vmem>>, %arg10: memref<200x64xf32, #tpu.memory_space<vmem>>, %arg11: memref<200x64xf32, #tpu.memory_space<vmem>>, %arg12: memref<200x64xf32, #tpu.memory_space<vmem>>, %arg13: memref<200x64xf32, #tpu.memory_space<vmem>>, %arg14: memref<200x64xf32, #tpu.memory_space<vmem>>, %arg15: memref<!tpu.dma_semaphore, #tpu.memory_space<semaphore_mem>>, %arg16: memref<!tpu.dma_semaphore, #tpu.memory_space<semaphore_mem>>, %arg17: memref<!tpu.dma_semaphore, #tpu.memory_space<semaphore_mem>>, %arg18: memref<!tpu.dma_semaphore, #tpu.memory_space<semaphore_mem>>) attributes {dimension_semantics = [#tpu.dimension_semantics<core_parallel>, #tpu.dimension_semantics<subcore_parallel>], iteration_bounds = array<i64: 2, 16>, scalar_prefetch = 0 : i64, scratch_operands = 12 : i64, tpu.core_type = #tpu.core_type<sc_vector_subcore>, window_params = [{transform_indices = #map}, {transform_indices = #map}, {transform_indices = #map1}, {transform_indices = #map1}, {transform_indices = #map}]} {
    %mul3A = arith.constant 2 : i32
    %mul3A_0 = arith.muli %arg1, %mul3A : i32
    %add3A = arith.addi %mul3A_0, %arg0 : i32
    %mul3A_1 = arith.constant 2200 : i32
    %mul3A_2 = arith.muli %add3A, %mul3A_1 : i32
    "tpu.region"() ({
      %run_scoped3A = tpu.sem_alloc : memref<!tpu.dma_semaphore, #tpu.memory_space<semaphore_mem>>
      %dma_start3A_42 = arith.constant 0 : i32
      %dma_start3A_43 = tpu.memref_slice %arg7[%dma_start3A_42] : memref<4400xi32, #tpu.memory_space<vmem>> -> memref<2200xi32, #tpu.memory_space<vmem>>
      %dma_start3A_44 = tpu.memref_slice %arg4[%mul3A_2] : memref<140800xi32, #tpu.memory_space<hbm>> -> memref<2200xi32, #tpu.memory_space<hbm>>
      %dma_start3A_45 = arith.constant 0 : i32
      %dma_start3A_46 = tpu.memref_slice %arg7[%dma_start3A_45] : memref<4400xi32, #tpu.memory_space<vmem>> -> memref<2200xi32, #tpu.memory_space<vmem>>
      %dma_start3A_47 = tpu.memref_slice %arg4[%mul3A_2] : memref<140800xi32, #tpu.memory_space<hbm>> -> memref<2200xi32, #tpu.memory_space<hbm>>
      tpu.enqueue_dma source(%dma_start3A_47 : memref<2200xi32, #tpu.memory_space<hbm>>) target(%dma_start3A_46 : memref<2200xi32, #tpu.memory_space<vmem>>) target_semaphore(%run_scoped3A : memref<!tpu.dma_semaphore, #tpu.memory_space<semaphore_mem>>)
      %dma_wait3A_48 = arith.constant 0 : i32
      %dma_wait3A_49 = tpu.memref_slice %arg7[%dma_wait3A_48] : memref<4400xi32, #tpu.memory_space<vmem>> -> memref<2200xi32, #tpu.memory_space<vmem>>
      %dma_wait3A_50 = tpu.memref_slice %arg4[%mul3A_2] : memref<140800xi32, #tpu.memory_space<hbm>> -> memref<2200xi32, #tpu.memory_space<hbm>>
      %dma_wait3A_51 = arith.constant 0 : i32
      %dma_wait3A_52 = tpu.memref_slice %arg7[%dma_wait3A_51] : memref<4400xi32, #tpu.memory_space<vmem>> -> memref<2200xi32, #tpu.memory_space<vmem>>
      %dma_wait3A_53 = tpu.memref_slice %arg4[%mul3A_2] : memref<140800xi32, #tpu.memory_space<hbm>> -> memref<2200xi32, #tpu.memory_space<hbm>>
      tpu.wait_dma2 semaphore(%run_scoped3A : memref<!tpu.dma_semaphore, #tpu.memory_space<semaphore_mem>>) src(%dma_wait3A_53 : memref<2200xi32, #tpu.memory_space<hbm>>) dst(%dma_wait3A_52 : memref<2200xi32, #tpu.memory_space<vmem>>)
      tpu.yield
    }) : () -> ()
    %add3A_3 = arith.constant 70400 : i32
    %add3A_4 = arith.addi %add3A_3, %mul3A_2 : i32
    "tpu.region"() ({
      %run_scoped3A = tpu.sem_alloc : memref<!tpu.dma_semaphore, #tpu.memory_space<semaphore_mem>>
      %dma_start3A_42 = arith.constant 2200 : i32
      %dma_start3A_43 = tpu.memref_slice %arg7[%dma_start3A_42] : memref<4400xi32, #tpu.memory_space<vmem>> -> memref<2200xi32, #tpu.memory_space<vmem>>
      %dma_start3A_44 = tpu.memref_slice %arg4[%add3A_4] : memref<140800xi32, #tpu.memory_space<hbm>> -> memref<2200xi32, #tpu.memory_space<hbm>>
      %dma_start3A_45 = arith.constant 2200 : i32
      %dma_start3A_46 = tpu.memref_slice %arg7[%dma_start3A_45] : memref<4400xi32, #tpu.memory_space<vmem>> -> memref<2200xi32, #tpu.memory_space<vmem>>
      %dma_start3A_47 = tpu.memref_slice %arg4[%add3A_4] : memref<140800xi32, #tpu.memory_space<hbm>> -> memref<2200xi32, #tpu.memory_space<hbm>>
      tpu.enqueue_dma source(%dma_start3A_47 : memref<2200xi32, #tpu.memory_space<hbm>>) target(%dma_start3A_46 : memref<2200xi32, #tpu.memory_space<vmem>>) target_semaphore(%run_scoped3A : memref<!tpu.dma_semaphore, #tpu.memory_space<semaphore_mem>>)
      %dma_wait3A_48 = arith.constant 2200 : i32
      %dma_wait3A_49 = tpu.memref_slice %arg7[%dma_wait3A_48] : memref<4400xi32, #tpu.memory_space<vmem>> -> memref<2200xi32, #tpu.memory_space<vmem>>
      %dma_wait3A_50 = tpu.memref_slice %arg4[%add3A_4] : memref<140800xi32, #tpu.memory_space<hbm>> -> memref<2200xi32, #tpu.memory_space<hbm>>
      %dma_wait3A_51 = arith.constant 2200 : i32
      %dma_wait3A_52 = tpu.memref_slice %arg7[%dma_wait3A_51] : memref<4400xi32, #tpu.memory_space<vmem>> -> memref<2200xi32, #tpu.memory_space<vmem>>
      %dma_wait3A_53 = tpu.memref_slice %arg4[%add3A_4] : memref<140800xi32, #tpu.memory_space<hbm>> -> memref<2200xi32, #tpu.memory_space<hbm>>
      tpu.wait_dma2 semaphore(%run_scoped3A : memref<!tpu.dma_semaphore, #tpu.memory_space<semaphore_mem>>) src(%dma_wait3A_53 : memref<2200xi32, #tpu.memory_space<hbm>>) dst(%dma_wait3A_52 : memref<2200xi32, #tpu.memory_space<vmem>>)
      tpu.yield
    }) : () -> ()
    "tpu.region"() ({
      %run_scoped3A = tpu.sem_alloc : memref<!tpu.dma_semaphore, #tpu.memory_space<semaphore_mem>>
      %dma_start3A_42 = arith.constant 0 : i32
      %dma_start3A_43 = tpu.memref_slice %arg8[%dma_start3A_42] : memref<4400xi32, #tpu.memory_space<vmem>> -> memref<2200xi32, #tpu.memory_space<vmem>>
      %dma_start3A_44 = tpu.memref_slice %arg5[%mul3A_2] : memref<140800xi32, #tpu.memory_space<hbm>> -> memref<2200xi32, #tpu.memory_space<hbm>>
      %dma_start3A_45 = arith.constant 0 : i32
      %dma_start3A_46 = tpu.memref_slice %arg8[%dma_start3A_45] : memref<4400xi32, #tpu.memory_space<vmem>> -> memref<2200xi32, #tpu.memory_space<vmem>>
      %dma_start3A_47 = tpu.memref_slice %arg5[%mul3A_2] : memref<140800xi32, #tpu.memory_space<hbm>> -> memref<2200xi32, #tpu.memory_space<hbm>>
      tpu.enqueue_dma source(%dma_start3A_47 : memref<2200xi32, #tpu.memory_space<hbm>>) target(%dma_start3A_46 : memref<2200xi32, #tpu.memory_space<vmem>>) target_semaphore(%run_scoped3A : memref<!tpu.dma_semaphore, #tpu.memory_space<semaphore_mem>>)
      %dma_wait3A_48 = arith.constant 0 : i32
      %dma_wait3A_49 = tpu.memref_slice %arg8[%dma_wait3A_48] : memref<4400xi32, #tpu.memory_space<vmem>> -> memref<2200xi32, #tpu.memory_space<vmem>>
      %dma_wait3A_50 = tpu.memref_slice %arg5[%mul3A_2] : memref<140800xi32, #tpu.memory_space<hbm>> -> memref<2200xi32, #tpu.memory_space<hbm>>
      %dma_wait3A_51 = arith.constant 0 : i32
      %dma_wait3A_52 = tpu.memref_slice %arg8[%dma_wait3A_51] : memref<4400xi32, #tpu.memory_space<vmem>> -> memref<2200xi32, #tpu.memory_space<vmem>>
      %dma_wait3A_53 = tpu.memref_slice %arg5[%mul3A_2] : memref<140800xi32, #tpu.memory_space<hbm>> -> memref<2200xi32, #tpu.memory_space<hbm>>
      tpu.wait_dma2 semaphore(%run_scoped3A : memref<!tpu.dma_semaphore, #tpu.memory_space<semaphore_mem>>) src(%dma_wait3A_53 : memref<2200xi32, #tpu.memory_space<hbm>>) dst(%dma_wait3A_52 : memref<2200xi32, #tpu.memory_space<vmem>>)
      tpu.yield
    }) : () -> ()
    %add3A_5 = arith.constant 70400 : i32
    %add3A_6 = arith.addi %add3A_5, %mul3A_2 : i32
    "tpu.region"() ({
      %run_scoped3A = tpu.sem_alloc : memref<!tpu.dma_semaphore, #tpu.memory_space<semaphore_mem>>
      %dma_start3A_42 = arith.constant 2200 : i32
      %dma_start3A_43 = tpu.memref_slice %arg8[%dma_start3A_42] : memref<4400xi32, #tpu.memory_space<vmem>> -> memref<2200xi32, #tpu.memory_space<vmem>>
      %dma_start3A_44 = tpu.memref_slice %arg5[%add3A_6] : memref<140800xi32, #tpu.memory_space<hbm>> -> memref<2200xi32, #tpu.memory_space<hbm>>
      %dma_start3A_45 = arith.constant 2200 : i32
      %dma_start3A_46 = tpu.memref_slice %arg8[%dma_start3A_45] : memref<4400xi32, #tpu.memory_space<vmem>> -> memref<2200xi32, #tpu.memory_space<vmem>>
      %dma_start3A_47 = tpu.memref_slice %arg5[%add3A_6] : memref<140800xi32, #tpu.memory_space<hbm>> -> memref<2200xi32, #tpu.memory_space<hbm>>
      tpu.enqueue_dma source(%dma_start3A_47 : memref<2200xi32, #tpu.memory_space<hbm>>) target(%dma_start3A_46 : memref<2200xi32, #tpu.memory_space<vmem>>) target_semaphore(%run_scoped3A : memref<!tpu.dma_semaphore, #tpu.memory_space<semaphore_mem>>)
      %dma_wait3A_48 = arith.constant 2200 : i32
      %dma_wait3A_49 = tpu.memref_slice %arg8[%dma_wait3A_48] : memref<4400xi32, #tpu.memory_space<vmem>> -> memref<2200xi32, #tpu.memory_space<vmem>>
      %dma_wait3A_50 = tpu.memref_slice %arg5[%add3A_6] : memref<140800xi32, #tpu.memory_space<hbm>> -> memref<2200xi32, #tpu.memory_space<hbm>>
      %dma_wait3A_51 = arith.constant 2200 : i32
      %dma_wait3A_52 = tpu.memref_slice %arg8[%dma_wait3A_51] : memref<4400xi32, #tpu.memory_space<vmem>> -> memref<2200xi32, #tpu.memory_space<vmem>>
      %dma_wait3A_53 = tpu.memref_slice %arg5[%add3A_6] : memref<140800xi32, #tpu.memory_space<hbm>> -> memref<2200xi32, #tpu.memory_space<hbm>>
      tpu.wait_dma2 semaphore(%run_scoped3A : memref<!tpu.dma_semaphore, #tpu.memory_space<semaphore_mem>>) src(%dma_wait3A_53 : memref<2200xi32, #tpu.memory_space<hbm>>) dst(%dma_wait3A_52 : memref<2200xi32, #tpu.memory_space<vmem>>)
      tpu.yield
    }) : () -> ()
    %dma_start3A = arith.constant 0 : i32
    %dma_start3A_7 = tpu.memref_slice %arg7[%dma_start3A] : memref<4400xi32, #tpu.memory_space<vmem>> -> memref<200xi32, #tpu.memory_space<vmem>>
    %dma_start3A_8 = arith.constant 0 : i32
    %dma_start3A_9 = arith.constant 0 : i32
    %dma_start3A_10 = tpu.memref_slice %arg2[%dma_start3A_8, %dma_start3A_9] : memref<10000x64xf32, #tpu.memory_space<hbm>> -> memref<10000x64xf32, #tpu.memory_space<hbm>>
    tpu.enqueue_indirect_dma source(%dma_start3A_10 : memref<10000x64xf32, #tpu.memory_space<hbm>>) target(%arg9 : memref<200x64xf32, #tpu.memory_space<vmem>>) offsets(%dma_start3A_7 : memref<200xi32, #tpu.memory_space<vmem>>) semaphore(%arg15 : memref<!tpu.dma_semaphore, #tpu.memory_space<semaphore_mem>>)
    %dma_start3A_11 = arith.constant 0 : i32
    %dma_start3A_12 = tpu.memref_slice %arg8[%dma_start3A_11] : memref<4400xi32, #tpu.memory_space<vmem>> -> memref<200xi32, #tpu.memory_space<vmem>>
    %dma_start3A_13 = arith.constant 0 : i32
    %dma_start3A_14 = arith.constant 0 : i32
    %dma_start3A_15 = tpu.memref_slice %arg3[%dma_start3A_13, %dma_start3A_14] : memref<10000x64xf32, #tpu.memory_space<hbm>> -> memref<10000x64xf32, #tpu.memory_space<hbm>>
    tpu.enqueue_indirect_dma source(%dma_start3A_15 : memref<10000x64xf32, #tpu.memory_space<hbm>>) target(%arg10 : memref<200x64xf32, #tpu.memory_space<vmem>>) offsets(%dma_start3A_12 : memref<200xi32, #tpu.memory_space<vmem>>) semaphore(%arg15 : memref<!tpu.dma_semaphore, #tpu.memory_space<semaphore_mem>>)
    %dma_start3A_16 = arith.constant 2200 : i32
    %dma_start3A_17 = tpu.memref_slice %arg7[%dma_start3A_16] : memref<4400xi32, #tpu.memory_space<vmem>> -> memref<200xi32, #tpu.memory_space<vmem>>
    %dma_start3A_18 = arith.constant 0 : i32
    %dma_start3A_19 = arith.constant 0 : i32
    %dma_start3A_20 = tpu.memref_slice %arg2[%dma_start3A_18, %dma_start3A_19] : memref<10000x64xf32, #tpu.memory_space<hbm>> -> memref<10000x64xf32, #tpu.memory_space<hbm>>
    tpu.enqueue_indirect_dma source(%dma_start3A_20 : memref<10000x64xf32, #tpu.memory_space<hbm>>) target(%arg12 : memref<200x64xf32, #tpu.memory_space<vmem>>) offsets(%dma_start3A_17 : memref<200xi32, #tpu.memory_space<vmem>>) semaphore(%arg16 : memref<!tpu.dma_semaphore, #tpu.memory_space<semaphore_mem>>)
    %dma_start3A_21 = arith.constant 2200 : i32
    %dma_start3A_22 = tpu.memref_slice %arg8[%dma_start3A_21] : memref<4400xi32, #tpu.memory_space<vmem>> -> memref<200xi32, #tpu.memory_space<vmem>>
    %dma_start3A_23 = arith.constant 0 : i32
    %dma_start3A_24 = arith.constant 0 : i32
    %dma_start3A_25 = tpu.memref_slice %arg3[%dma_start3A_23, %dma_start3A_24] : memref<10000x64xf32, #tpu.memory_space<hbm>> -> memref<10000x64xf32, #tpu.memory_space<hbm>>
    tpu.enqueue_indirect_dma source(%dma_start3A_25 : memref<10000x64xf32, #tpu.memory_space<hbm>>) target(%arg13 : memref<200x64xf32, #tpu.memory_space<vmem>>) offsets(%dma_start3A_22 : memref<200xi32, #tpu.memory_space<vmem>>) semaphore(%arg16 : memref<!tpu.dma_semaphore, #tpu.memory_space<semaphore_mem>>)
    %scan3A = arith.constant 0 : i32
    %scan3A_26 = arith.constant 0 : i32
    %scan3A_27 = arith.constant 11 : i32
    %scan3A_28 = arith.addi %scan3A_26, %scan3A_27 : i32
    %scan3A_29 = arith.constant 1 : i32
    scf.for %scan3A_42 = %scan3A_26 to %scan3A_28 step %scan3A_29  : i32 {
      %mul3A_43 = arith.constant 200 : i32
      %mul3A_44 = arith.muli %scan3A_42, %mul3A_43 : i32
      %add3A_45 = arith.addi %mul3A_2, %mul3A_44 : i32
      %dma_wait3A_46 = arith.constant 0 : i32
      %dma_wait3A_47 = tpu.memref_slice %arg7[%dma_wait3A_46] : memref<4400xi32, #tpu.memory_space<vmem>> -> memref<200xi32, #tpu.memory_space<vmem>>
      %dma_wait3A_48 = arith.constant 0 : i32
      %dma_wait3A_49 = arith.constant 0 : i32
      %dma_wait3A_50 = tpu.memref_slice %arg2[%dma_wait3A_48, %dma_wait3A_49] : memref<10000x64xf32, #tpu.memory_space<hbm>> -> memref<10000x64xf32, #tpu.memory_space<hbm>>
      tpu.wait_indirect_dma semaphore(%arg15 : memref<!tpu.dma_semaphore, #tpu.memory_space<semaphore_mem>>) src(%dma_wait3A_50 : memref<10000x64xf32, #tpu.memory_space<hbm>>) dst(%arg9 : memref<200x64xf32, #tpu.memory_space<vmem>>)
      %dma_wait3A_51 = arith.constant 0 : i32
      %dma_wait3A_52 = tpu.memref_slice %arg8[%dma_wait3A_51] : memref<4400xi32, #tpu.memory_space<vmem>> -> memref<200xi32, #tpu.memory_space<vmem>>
      %dma_wait3A_53 = arith.constant 0 : i32
      %dma_wait3A_54 = arith.constant 0 : i32
      %dma_wait3A_55 = tpu.memref_slice %arg3[%dma_wait3A_53, %dma_wait3A_54] : memref<10000x64xf32, #tpu.memory_space<hbm>> -> memref<10000x64xf32, #tpu.memory_space<hbm>>
      tpu.wait_indirect_dma semaphore(%arg15 : memref<!tpu.dma_semaphore, #tpu.memory_space<semaphore_mem>>) src(%dma_wait3A_55 : memref<10000x64xf32, #tpu.memory_space<hbm>>) dst(%arg10 : memref<200x64xf32, #tpu.memory_space<vmem>>)
      %ge3A = arith.constant 1 : i32
      %ge3A_56 = arith.cmpi sge, %scan3A_42, %ge3A : i32
      %convert_element_type3A = arith.extui %ge3A_56 : i1 to i32
      %cond3A = arith.constant 0 : i32
      %cond3A_57 = arith.cmpi ne, %convert_element_type3A, %cond3A : i32
      scf.if %cond3A_57 {
        %sub3A = arith.constant 200 : i32
        %sub3A_105 = arith.subi %add3A_45, %sub3A : i32
        %dma_wait3A_106 = arith.constant 0 : i32
        %dma_wait3A_107 = tpu.memref_slice %arg6[%sub3A_105, %dma_wait3A_106] : memref<70400x128xf32, #tpu.memory_space<hbm>> -> memref<200x64xf32, #tpu.memory_space<hbm>>
        %dma_wait3A_108 = arith.constant 0 : i32
        %dma_wait3A_109 = tpu.memref_slice %arg6[%sub3A_105, %dma_wait3A_108] : memref<70400x128xf32, #tpu.memory_space<hbm>> -> memref<200x64xf32, #tpu.memory_space<hbm>>
        tpu.wait_dma2 semaphore(%arg17 : memref<!tpu.dma_semaphore, #tpu.memory_space<semaphore_mem>>) src(%arg11 : memref<200x64xf32, #tpu.memory_space<vmem>>) dst(%dma_wait3A_109 : memref<200x64xf32, #tpu.memory_space<hbm>>)
      } else {
      }
      %scan3A_58 = arith.constant 0 : i32
      %scan3A_59 = arith.constant 0 : i32
      %scan3A_60 = arith.constant 200 : i32
      %scan3A_61 = arith.addi %scan3A_59, %scan3A_60 : i32
      %scan3A_62 = arith.constant 1 : i32
      scf.for %scan3A_105 = %scan3A_59 to %scan3A_61 step %scan3A_62  : i32 {
        %get3A = arith.index_cast %scan3A_105 : i32 to index
        %get3A_106 = arith.constant 0 : index
        %get3A_107 = tpu.vector_load %arg9[%get3A, %get3A_106] {strides = array<i32>} : memref<200x64xf32, #tpu.memory_space<vmem>>, vector<1x16xf32>,
        %get3A_108 = vector.shape_cast %get3A_107 : vector<1x16xf32> to vector<16xf32>
        %get3A_109 = arith.index_cast %scan3A_105 : i32 to index
        %get3A_110 = arith.constant 0 : index
        %get3A_111 = tpu.vector_load %arg10[%get3A_109, %get3A_110] {strides = array<i32>} : memref<200x64xf32, #tpu.memory_space<vmem>>, vector<1x16xf32>,
        %get3A_112 = vector.shape_cast %get3A_111 : vector<1x16xf32> to vector<16xf32>
        %add3A_113 = arith.addf %get3A_108, %get3A_112 : vector<16xf32>
        %swap3A = arith.index_cast %scan3A_105 : i32 to index
        %swap3A_114 = arith.constant 0 : index
        %swap3A_115 = tpu.vector_load %arg11[%swap3A, %swap3A_114] {strides = array<i32>} : memref<200x64xf32, #tpu.memory_space<vmem>>, vector<1x16xf32>,
        %swap3A_116 = vector.shape_cast %swap3A_115 : vector<1x16xf32> to vector<16xf32>
        %swap3A_117 = vector.shape_cast %add3A_113 : vector<16xf32> to vector<1x16xf32>
        tpu.vector_store %arg11[%swap3A, %swap3A_114], %swap3A_117 {strides = array<i32>} : memref<200x64xf32, #tpu.memory_space<vmem>>, vector<1x16xf32>,
        %get3A_118 = arith.index_cast %scan3A_105 : i32 to index
        %get3A_119 = arith.constant 16 : index
        %get3A_120 = tpu.vector_load %arg9[%get3A_118, %get3A_119] {strides = array<i32>} : memref<200x64xf32, #tpu.memory_space<vmem>>, vector<1x16xf32>,
        %get3A_121 = vector.shape_cast %get3A_120 : vector<1x16xf32> to vector<16xf32>
        %get3A_122 = arith.index_cast %scan3A_105 : i32 to index
        %get3A_123 = arith.constant 16 : index
        %get3A_124 = tpu.vector_load %arg10[%get3A_122, %get3A_123] {strides = array<i32>} : memref<200x64xf32, #tpu.memory_space<vmem>>, vector<1x16xf32>,
        %get3A_125 = vector.shape_cast %get3A_124 : vector<1x16xf32> to vector<16xf32>
        %add3A_126 = arith.addf %get3A_121, %get3A_125 : vector<16xf32>
        %swap3A_127 = arith.index_cast %scan3A_105 : i32 to index
        %swap3A_128 = arith.constant 16 : index
        %swap3A_129 = tpu.vector_load %arg11[%swap3A_127, %swap3A_128] {strides = array<i32>} : memref<200x64xf32, #tpu.memory_space<vmem>>, vector<1x16xf32>,
        %swap3A_130 = vector.shape_cast %swap3A_129 : vector<1x16xf32> to vector<16xf32>
        %swap3A_131 = vector.shape_cast %add3A_126 : vector<16xf32> to vector<1x16xf32>
        tpu.vector_store %arg11[%swap3A_127, %swap3A_128], %swap3A_131 {strides = array<i32>} : memref<200x64xf32, #tpu.memory_space<vmem>>, vector<1x16xf32>,
        %get3A_132 = arith.index_cast %scan3A_105 : i32 to index
        %get3A_133 = arith.constant 32 : index
        %get3A_134 = tpu.vector_load %arg9[%get3A_132, %get3A_133] {strides = array<i32>} : memref<200x64xf32, #tpu.memory_space<vmem>>, vector<1x16xf32>,
        %get3A_135 = vector.shape_cast %get3A_134 : vector<1x16xf32> to vector<16xf32>
        %get3A_136 = arith.index_cast %scan3A_105 : i32 to index
        %get3A_137 = arith.constant 32 : index
        %get3A_138 = tpu.vector_load %arg10[%get3A_136, %get3A_137] {strides = array<i32>} : memref<200x64xf32, #tpu.memory_space<vmem>>, vector<1x16xf32>,
        %get3A_139 = vector.shape_cast %get3A_138 : vector<1x16xf32> to vector<16xf32>
        %add3A_140 = arith.addf %get3A_135, %get3A_139 : vector<16xf32>
        %swap3A_141 = arith.index_cast %scan3A_105 : i32 to index
        %swap3A_142 = arith.constant 32 : index
        %swap3A_143 = tpu.vector_load %arg11[%swap3A_141, %swap3A_142] {strides = array<i32>} : memref<200x64xf32, #tpu.memory_space<vmem>>, vector<1x16xf32>,
        %swap3A_144 = vector.shape_cast %swap3A_143 : vector<1x16xf32> to vector<16xf32>
        %swap3A_145 = vector.shape_cast %add3A_140 : vector<16xf32> to vector<1x16xf32>
        tpu.vector_store %arg11[%swap3A_141, %swap3A_142], %swap3A_145 {strides = array<i32>} : memref<200x64xf32, #tpu.memory_space<vmem>>, vector<1x16xf32>,
        %get3A_146 = arith.index_cast %scan3A_105 : i32 to index
        %get3A_147 = arith.constant 48 : index
        %get3A_148 = tpu.vector_load %arg9[%get3A_146, %get3A_147] {strides = array<i32>} : memref<200x64xf32, #tpu.memory_space<vmem>>, vector<1x16xf32>,
        %get3A_149 = vector.shape_cast %get3A_148 : vector<1x16xf32> to vector<16xf32>
        %get3A_150 = arith.index_cast %scan3A_105 : i32 to index
        %get3A_151 = arith.constant 48 : index
        %get3A_152 = tpu.vector_load %arg10[%get3A_150, %get3A_151] {strides = array<i32>} : memref<200x64xf32, #tpu.memory_space<vmem>>, vector<1x16xf32>,
        %get3A_153 = vector.shape_cast %get3A_152 : vector<1x16xf32> to vector<16xf32>
        %add3A_154 = arith.addf %get3A_149, %get3A_153 : vector<16xf32>
        %swap3A_155 = arith.index_cast %scan3A_105 : i32 to index
        %swap3A_156 = arith.constant 48 : index
        %swap3A_157 = tpu.vector_load %arg11[%swap3A_155, %swap3A_156] {strides = array<i32>} : memref<200x64xf32, #tpu.memory_space<vmem>>, vector<1x16xf32>,
        %swap3A_158 = vector.shape_cast %swap3A_157 : vector<1x16xf32> to vector<16xf32>
        %swap3A_159 = vector.shape_cast %add3A_154 : vector<16xf32> to vector<1x16xf32>
        tpu.vector_store %arg11[%swap3A_155, %swap3A_156], %swap3A_159 {strides = array<i32>} : memref<200x64xf32, #tpu.memory_space<vmem>>, vector<1x16xf32>,
      }
      %scan3A_63 = arith.constant 200 : i32
      %lt3A = arith.constant 10 : i32
      %lt3A_64 = arith.cmpi slt, %scan3A_42, %lt3A : i32
      %convert_element_type3A_65 = arith.extui %lt3A_64 : i1 to i32
      %cond3A_66 = arith.constant 0 : i32
      %cond3A_67 = arith.cmpi ne, %convert_element_type3A_65, %cond3A_66 : i32
      scf.if %cond3A_67 {
        %add3A_105 = arith.constant 1 : i32
        %add3A_106 = arith.addi %scan3A_42, %add3A_105 : i32
        %mul3A_107 = arith.constant 200 : i32
        %mul3A_108 = arith.muli %add3A_106, %mul3A_107 : i32
        %add3A_109 = arith.constant 0 : i32
        %add3A_110 = arith.addi %add3A_109, %mul3A_108 : i32
        %dma_start3A_111 = tpu.memref_slice %arg7[%add3A_110] : memref<4400xi32, #tpu.memory_space<vmem>> -> memref<200xi32, #tpu.memory_space<vmem>>
        %dma_start3A_112 = arith.constant 0 : i32
        %dma_start3A_113 = arith.constant 0 : i32
        %dma_start3A_114 = tpu.memref_slice %arg2[%dma_start3A_112, %dma_start3A_113] : memref<10000x64xf32, #tpu.memory_space<hbm>> -> memref<10000x64xf32, #tpu.memory_space<hbm>>
        tpu.enqueue_indirect_dma source(%dma_start3A_114 : memref<10000x64xf32, #tpu.memory_space<hbm>>) target(%arg9 : memref<200x64xf32, #tpu.memory_space<vmem>>) offsets(%dma_start3A_111 : memref<200xi32, #tpu.memory_space<vmem>>) semaphore(%arg15 : memref<!tpu.dma_semaphore, #tpu.memory_space<semaphore_mem>>)
        %dma_start3A_115 = tpu.memref_slice %arg8[%add3A_110] : memref<4400xi32, #tpu.memory_space<vmem>> -> memref<200xi32, #tpu.memory_space<vmem>>
        %dma_start3A_116 = arith.constant 0 : i32
        %dma_start3A_117 = arith.constant 0 : i32
        %dma_start3A_118 = tpu.memref_slice %arg3[%dma_start3A_116, %dma_start3A_117] : memref<10000x64xf32, #tpu.memory_space<hbm>> -> memref<10000x64xf32, #tpu.memory_space<hbm>>
        tpu.enqueue_indirect_dma source(%dma_start3A_118 : memref<10000x64xf32, #tpu.memory_space<hbm>>) target(%arg10 : memref<200x64xf32, #tpu.memory_space<vmem>>) offsets(%dma_start3A_115 : memref<200xi32, #tpu.memory_space<vmem>>) semaphore(%arg15 : memref<!tpu.dma_semaphore, #tpu.memory_space<semaphore_mem>>)
      } else {
      }
      %dma_start3A_68 = arith.constant 0 : i32
      %dma_start3A_69 = tpu.memref_slice %arg6[%add3A_45, %dma_start3A_68] : memref<70400x128xf32, #tpu.memory_space<hbm>> -> memref<200x64xf32, #tpu.memory_space<hbm>>
      %dma_start3A_70 = arith.constant 0 : i32
      %dma_start3A_71 = tpu.memref_slice %arg6[%add3A_45, %dma_start3A_70] : memref<70400x128xf32, #tpu.memory_space<hbm>> -> memref<200x64xf32, #tpu.memory_space<hbm>>
      tpu.enqueue_dma source(%arg11 : memref<200x64xf32, #tpu.memory_space<vmem>>) target(%dma_start3A_71 : memref<200x64xf32, #tpu.memory_space<hbm>>) target_semaphore(%arg17 : memref<!tpu.dma_semaphore, #tpu.memory_space<semaphore_mem>>)
      %mul3A_72 = arith.constant 200 : i32
      %mul3A_73 = arith.muli %scan3A_42, %mul3A_72 : i32
      %add3A_74 = arith.addi %mul3A_2, %mul3A_73 : i32
      %dma_wait3A_75 = arith.constant 0 : i32
      %dma_wait3A_76 = tpu.memref_slice %arg7[%dma_wait3A_75] : memref<4400xi32, #tpu.memory_space<vmem>> -> memref<200xi32, #tpu.memory_space<vmem>>
      %dma_wait3A_77 = arith.constant 0 : i32
      %dma_wait3A_78 = arith.constant 0 : i32
      %dma_wait3A_79 = tpu.memref_slice %arg2[%dma_wait3A_77, %dma_wait3A_78] : memref<10000x64xf32, #tpu.memory_space<hbm>> -> memref<10000x64xf32, #tpu.memory_space<hbm>>
      tpu.wait_indirect_dma semaphore(%arg16 : memref<!tpu.dma_semaphore, #tpu.memory_space<semaphore_mem>>) src(%dma_wait3A_79 : memref<10000x64xf32, #tpu.memory_space<hbm>>) dst(%arg12 : memref<200x64xf32, #tpu.memory_space<vmem>>)
      %dma_wait3A_80 = arith.constant 0 : i32
      %dma_wait3A_81 = tpu.memref_slice %arg8[%dma_wait3A_80] : memref<4400xi32, #tpu.memory_space<vmem>> -> memref<200xi32, #tpu.memory_space<vmem>>
      %dma_wait3A_82 = arith.constant 0 : i32
      %dma_wait3A_83 = arith.constant 0 : i32
      %dma_wait3A_84 = tpu.memref_slice %arg3[%dma_wait3A_82, %dma_wait3A_83] : memref<10000x64xf32, #tpu.memory_space<hbm>> -> memref<10000x64xf32, #tpu.memory_space<hbm>>
      tpu.wait_indirect_dma semaphore(%arg16 : memref<!tpu.dma_semaphore, #tpu.memory_space<semaphore_mem>>) src(%dma_wait3A_84 : memref<10000x64xf32, #tpu.memory_space<hbm>>) dst(%arg13 : memref<200x64xf32, #tpu.memory_space<vmem>>)
      %ge3A_85 = arith.constant 1 : i32
      %ge3A_86 = arith.cmpi sge, %scan3A_42, %ge3A_85 : i32
      %convert_element_type3A_87 = arith.extui %ge3A_86 : i1 to i32
      %cond3A_88 = arith.constant 0 : i32
      %cond3A_89 = arith.cmpi ne, %convert_element_type3A_87, %cond3A_88 : i32
      scf.if %cond3A_89 {
        %sub3A = arith.constant 200 : i32
        %sub3A_105 = arith.subi %add3A_74, %sub3A : i32
        %dma_wait3A_106 = arith.constant 64 : i32
        %dma_wait3A_107 = tpu.memref_slice %arg6[%sub3A_105, %dma_wait3A_106] : memref<70400x128xf32, #tpu.memory_space<hbm>> -> memref<200x64xf32, #tpu.memory_space<hbm>>
        %dma_wait3A_108 = arith.constant 64 : i32
        %dma_wait3A_109 = tpu.memref_slice %arg6[%sub3A_105, %dma_wait3A_108] : memref<70400x128xf32, #tpu.memory_space<hbm>> -> memref<200x64xf32, #tpu.memory_space<hbm>>
        tpu.wait_dma2 semaphore(%arg18 : memref<!tpu.dma_semaphore, #tpu.memory_space<semaphore_mem>>) src(%arg14 : memref<200x64xf32, #tpu.memory_space<vmem>>) dst(%dma_wait3A_109 : memref<200x64xf32, #tpu.memory_space<hbm>>)
      } else {
      }
      %scan3A_90 = arith.constant 0 : i32
      %scan3A_91 = arith.constant 0 : i32
      %scan3A_92 = arith.constant 200 : i32
      %scan3A_93 = arith.addi %scan3A_91, %scan3A_92 : i32
      %scan3A_94 = arith.constant 1 : i32
      scf.for %scan3A_105 = %scan3A_91 to %scan3A_93 step %scan3A_94  : i32 {
        %get3A = arith.index_cast %scan3A_105 : i32 to index
        %get3A_106 = arith.constant 0 : index
        %get3A_107 = tpu.vector_load %arg12[%get3A, %get3A_106] {strides = array<i32>} : memref<200x64xf32, #tpu.memory_space<vmem>>, vector<1x16xf32>,
        %get3A_108 = vector.shape_cast %get3A_107 : vector<1x16xf32> to vector<16xf32>
        %get3A_109 = arith.index_cast %scan3A_105 : i32 to index
        %get3A_110 = arith.constant 0 : index
        %get3A_111 = tpu.vector_load %arg13[%get3A_109, %get3A_110] {strides = array<i32>} : memref<200x64xf32, #tpu.memory_space<vmem>>, vector<1x16xf32>,
        %get3A_112 = vector.shape_cast %get3A_111 : vector<1x16xf32> to vector<16xf32>
        %add3A_113 = arith.addf %get3A_108, %get3A_112 : vector<16xf32>
        %swap3A = arith.index_cast %scan3A_105 : i32 to index
        %swap3A_114 = arith.constant 0 : index
        %swap3A_115 = tpu.vector_load %arg14[%swap3A, %swap3A_114] {strides = array<i32>} : memref<200x64xf32, #tpu.memory_space<vmem>>, vector<1x16xf32>,
        %swap3A_116 = vector.shape_cast %swap3A_115 : vector<1x16xf32> to vector<16xf32>
        %swap3A_117 = vector.shape_cast %add3A_113 : vector<16xf32> to vector<1x16xf32>
        tpu.vector_store %arg14[%swap3A, %swap3A_114], %swap3A_117 {strides = array<i32>} : memref<200x64xf32, #tpu.memory_space<vmem>>, vector<1x16xf32>,
        %get3A_118 = arith.index_cast %scan3A_105 : i32 to index
        %get3A_119 = arith.constant 16 : index
        %get3A_120 = tpu.vector_load %arg12[%get3A_118, %get3A_119] {strides = array<i32>} : memref<200x64xf32, #tpu.memory_space<vmem>>, vector<1x16xf32>,
        %get3A_121 = vector.shape_cast %get3A_120 : vector<1x16xf32> to vector<16xf32>
        %get3A_122 = arith.index_cast %scan3A_105 : i32 to index
        %get3A_123 = arith.constant 16 : index
        %get3A_124 = tpu.vector_load %arg13[%get3A_122, %get3A_123] {strides = array<i32>} : memref<200x64xf32, #tpu.memory_space<vmem>>, vector<1x16xf32>,
        %get3A_125 = vector.shape_cast %get3A_124 : vector<1x16xf32> to vector<16xf32>
        %add3A_126 = arith.addf %get3A_121, %get3A_125 : vector<16xf32>
        %swap3A_127 = arith.index_cast %scan3A_105 : i32 to index
        %swap3A_128 = arith.constant 16 : index
        %swap3A_129 = tpu.vector_load %arg14[%swap3A_127, %swap3A_128] {strides = array<i32>} : memref<200x64xf32, #tpu.memory_space<vmem>>, vector<1x16xf32>,
        %swap3A_130 = vector.shape_cast %swap3A_129 : vector<1x16xf32> to vector<16xf32>
        %swap3A_131 = vector.shape_cast %add3A_126 : vector<16xf32> to vector<1x16xf32>
        tpu.vector_store %arg14[%swap3A_127, %swap3A_128], %swap3A_131 {strides = array<i32>} : memref<200x64xf32, #tpu.memory_space<vmem>>, vector<1x16xf32>,
        %get3A_132 = arith.index_cast %scan3A_105 : i32 to index
        %get3A_133 = arith.constant 32 : index
        %get3A_134 = tpu.vector_load %arg12[%get3A_132, %get3A_133] {strides = array<i32>} : memref<200x64xf32, #tpu.memory_space<vmem>>, vector<1x16xf32>,
        %get3A_135 = vector.shape_cast %get3A_134 : vector<1x16xf32> to vector<16xf32>
        %get3A_136 = arith.index_cast %scan3A_105 : i32 to index
        %get3A_137 = arith.constant 32 : index
        %get3A_138 = tpu.vector_load %arg13[%get3A_136, %get3A_137] {strides = array<i32>} : memref<200x64xf32, #tpu.memory_space<vmem>>, vector<1x16xf32>,
        %get3A_139 = vector.shape_cast %get3A_138 : vector<1x16xf32> to vector<16xf32>
        %add3A_140 = arith.addf %get3A_135, %get3A_139 : vector<16xf32>
        %swap3A_141 = arith.index_cast %scan3A_105 : i32 to index
        %swap3A_142 = arith.constant 32 : index
        %swap3A_143 = tpu.vector_load %arg14[%swap3A_141, %swap3A_142] {strides = array<i32>} : memref<200x64xf32, #tpu.memory_space<vmem>>, vector<1x16xf32>,
        %swap3A_144 = vector.shape_cast %swap3A_143 : vector<1x16xf32> to vector<16xf32>
        %swap3A_145 = vector.shape_cast %add3A_140 : vector<16xf32> to vector<1x16xf32>
        tpu.vector_store %arg14[%swap3A_141, %swap3A_142], %swap3A_145 {strides = array<i32>} : memref<200x64xf32, #tpu.memory_space<vmem>>, vector<1x16xf32>,
        %get3A_146 = arith.index_cast %scan3A_105 : i32 to index
        %get3A_147 = arith.constant 48 : index
        %get3A_148 = tpu.vector_load %arg12[%get3A_146, %get3A_147] {strides = array<i32>} : memref<200x64xf32, #tpu.memory_space<vmem>>, vector<1x16xf32>,
        %get3A_149 = vector.shape_cast %get3A_148 : vector<1x16xf32> to vector<16xf32>
        %get3A_150 = arith.index_cast %scan3A_105 : i32 to index
        %get3A_151 = arith.constant 48 : index
        %get3A_152 = tpu.vector_load %arg13[%get3A_150, %get3A_151] {strides = array<i32>} : memref<200x64xf32, #tpu.memory_space<vmem>>, vector<1x16xf32>,
        %get3A_153 = vector.shape_cast %get3A_152 : vector<1x16xf32> to vector<16xf32>
        %add3A_154 = arith.addf %get3A_149, %get3A_153 : vector<16xf32>
        %swap3A_155 = arith.index_cast %scan3A_105 : i32 to index
        %swap3A_156 = arith.constant 48 : index
        %swap3A_157 = tpu.vector_load %arg14[%swap3A_155, %swap3A_156] {strides = array<i32>} : memref<200x64xf32, #tpu.memory_space<vmem>>, vector<1x16xf32>,
        %swap3A_158 = vector.shape_cast %swap3A_157 : vector<1x16xf32> to vector<16xf32>
        %swap3A_159 = vector.shape_cast %add3A_154 : vector<16xf32> to vector<1x16xf32>
        tpu.vector_store %arg14[%swap3A_155, %swap3A_156], %swap3A_159 {strides = array<i32>} : memref<200x64xf32, #tpu.memory_space<vmem>>, vector<1x16xf32>,
      }
      %scan3A_95 = arith.constant 200 : i32
      %lt3A_96 = arith.constant 10 : i32
      %lt3A_97 = arith.cmpi slt, %scan3A_42, %lt3A_96 : i32
      %convert_element_type3A_98 = arith.extui %lt3A_97 : i1 to i32
      %cond3A_99 = arith.constant 0 : i32
      %cond3A_100 = arith.cmpi ne, %convert_element_type3A_98, %cond3A_99 : i32
      scf.if %cond3A_100 {
        %add3A_105 = arith.constant 1 : i32
        %add3A_106 = arith.addi %scan3A_42, %add3A_105 : i32
        %mul3A_107 = arith.constant 200 : i32
        %mul3A_108 = arith.muli %add3A_106, %mul3A_107 : i32
        %add3A_109 = arith.constant 2200 : i32
        %add3A_110 = arith.addi %add3A_109, %mul3A_108 : i32
        %dma_start3A_111 = tpu.memref_slice %arg7[%add3A_110] : memref<4400xi32, #tpu.memory_space<vmem>> -> memref<200xi32, #tpu.memory_space<vmem>>
        %dma_start3A_112 = arith.constant 0 : i32
        %dma_start3A_113 = arith.constant 0 : i32
        %dma_start3A_114 = tpu.memref_slice %arg2[%dma_start3A_112, %dma_start3A_113] : memref<10000x64xf32, #tpu.memory_space<hbm>> -> memref<10000x64xf32, #tpu.memory_space<hbm>>
        tpu.enqueue_indirect_dma source(%dma_start3A_114 : memref<10000x64xf32, #tpu.memory_space<hbm>>) target(%arg12 : memref<200x64xf32, #tpu.memory_space<vmem>>) offsets(%dma_start3A_111 : memref<200xi32, #tpu.memory_space<vmem>>) semaphore(%arg16 : memref<!tpu.dma_semaphore, #tpu.memory_space<semaphore_mem>>)
        %dma_start3A_115 = tpu.memref_slice %arg8[%add3A_110] : memref<4400xi32, #tpu.memory_space<vmem>> -> memref<200xi32, #tpu.memory_space<vmem>>
        %dma_start3A_116 = arith.constant 0 : i32
        %dma_start3A_117 = arith.constant 0 : i32
        %dma_start3A_118 = tpu.memref_slice %arg3[%dma_start3A_116, %dma_start3A_117] : memref<10000x64xf32, #tpu.memory_space<hbm>> -> memref<10000x64xf32, #tpu.memory_space<hbm>>
        tpu.enqueue_indirect_dma source(%dma_start3A_118 : memref<10000x64xf32, #tpu.memory_space<hbm>>) target(%arg13 : memref<200x64xf32, #tpu.memory_space<vmem>>) offsets(%dma_start3A_115 : memref<200xi32, #tpu.memory_space<vmem>>) semaphore(%arg16 : memref<!tpu.dma_semaphore, #tpu.memory_space<semaphore_mem>>)
      } else {
      }
      %dma_start3A_101 = arith.constant 64 : i32
      %dma_start3A_102 = tpu.memref_slice %arg6[%add3A_74, %dma_start3A_101] : memref<70400x128xf32, #tpu.memory_space<hbm>> -> memref<200x64xf32, #tpu.memory_space<hbm>>
      %dma_start3A_103 = arith.constant 64 : i32
      %dma_start3A_104 = tpu.memref_slice %arg6[%add3A_74, %dma_start3A_103] : memref<70400x128xf32, #tpu.memory_space<hbm>> -> memref<200x64xf32, #tpu.memory_space<hbm>>
      tpu.enqueue_dma source(%arg14 : memref<200x64xf32, #tpu.memory_space<vmem>>) target(%dma_start3A_104 : memref<200x64xf32, #tpu.memory_space<hbm>>) target_semaphore(%arg18 : memref<!tpu.dma_semaphore, #tpu.memory_space<semaphore_mem>>)
    }
    %scan3A_30 = arith.constant 11 : i32
    %add3A_31 = arith.constant 2000 : i32
    %add3A_32 = arith.addi %mul3A_2, %add3A_31 : i32
    %dma_wait3A = arith.constant 0 : i32
    %dma_wait3A_33 = tpu.memref_slice %arg6[%add3A_32, %dma_wait3A] : memref<70400x128xf32, #tpu.memory_space<hbm>> -> memref<200x64xf32, #tpu.memory_space<hbm>>
    %dma_wait3A_34 = arith.constant 0 : i32
    %dma_wait3A_35 = tpu.memref_slice %arg6[%add3A_32, %dma_wait3A_34] : memref<70400x128xf32, #tpu.memory_space<hbm>> -> memref<200x64xf32, #tpu.memory_space<hbm>>
    tpu.wait_dma2 semaphore(%arg17 : memref<!tpu.dma_semaphore, #tpu.memory_space<semaphore_mem>>) src(%arg11 : memref<200x64xf32, #tpu.memory_space<vmem>>) dst(%dma_wait3A_35 : memref<200x64xf32, #tpu.memory_space<hbm>>)
    %add3A_36 = arith.constant 2000 : i32
    %add3A_37 = arith.addi %mul3A_2, %add3A_36 : i32
    %dma_wait3A_38 = arith.constant 64 : i32
    %dma_wait3A_39 = tpu.memref_slice %arg6[%add3A_37, %dma_wait3A_38] : memref<70400x128xf32, #tpu.memory_space<hbm>> -> memref<200x64xf32, #tpu.memory_space<hbm>>
    %dma_wait3A_40 = arith.constant 64 : i32
    %dma_wait3A_41 = tpu.memref_slice %arg6[%add3A_37, %dma_wait3A_40] : memref<70400x128xf32, #tpu.memory_space<hbm>> -> memref<200x64xf32, #tpu.memory_space<hbm>>
    tpu.wait_dma2 semaphore(%arg18 : memref<!tpu.dma_semaphore, #tpu.memory_space<semaphore_mem>>) src(%arg14 : memref<200x64xf32, #tpu.memory_space<vmem>>) dst(%dma_wait3A_41 : memref<200x64xf32, #tpu.memory_space<hbm>>)
    return
  }
}

#map = affine_map<(d0, d1) -> (0, 0)>
#map1 = affine_map<(d0, d1) -> (0)>
module attributes {stable_mosaic.version = 14 : i64} {
  func.func @_gather(%arg0: i32, %arg1: i32, %arg2: memref<10000x64xf32, #tpu.memory_space<hbm>>, %arg3: memref<10000x64xf32, #tpu.memory_space<hbm>>, %arg4: memref<89600xi32, #tpu.memory_space<hbm>>, %arg5: memref<89600xi32, #tpu.memory_space<hbm>>, %arg6: memref<44800x128xf32, #tpu.memory_space<hbm>>, %arg7: memref<2800xi32, #tpu.memory_space<vmem>>, %arg8: memref<2800xi32, #tpu.memory_space<vmem>>, %arg9: memref<200x64xf32, #tpu.memory_space<vmem>>, %arg10: memref<200x64xf32, #tpu.memory_space<vmem>>, %arg11: memref<200x64xf32, #tpu.memory_space<vmem>>, %arg12: memref<200x64xf32, #tpu.memory_space<vmem>>, %arg13: memref<200x64xf32, #tpu.memory_space<vmem>>, %arg14: memref<200x64xf32, #tpu.memory_space<vmem>>, %arg15: memref<!tpu.dma_semaphore, #tpu.memory_space<semaphore_mem>>, %arg16: memref<!tpu.dma_semaphore, #tpu.memory_space<semaphore_mem>>, %arg17: memref<!tpu.dma_semaphore, #tpu.memory_space<semaphore_mem>>, %arg18: memref<!tpu.dma_semaphore, #tpu.memory_space<semaphore_mem>>) attributes {dimension_semantics = [#tpu.dimension_semantics<core_parallel>, #tpu.dimension_semantics<subcore_parallel>], iteration_bounds = array<i64: 2, 16>, scalar_prefetch = 0 : i64, scratch_operands = 12 : i64, tpu.core_type = #tpu.core_type<sc_vector_subcore>, window_params = [{transform_indices = #map}, {transform_indices = #map}, {transform_indices = #map1}, {transform_indices = #map1}, {transform_indices = #map}]} {
    %mul3A = arith.constant 2 : i32
    %mul3A_0 = arith.muli %arg1, %mul3A : i32
    %add3A = arith.addi %mul3A_0, %arg0 : i32
    %mul3A_1 = arith.constant 1400 : i32
    %mul3A_2 = arith.muli %add3A, %mul3A_1 : i32
    "tpu.region"() ({
      %run_scoped3A = tpu.sem_alloc : memref<!tpu.dma_semaphore, #tpu.memory_space<semaphore_mem>>
      %dma_start3A_42 = arith.constant 0 : i32
      %dma_start3A_43 = tpu.memref_slice %arg7[%dma_start3A_42] : memref<2800xi32, #tpu.memory_space<vmem>> -> memref<1400xi32, #tpu.memory_space<vmem>>
      %dma_start3A_44 = tpu.memref_slice %arg4[%mul3A_2] : memref<89600xi32, #tpu.memory_space<hbm>> -> memref<1400xi32, #tpu.memory_space<hbm>>
      %dma_start3A_45 = arith.constant 0 : i32
      %dma_start3A_46 = tpu.memref_slice %arg7[%dma_start3A_45] : memref<2800xi32, #tpu.memory_space<vmem>> -> memref<1400xi32, #tpu.memory_space<vmem>>
      %dma_start3A_47 = tpu.memref_slice %arg4[%mul3A_2] : memref<89600xi32, #tpu.memory_space<hbm>> -> memref<1400xi32, #tpu.memory_space<hbm>>
      tpu.enqueue_dma source(%dma_start3A_47 : memref<1400xi32, #tpu.memory_space<hbm>>) target(%dma_start3A_46 : memref<1400xi32, #tpu.memory_space<vmem>>) target_semaphore(%run_scoped3A : memref<!tpu.dma_semaphore, #tpu.memory_space<semaphore_mem>>)
      %dma_wait3A_48 = arith.constant 0 : i32
      %dma_wait3A_49 = tpu.memref_slice %arg7[%dma_wait3A_48] : memref<2800xi32, #tpu.memory_space<vmem>> -> memref<1400xi32, #tpu.memory_space<vmem>>
      %dma_wait3A_50 = tpu.memref_slice %arg4[%mul3A_2] : memref<89600xi32, #tpu.memory_space<hbm>> -> memref<1400xi32, #tpu.memory_space<hbm>>
      %dma_wait3A_51 = arith.constant 0 : i32
      %dma_wait3A_52 = tpu.memref_slice %arg7[%dma_wait3A_51] : memref<2800xi32, #tpu.memory_space<vmem>> -> memref<1400xi32, #tpu.memory_space<vmem>>
      %dma_wait3A_53 = tpu.memref_slice %arg4[%mul3A_2] : memref<89600xi32, #tpu.memory_space<hbm>> -> memref<1400xi32, #tpu.memory_space<hbm>>
      tpu.wait_dma2 semaphore(%run_scoped3A : memref<!tpu.dma_semaphore, #tpu.memory_space<semaphore_mem>>) src(%dma_wait3A_53 : memref<1400xi32, #tpu.memory_space<hbm>>) dst(%dma_wait3A_52 : memref<1400xi32, #tpu.memory_space<vmem>>)
      tpu.yield
    }) : () -> ()
    %add3A_3 = arith.constant 44800 : i32
    %add3A_4 = arith.addi %add3A_3, %mul3A_2 : i32
    "tpu.region"() ({
      %run_scoped3A = tpu.sem_alloc : memref<!tpu.dma_semaphore, #tpu.memory_space<semaphore_mem>>
      %dma_start3A_42 = arith.constant 1400 : i32
      %dma_start3A_43 = tpu.memref_slice %arg7[%dma_start3A_42] : memref<2800xi32, #tpu.memory_space<vmem>> -> memref<1400xi32, #tpu.memory_space<vmem>>
      %dma_start3A_44 = tpu.memref_slice %arg4[%add3A_4] : memref<89600xi32, #tpu.memory_space<hbm>> -> memref<1400xi32, #tpu.memory_space<hbm>>
      %dma_start3A_45 = arith.constant 1400 : i32
      %dma_start3A_46 = tpu.memref_slice %arg7[%dma_start3A_45] : memref<2800xi32, #tpu.memory_space<vmem>> -> memref<1400xi32, #tpu.memory_space<vmem>>
      %dma_start3A_47 = tpu.memref_slice %arg4[%add3A_4] : memref<89600xi32, #tpu.memory_space<hbm>> -> memref<1400xi32, #tpu.memory_space<hbm>>
      tpu.enqueue_dma source(%dma_start3A_47 : memref<1400xi32, #tpu.memory_space<hbm>>) target(%dma_start3A_46 : memref<1400xi32, #tpu.memory_space<vmem>>) target_semaphore(%run_scoped3A : memref<!tpu.dma_semaphore, #tpu.memory_space<semaphore_mem>>)
      %dma_wait3A_48 = arith.constant 1400 : i32
      %dma_wait3A_49 = tpu.memref_slice %arg7[%dma_wait3A_48] : memref<2800xi32, #tpu.memory_space<vmem>> -> memref<1400xi32, #tpu.memory_space<vmem>>
      %dma_wait3A_50 = tpu.memref_slice %arg4[%add3A_4] : memref<89600xi32, #tpu.memory_space<hbm>> -> memref<1400xi32, #tpu.memory_space<hbm>>
      %dma_wait3A_51 = arith.constant 1400 : i32
      %dma_wait3A_52 = tpu.memref_slice %arg7[%dma_wait3A_51] : memref<2800xi32, #tpu.memory_space<vmem>> -> memref<1400xi32, #tpu.memory_space<vmem>>
      %dma_wait3A_53 = tpu.memref_slice %arg4[%add3A_4] : memref<89600xi32, #tpu.memory_space<hbm>> -> memref<1400xi32, #tpu.memory_space<hbm>>
      tpu.wait_dma2 semaphore(%run_scoped3A : memref<!tpu.dma_semaphore, #tpu.memory_space<semaphore_mem>>) src(%dma_wait3A_53 : memref<1400xi32, #tpu.memory_space<hbm>>) dst(%dma_wait3A_52 : memref<1400xi32, #tpu.memory_space<vmem>>)
      tpu.yield
    }) : () -> ()
    "tpu.region"() ({
      %run_scoped3A = tpu.sem_alloc : memref<!tpu.dma_semaphore, #tpu.memory_space<semaphore_mem>>
      %dma_start3A_42 = arith.constant 0 : i32
      %dma_start3A_43 = tpu.memref_slice %arg8[%dma_start3A_42] : memref<2800xi32, #tpu.memory_space<vmem>> -> memref<1400xi32, #tpu.memory_space<vmem>>
      %dma_start3A_44 = tpu.memref_slice %arg5[%mul3A_2] : memref<89600xi32, #tpu.memory_space<hbm>> -> memref<1400xi32, #tpu.memory_space<hbm>>
      %dma_start3A_45 = arith.constant 0 : i32
      %dma_start3A_46 = tpu.memref_slice %arg8[%dma_start3A_45] : memref<2800xi32, #tpu.memory_space<vmem>> -> memref<1400xi32, #tpu.memory_space<vmem>>
      %dma_start3A_47 = tpu.memref_slice %arg5[%mul3A_2] : memref<89600xi32, #tpu.memory_space<hbm>> -> memref<1400xi32, #tpu.memory_space<hbm>>
      tpu.enqueue_dma source(%dma_start3A_47 : memref<1400xi32, #tpu.memory_space<hbm>>) target(%dma_start3A_46 : memref<1400xi32, #tpu.memory_space<vmem>>) target_semaphore(%run_scoped3A : memref<!tpu.dma_semaphore, #tpu.memory_space<semaphore_mem>>)
      %dma_wait3A_48 = arith.constant 0 : i32
      %dma_wait3A_49 = tpu.memref_slice %arg8[%dma_wait3A_48] : memref<2800xi32, #tpu.memory_space<vmem>> -> memref<1400xi32, #tpu.memory_space<vmem>>
      %dma_wait3A_50 = tpu.memref_slice %arg5[%mul3A_2] : memref<89600xi32, #tpu.memory_space<hbm>> -> memref<1400xi32, #tpu.memory_space<hbm>>
      %dma_wait3A_51 = arith.constant 0 : i32
      %dma_wait3A_52 = tpu.memref_slice %arg8[%dma_wait3A_51] : memref<2800xi32, #tpu.memory_space<vmem>> -> memref<1400xi32, #tpu.memory_space<vmem>>
      %dma_wait3A_53 = tpu.memref_slice %arg5[%mul3A_2] : memref<89600xi32, #tpu.memory_space<hbm>> -> memref<1400xi32, #tpu.memory_space<hbm>>
      tpu.wait_dma2 semaphore(%run_scoped3A : memref<!tpu.dma_semaphore, #tpu.memory_space<semaphore_mem>>) src(%dma_wait3A_53 : memref<1400xi32, #tpu.memory_space<hbm>>) dst(%dma_wait3A_52 : memref<1400xi32, #tpu.memory_space<vmem>>)
      tpu.yield
    }) : () -> ()
    %add3A_5 = arith.constant 44800 : i32
    %add3A_6 = arith.addi %add3A_5, %mul3A_2 : i32
    "tpu.region"() ({
      %run_scoped3A = tpu.sem_alloc : memref<!tpu.dma_semaphore, #tpu.memory_space<semaphore_mem>>
      %dma_start3A_42 = arith.constant 1400 : i32
      %dma_start3A_43 = tpu.memref_slice %arg8[%dma_start3A_42] : memref<2800xi32, #tpu.memory_space<vmem>> -> memref<1400xi32, #tpu.memory_space<vmem>>
      %dma_start3A_44 = tpu.memref_slice %arg5[%add3A_6] : memref<89600xi32, #tpu.memory_space<hbm>> -> memref<1400xi32, #tpu.memory_space<hbm>>
      %dma_start3A_45 = arith.constant 1400 : i32
      %dma_start3A_46 = tpu.memref_slice %arg8[%dma_start3A_45] : memref<2800xi32, #tpu.memory_space<vmem>> -> memref<1400xi32, #tpu.memory_space<vmem>>
      %dma_start3A_47 = tpu.memref_slice %arg5[%add3A_6] : memref<89600xi32, #tpu.memory_space<hbm>> -> memref<1400xi32, #tpu.memory_space<hbm>>
      tpu.enqueue_dma source(%dma_start3A_47 : memref<1400xi32, #tpu.memory_space<hbm>>) target(%dma_start3A_46 : memref<1400xi32, #tpu.memory_space<vmem>>) target_semaphore(%run_scoped3A : memref<!tpu.dma_semaphore, #tpu.memory_space<semaphore_mem>>)
      %dma_wait3A_48 = arith.constant 1400 : i32
      %dma_wait3A_49 = tpu.memref_slice %arg8[%dma_wait3A_48] : memref<2800xi32, #tpu.memory_space<vmem>> -> memref<1400xi32, #tpu.memory_space<vmem>>
      %dma_wait3A_50 = tpu.memref_slice %arg5[%add3A_6] : memref<89600xi32, #tpu.memory_space<hbm>> -> memref<1400xi32, #tpu.memory_space<hbm>>
      %dma_wait3A_51 = arith.constant 1400 : i32
      %dma_wait3A_52 = tpu.memref_slice %arg8[%dma_wait3A_51] : memref<2800xi32, #tpu.memory_space<vmem>> -> memref<1400xi32, #tpu.memory_space<vmem>>
      %dma_wait3A_53 = tpu.memref_slice %arg5[%add3A_6] : memref<89600xi32, #tpu.memory_space<hbm>> -> memref<1400xi32, #tpu.memory_space<hbm>>
      tpu.wait_dma2 semaphore(%run_scoped3A : memref<!tpu.dma_semaphore, #tpu.memory_space<semaphore_mem>>) src(%dma_wait3A_53 : memref<1400xi32, #tpu.memory_space<hbm>>) dst(%dma_wait3A_52 : memref<1400xi32, #tpu.memory_space<vmem>>)
      tpu.yield
    }) : () -> ()
    %dma_start3A = arith.constant 0 : i32
    %dma_start3A_7 = tpu.memref_slice %arg7[%dma_start3A] : memref<2800xi32, #tpu.memory_space<vmem>> -> memref<200xi32, #tpu.memory_space<vmem>>
    %dma_start3A_8 = arith.constant 0 : i32
    %dma_start3A_9 = arith.constant 0 : i32
    %dma_start3A_10 = tpu.memref_slice %arg2[%dma_start3A_8, %dma_start3A_9] : memref<10000x64xf32, #tpu.memory_space<hbm>> -> memref<10000x64xf32, #tpu.memory_space<hbm>>
    tpu.enqueue_indirect_dma source(%dma_start3A_10 : memref<10000x64xf32, #tpu.memory_space<hbm>>) target(%arg9 : memref<200x64xf32, #tpu.memory_space<vmem>>) offsets(%dma_start3A_7 : memref<200xi32, #tpu.memory_space<vmem>>) semaphore(%arg15 : memref<!tpu.dma_semaphore, #tpu.memory_space<semaphore_mem>>)
    %dma_start3A_11 = arith.constant 0 : i32
    %dma_start3A_12 = tpu.memref_slice %arg8[%dma_start3A_11] : memref<2800xi32, #tpu.memory_space<vmem>> -> memref<200xi32, #tpu.memory_space<vmem>>
    %dma_start3A_13 = arith.constant 0 : i32
    %dma_start3A_14 = arith.constant 0 : i32
    %dma_start3A_15 = tpu.memref_slice %arg3[%dma_start3A_13, %dma_start3A_14] : memref<10000x64xf32, #tpu.memory_space<hbm>> -> memref<10000x64xf32, #tpu.memory_space<hbm>>
    tpu.enqueue_indirect_dma source(%dma_start3A_15 : memref<10000x64xf32, #tpu.memory_space<hbm>>) target(%arg10 : memref<200x64xf32, #tpu.memory_space<vmem>>) offsets(%dma_start3A_12 : memref<200xi32, #tpu.memory_space<vmem>>) semaphore(%arg15 : memref<!tpu.dma_semaphore, #tpu.memory_space<semaphore_mem>>)
    %dma_start3A_16 = arith.constant 1400 : i32
    %dma_start3A_17 = tpu.memref_slice %arg7[%dma_start3A_16] : memref<2800xi32, #tpu.memory_space<vmem>> -> memref<200xi32, #tpu.memory_space<vmem>>
    %dma_start3A_18 = arith.constant 0 : i32
    %dma_start3A_19 = arith.constant 0 : i32
    %dma_start3A_20 = tpu.memref_slice %arg2[%dma_start3A_18, %dma_start3A_19] : memref<10000x64xf32, #tpu.memory_space<hbm>> -> memref<10000x64xf32, #tpu.memory_space<hbm>>
    tpu.enqueue_indirect_dma source(%dma_start3A_20 : memref<10000x64xf32, #tpu.memory_space<hbm>>) target(%arg12 : memref<200x64xf32, #tpu.memory_space<vmem>>) offsets(%dma_start3A_17 : memref<200xi32, #tpu.memory_space<vmem>>) semaphore(%arg16 : memref<!tpu.dma_semaphore, #tpu.memory_space<semaphore_mem>>)
    %dma_start3A_21 = arith.constant 1400 : i32
    %dma_start3A_22 = tpu.memref_slice %arg8[%dma_start3A_21] : memref<2800xi32, #tpu.memory_space<vmem>> -> memref<200xi32, #tpu.memory_space<vmem>>
    %dma_start3A_23 = arith.constant 0 : i32
    %dma_start3A_24 = arith.constant 0 : i32
    %dma_start3A_25 = tpu.memref_slice %arg3[%dma_start3A_23, %dma_start3A_24] : memref<10000x64xf32, #tpu.memory_space<hbm>> -> memref<10000x64xf32, #tpu.memory_space<hbm>>
    tpu.enqueue_indirect_dma source(%dma_start3A_25 : memref<10000x64xf32, #tpu.memory_space<hbm>>) target(%arg13 : memref<200x64xf32, #tpu.memory_space<vmem>>) offsets(%dma_start3A_22 : memref<200xi32, #tpu.memory_space<vmem>>) semaphore(%arg16 : memref<!tpu.dma_semaphore, #tpu.memory_space<semaphore_mem>>)
    %scan3A = arith.constant 0 : i32
    %scan3A_26 = arith.constant 0 : i32
    %scan3A_27 = arith.constant 7 : i32
    %scan3A_28 = arith.addi %scan3A_26, %scan3A_27 : i32
    %scan3A_29 = arith.constant 1 : i32
    scf.for %scan3A_42 = %scan3A_26 to %scan3A_28 step %scan3A_29  : i32 {
      %mul3A_43 = arith.constant 200 : i32
      %mul3A_44 = arith.muli %scan3A_42, %mul3A_43 : i32
      %add3A_45 = arith.addi %mul3A_2, %mul3A_44 : i32
      %dma_wait3A_46 = arith.constant 0 : i32
      %dma_wait3A_47 = tpu.memref_slice %arg7[%dma_wait3A_46] : memref<2800xi32, #tpu.memory_space<vmem>> -> memref<200xi32, #tpu.memory_space<vmem>>
      %dma_wait3A_48 = arith.constant 0 : i32
      %dma_wait3A_49 = arith.constant 0 : i32
      %dma_wait3A_50 = tpu.memref_slice %arg2[%dma_wait3A_48, %dma_wait3A_49] : memref<10000x64xf32, #tpu.memory_space<hbm>> -> memref<10000x64xf32, #tpu.memory_space<hbm>>
      tpu.wait_indirect_dma semaphore(%arg15 : memref<!tpu.dma_semaphore, #tpu.memory_space<semaphore_mem>>) src(%dma_wait3A_50 : memref<10000x64xf32, #tpu.memory_space<hbm>>) dst(%arg9 : memref<200x64xf32, #tpu.memory_space<vmem>>)
      %dma_wait3A_51 = arith.constant 0 : i32
      %dma_wait3A_52 = tpu.memref_slice %arg8[%dma_wait3A_51] : memref<2800xi32, #tpu.memory_space<vmem>> -> memref<200xi32, #tpu.memory_space<vmem>>
      %dma_wait3A_53 = arith.constant 0 : i32
      %dma_wait3A_54 = arith.constant 0 : i32
      %dma_wait3A_55 = tpu.memref_slice %arg3[%dma_wait3A_53, %dma_wait3A_54] : memref<10000x64xf32, #tpu.memory_space<hbm>> -> memref<10000x64xf32, #tpu.memory_space<hbm>>
      tpu.wait_indirect_dma semaphore(%arg15 : memref<!tpu.dma_semaphore, #tpu.memory_space<semaphore_mem>>) src(%dma_wait3A_55 : memref<10000x64xf32, #tpu.memory_space<hbm>>) dst(%arg10 : memref<200x64xf32, #tpu.memory_space<vmem>>)
      %ge3A = arith.constant 1 : i32
      %ge3A_56 = arith.cmpi sge, %scan3A_42, %ge3A : i32
      %convert_element_type3A = arith.extui %ge3A_56 : i1 to i32
      %cond3A = arith.constant 0 : i32
      %cond3A_57 = arith.cmpi ne, %convert_element_type3A, %cond3A : i32
      scf.if %cond3A_57 {
        %sub3A = arith.constant 200 : i32
        %sub3A_105 = arith.subi %add3A_45, %sub3A : i32
        %dma_wait3A_106 = arith.constant 0 : i32
        %dma_wait3A_107 = tpu.memref_slice %arg6[%sub3A_105, %dma_wait3A_106] : memref<44800x128xf32, #tpu.memory_space<hbm>> -> memref<200x64xf32, #tpu.memory_space<hbm>>
        %dma_wait3A_108 = arith.constant 0 : i32
        %dma_wait3A_109 = tpu.memref_slice %arg6[%sub3A_105, %dma_wait3A_108] : memref<44800x128xf32, #tpu.memory_space<hbm>> -> memref<200x64xf32, #tpu.memory_space<hbm>>
        tpu.wait_dma2 semaphore(%arg17 : memref<!tpu.dma_semaphore, #tpu.memory_space<semaphore_mem>>) src(%arg11 : memref<200x64xf32, #tpu.memory_space<vmem>>) dst(%dma_wait3A_109 : memref<200x64xf32, #tpu.memory_space<hbm>>)
      } else {
      }
      %scan3A_58 = arith.constant 0 : i32
      %scan3A_59 = arith.constant 0 : i32
      %scan3A_60 = arith.constant 200 : i32
      %scan3A_61 = arith.addi %scan3A_59, %scan3A_60 : i32
      %scan3A_62 = arith.constant 1 : i32
      scf.for %scan3A_105 = %scan3A_59 to %scan3A_61 step %scan3A_62  : i32 {
        %get3A = arith.index_cast %scan3A_105 : i32 to index
        %get3A_106 = arith.constant 0 : index
        %get3A_107 = tpu.vector_load %arg9[%get3A, %get3A_106] {strides = array<i32>} : memref<200x64xf32, #tpu.memory_space<vmem>>, vector<1x16xf32>,
        %get3A_108 = vector.shape_cast %get3A_107 : vector<1x16xf32> to vector<16xf32>
        %get3A_109 = arith.index_cast %scan3A_105 : i32 to index
        %get3A_110 = arith.constant 0 : index
        %get3A_111 = tpu.vector_load %arg10[%get3A_109, %get3A_110] {strides = array<i32>} : memref<200x64xf32, #tpu.memory_space<vmem>>, vector<1x16xf32>,
        %get3A_112 = vector.shape_cast %get3A_111 : vector<1x16xf32> to vector<16xf32>
        %add3A_113 = arith.addf %get3A_108, %get3A_112 : vector<16xf32>
        %swap3A = arith.index_cast %scan3A_105 : i32 to index
        %swap3A_114 = arith.constant 0 : index
        %swap3A_115 = tpu.vector_load %arg11[%swap3A, %swap3A_114] {strides = array<i32>} : memref<200x64xf32, #tpu.memory_space<vmem>>, vector<1x16xf32>,
        %swap3A_116 = vector.shape_cast %swap3A_115 : vector<1x16xf32> to vector<16xf32>
        %swap3A_117 = vector.shape_cast %add3A_113 : vector<16xf32> to vector<1x16xf32>
        tpu.vector_store %arg11[%swap3A, %swap3A_114], %swap3A_117 {strides = array<i32>} : memref<200x64xf32, #tpu.memory_space<vmem>>, vector<1x16xf32>,
        %get3A_118 = arith.index_cast %scan3A_105 : i32 to index
        %get3A_119 = arith.constant 16 : index
        %get3A_120 = tpu.vector_load %arg9[%get3A_118, %get3A_119] {strides = array<i32>} : memref<200x64xf32, #tpu.memory_space<vmem>>, vector<1x16xf32>,
        %get3A_121 = vector.shape_cast %get3A_120 : vector<1x16xf32> to vector<16xf32>
        %get3A_122 = arith.index_cast %scan3A_105 : i32 to index
        %get3A_123 = arith.constant 16 : index
        %get3A_124 = tpu.vector_load %arg10[%get3A_122, %get3A_123] {strides = array<i32>} : memref<200x64xf32, #tpu.memory_space<vmem>>, vector<1x16xf32>,
        %get3A_125 = vector.shape_cast %get3A_124 : vector<1x16xf32> to vector<16xf32>
        %add3A_126 = arith.addf %get3A_121, %get3A_125 : vector<16xf32>
        %swap3A_127 = arith.index_cast %scan3A_105 : i32 to index
        %swap3A_128 = arith.constant 16 : index
        %swap3A_129 = tpu.vector_load %arg11[%swap3A_127, %swap3A_128] {strides = array<i32>} : memref<200x64xf32, #tpu.memory_space<vmem>>, vector<1x16xf32>,
        %swap3A_130 = vector.shape_cast %swap3A_129 : vector<1x16xf32> to vector<16xf32>
        %swap3A_131 = vector.shape_cast %add3A_126 : vector<16xf32> to vector<1x16xf32>
        tpu.vector_store %arg11[%swap3A_127, %swap3A_128], %swap3A_131 {strides = array<i32>} : memref<200x64xf32, #tpu.memory_space<vmem>>, vector<1x16xf32>,
        %get3A_132 = arith.index_cast %scan3A_105 : i32 to index
        %get3A_133 = arith.constant 32 : index
        %get3A_134 = tpu.vector_load %arg9[%get3A_132, %get3A_133] {strides = array<i32>} : memref<200x64xf32, #tpu.memory_space<vmem>>, vector<1x16xf32>,
        %get3A_135 = vector.shape_cast %get3A_134 : vector<1x16xf32> to vector<16xf32>
        %get3A_136 = arith.index_cast %scan3A_105 : i32 to index
        %get3A_137 = arith.constant 32 : index
        %get3A_138 = tpu.vector_load %arg10[%get3A_136, %get3A_137] {strides = array<i32>} : memref<200x64xf32, #tpu.memory_space<vmem>>, vector<1x16xf32>,
        %get3A_139 = vector.shape_cast %get3A_138 : vector<1x16xf32> to vector<16xf32>
        %add3A_140 = arith.addf %get3A_135, %get3A_139 : vector<16xf32>
        %swap3A_141 = arith.index_cast %scan3A_105 : i32 to index
        %swap3A_142 = arith.constant 32 : index
        %swap3A_143 = tpu.vector_load %arg11[%swap3A_141, %swap3A_142] {strides = array<i32>} : memref<200x64xf32, #tpu.memory_space<vmem>>, vector<1x16xf32>,
        %swap3A_144 = vector.shape_cast %swap3A_143 : vector<1x16xf32> to vector<16xf32>
        %swap3A_145 = vector.shape_cast %add3A_140 : vector<16xf32> to vector<1x16xf32>
        tpu.vector_store %arg11[%swap3A_141, %swap3A_142], %swap3A_145 {strides = array<i32>} : memref<200x64xf32, #tpu.memory_space<vmem>>, vector<1x16xf32>,
        %get3A_146 = arith.index_cast %scan3A_105 : i32 to index
        %get3A_147 = arith.constant 48 : index
        %get3A_148 = tpu.vector_load %arg9[%get3A_146, %get3A_147] {strides = array<i32>} : memref<200x64xf32, #tpu.memory_space<vmem>>, vector<1x16xf32>,
        %get3A_149 = vector.shape_cast %get3A_148 : vector<1x16xf32> to vector<16xf32>
        %get3A_150 = arith.index_cast %scan3A_105 : i32 to index
        %get3A_151 = arith.constant 48 : index
        %get3A_152 = tpu.vector_load %arg10[%get3A_150, %get3A_151] {strides = array<i32>} : memref<200x64xf32, #tpu.memory_space<vmem>>, vector<1x16xf32>,
        %get3A_153 = vector.shape_cast %get3A_152 : vector<1x16xf32> to vector<16xf32>
        %add3A_154 = arith.addf %get3A_149, %get3A_153 : vector<16xf32>
        %swap3A_155 = arith.index_cast %scan3A_105 : i32 to index
        %swap3A_156 = arith.constant 48 : index
        %swap3A_157 = tpu.vector_load %arg11[%swap3A_155, %swap3A_156] {strides = array<i32>} : memref<200x64xf32, #tpu.memory_space<vmem>>, vector<1x16xf32>,
        %swap3A_158 = vector.shape_cast %swap3A_157 : vector<1x16xf32> to vector<16xf32>
        %swap3A_159 = vector.shape_cast %add3A_154 : vector<16xf32> to vector<1x16xf32>
        tpu.vector_store %arg11[%swap3A_155, %swap3A_156], %swap3A_159 {strides = array<i32>} : memref<200x64xf32, #tpu.memory_space<vmem>>, vector<1x16xf32>,
      }
      %scan3A_63 = arith.constant 200 : i32
      %lt3A = arith.constant 6 : i32
      %lt3A_64 = arith.cmpi slt, %scan3A_42, %lt3A : i32
      %convert_element_type3A_65 = arith.extui %lt3A_64 : i1 to i32
      %cond3A_66 = arith.constant 0 : i32
      %cond3A_67 = arith.cmpi ne, %convert_element_type3A_65, %cond3A_66 : i32
      scf.if %cond3A_67 {
        %add3A_105 = arith.constant 1 : i32
        %add3A_106 = arith.addi %scan3A_42, %add3A_105 : i32
        %mul3A_107 = arith.constant 200 : i32
        %mul3A_108 = arith.muli %add3A_106, %mul3A_107 : i32
        %add3A_109 = arith.constant 0 : i32
        %add3A_110 = arith.addi %add3A_109, %mul3A_108 : i32
        %dma_start3A_111 = tpu.memref_slice %arg7[%add3A_110] : memref<2800xi32, #tpu.memory_space<vmem>> -> memref<200xi32, #tpu.memory_space<vmem>>
        %dma_start3A_112 = arith.constant 0 : i32
        %dma_start3A_113 = arith.constant 0 : i32
        %dma_start3A_114 = tpu.memref_slice %arg2[%dma_start3A_112, %dma_start3A_113] : memref<10000x64xf32, #tpu.memory_space<hbm>> -> memref<10000x64xf32, #tpu.memory_space<hbm>>
        tpu.enqueue_indirect_dma source(%dma_start3A_114 : memref<10000x64xf32, #tpu.memory_space<hbm>>) target(%arg9 : memref<200x64xf32, #tpu.memory_space<vmem>>) offsets(%dma_start3A_111 : memref<200xi32, #tpu.memory_space<vmem>>) semaphore(%arg15 : memref<!tpu.dma_semaphore, #tpu.memory_space<semaphore_mem>>)
        %dma_start3A_115 = tpu.memref_slice %arg8[%add3A_110] : memref<2800xi32, #tpu.memory_space<vmem>> -> memref<200xi32, #tpu.memory_space<vmem>>
        %dma_start3A_116 = arith.constant 0 : i32
        %dma_start3A_117 = arith.constant 0 : i32
        %dma_start3A_118 = tpu.memref_slice %arg3[%dma_start3A_116, %dma_start3A_117] : memref<10000x64xf32, #tpu.memory_space<hbm>> -> memref<10000x64xf32, #tpu.memory_space<hbm>>
        tpu.enqueue_indirect_dma source(%dma_start3A_118 : memref<10000x64xf32, #tpu.memory_space<hbm>>) target(%arg10 : memref<200x64xf32, #tpu.memory_space<vmem>>) offsets(%dma_start3A_115 : memref<200xi32, #tpu.memory_space<vmem>>) semaphore(%arg15 : memref<!tpu.dma_semaphore, #tpu.memory_space<semaphore_mem>>)
      } else {
      }
      %dma_start3A_68 = arith.constant 0 : i32
      %dma_start3A_69 = tpu.memref_slice %arg6[%add3A_45, %dma_start3A_68] : memref<44800x128xf32, #tpu.memory_space<hbm>> -> memref<200x64xf32, #tpu.memory_space<hbm>>
      %dma_start3A_70 = arith.constant 0 : i32
      %dma_start3A_71 = tpu.memref_slice %arg6[%add3A_45, %dma_start3A_70] : memref<44800x128xf32, #tpu.memory_space<hbm>> -> memref<200x64xf32, #tpu.memory_space<hbm>>
      tpu.enqueue_dma source(%arg11 : memref<200x64xf32, #tpu.memory_space<vmem>>) target(%dma_start3A_71 : memref<200x64xf32, #tpu.memory_space<hbm>>) target_semaphore(%arg17 : memref<!tpu.dma_semaphore, #tpu.memory_space<semaphore_mem>>)
      %mul3A_72 = arith.constant 200 : i32
      %mul3A_73 = arith.muli %scan3A_42, %mul3A_72 : i32
      %add3A_74 = arith.addi %mul3A_2, %mul3A_73 : i32
      %dma_wait3A_75 = arith.constant 0 : i32
      %dma_wait3A_76 = tpu.memref_slice %arg7[%dma_wait3A_75] : memref<2800xi32, #tpu.memory_space<vmem>> -> memref<200xi32, #tpu.memory_space<vmem>>
      %dma_wait3A_77 = arith.constant 0 : i32
      %dma_wait3A_78 = arith.constant 0 : i32
      %dma_wait3A_79 = tpu.memref_slice %arg2[%dma_wait3A_77, %dma_wait3A_78] : memref<10000x64xf32, #tpu.memory_space<hbm>> -> memref<10000x64xf32, #tpu.memory_space<hbm>>
      tpu.wait_indirect_dma semaphore(%arg16 : memref<!tpu.dma_semaphore, #tpu.memory_space<semaphore_mem>>) src(%dma_wait3A_79 : memref<10000x64xf32, #tpu.memory_space<hbm>>) dst(%arg12 : memref<200x64xf32, #tpu.memory_space<vmem>>)
      %dma_wait3A_80 = arith.constant 0 : i32
      %dma_wait3A_81 = tpu.memref_slice %arg8[%dma_wait3A_80] : memref<2800xi32, #tpu.memory_space<vmem>> -> memref<200xi32, #tpu.memory_space<vmem>>
      %dma_wait3A_82 = arith.constant 0 : i32
      %dma_wait3A_83 = arith.constant 0 : i32
      %dma_wait3A_84 = tpu.memref_slice %arg3[%dma_wait3A_82, %dma_wait3A_83] : memref<10000x64xf32, #tpu.memory_space<hbm>> -> memref<10000x64xf32, #tpu.memory_space<hbm>>
      tpu.wait_indirect_dma semaphore(%arg16 : memref<!tpu.dma_semaphore, #tpu.memory_space<semaphore_mem>>) src(%dma_wait3A_84 : memref<10000x64xf32, #tpu.memory_space<hbm>>) dst(%arg13 : memref<200x64xf32, #tpu.memory_space<vmem>>)
      %ge3A_85 = arith.constant 1 : i32
      %ge3A_86 = arith.cmpi sge, %scan3A_42, %ge3A_85 : i32
      %convert_element_type3A_87 = arith.extui %ge3A_86 : i1 to i32
      %cond3A_88 = arith.constant 0 : i32
      %cond3A_89 = arith.cmpi ne, %convert_element_type3A_87, %cond3A_88 : i32
      scf.if %cond3A_89 {
        %sub3A = arith.constant 200 : i32
        %sub3A_105 = arith.subi %add3A_74, %sub3A : i32
        %dma_wait3A_106 = arith.constant 64 : i32
        %dma_wait3A_107 = tpu.memref_slice %arg6[%sub3A_105, %dma_wait3A_106] : memref<44800x128xf32, #tpu.memory_space<hbm>> -> memref<200x64xf32, #tpu.memory_space<hbm>>
        %dma_wait3A_108 = arith.constant 64 : i32
        %dma_wait3A_109 = tpu.memref_slice %arg6[%sub3A_105, %dma_wait3A_108] : memref<44800x128xf32, #tpu.memory_space<hbm>> -> memref<200x64xf32, #tpu.memory_space<hbm>>
        tpu.wait_dma2 semaphore(%arg18 : memref<!tpu.dma_semaphore, #tpu.memory_space<semaphore_mem>>) src(%arg14 : memref<200x64xf32, #tpu.memory_space<vmem>>) dst(%dma_wait3A_109 : memref<200x64xf32, #tpu.memory_space<hbm>>)
      } else {
      }
      %scan3A_90 = arith.constant 0 : i32
      %scan3A_91 = arith.constant 0 : i32
      %scan3A_92 = arith.constant 200 : i32
      %scan3A_93 = arith.addi %scan3A_91, %scan3A_92 : i32
      %scan3A_94 = arith.constant 1 : i32
      scf.for %scan3A_105 = %scan3A_91 to %scan3A_93 step %scan3A_94  : i32 {
        %get3A = arith.index_cast %scan3A_105 : i32 to index
        %get3A_106 = arith.constant 0 : index
        %get3A_107 = tpu.vector_load %arg12[%get3A, %get3A_106] {strides = array<i32>} : memref<200x64xf32, #tpu.memory_space<vmem>>, vector<1x16xf32>,
        %get3A_108 = vector.shape_cast %get3A_107 : vector<1x16xf32> to vector<16xf32>
        %get3A_109 = arith.index_cast %scan3A_105 : i32 to index
        %get3A_110 = arith.constant 0 : index
        %get3A_111 = tpu.vector_load %arg13[%get3A_109, %get3A_110] {strides = array<i32>} : memref<200x64xf32, #tpu.memory_space<vmem>>, vector<1x16xf32>,
        %get3A_112 = vector.shape_cast %get3A_111 : vector<1x16xf32> to vector<16xf32>
        %add3A_113 = arith.addf %get3A_108, %get3A_112 : vector<16xf32>
        %swap3A = arith.index_cast %scan3A_105 : i32 to index
        %swap3A_114 = arith.constant 0 : index
        %swap3A_115 = tpu.vector_load %arg14[%swap3A, %swap3A_114] {strides = array<i32>} : memref<200x64xf32, #tpu.memory_space<vmem>>, vector<1x16xf32>,
        %swap3A_116 = vector.shape_cast %swap3A_115 : vector<1x16xf32> to vector<16xf32>
        %swap3A_117 = vector.shape_cast %add3A_113 : vector<16xf32> to vector<1x16xf32>
        tpu.vector_store %arg14[%swap3A, %swap3A_114], %swap3A_117 {strides = array<i32>} : memref<200x64xf32, #tpu.memory_space<vmem>>, vector<1x16xf32>,
        %get3A_118 = arith.index_cast %scan3A_105 : i32 to index
        %get3A_119 = arith.constant 16 : index
        %get3A_120 = tpu.vector_load %arg12[%get3A_118, %get3A_119] {strides = array<i32>} : memref<200x64xf32, #tpu.memory_space<vmem>>, vector<1x16xf32>,
        %get3A_121 = vector.shape_cast %get3A_120 : vector<1x16xf32> to vector<16xf32>
        %get3A_122 = arith.index_cast %scan3A_105 : i32 to index
        %get3A_123 = arith.constant 16 : index
        %get3A_124 = tpu.vector_load %arg13[%get3A_122, %get3A_123] {strides = array<i32>} : memref<200x64xf32, #tpu.memory_space<vmem>>, vector<1x16xf32>,
        %get3A_125 = vector.shape_cast %get3A_124 : vector<1x16xf32> to vector<16xf32>
        %add3A_126 = arith.addf %get3A_121, %get3A_125 : vector<16xf32>
        %swap3A_127 = arith.index_cast %scan3A_105 : i32 to index
        %swap3A_128 = arith.constant 16 : index
        %swap3A_129 = tpu.vector_load %arg14[%swap3A_127, %swap3A_128] {strides = array<i32>} : memref<200x64xf32, #tpu.memory_space<vmem>>, vector<1x16xf32>,
        %swap3A_130 = vector.shape_cast %swap3A_129 : vector<1x16xf32> to vector<16xf32>
        %swap3A_131 = vector.shape_cast %add3A_126 : vector<16xf32> to vector<1x16xf32>
        tpu.vector_store %arg14[%swap3A_127, %swap3A_128], %swap3A_131 {strides = array<i32>} : memref<200x64xf32, #tpu.memory_space<vmem>>, vector<1x16xf32>,
        %get3A_132 = arith.index_cast %scan3A_105 : i32 to index
        %get3A_133 = arith.constant 32 : index
        %get3A_134 = tpu.vector_load %arg12[%get3A_132, %get3A_133] {strides = array<i32>} : memref<200x64xf32, #tpu.memory_space<vmem>>, vector<1x16xf32>,
        %get3A_135 = vector.shape_cast %get3A_134 : vector<1x16xf32> to vector<16xf32>
        %get3A_136 = arith.index_cast %scan3A_105 : i32 to index
        %get3A_137 = arith.constant 32 : index
        %get3A_138 = tpu.vector_load %arg13[%get3A_136, %get3A_137] {strides = array<i32>} : memref<200x64xf32, #tpu.memory_space<vmem>>, vector<1x16xf32>,
        %get3A_139 = vector.shape_cast %get3A_138 : vector<1x16xf32> to vector<16xf32>
        %add3A_140 = arith.addf %get3A_135, %get3A_139 : vector<16xf32>
        %swap3A_141 = arith.index_cast %scan3A_105 : i32 to index
        %swap3A_142 = arith.constant 32 : index
        %swap3A_143 = tpu.vector_load %arg14[%swap3A_141, %swap3A_142] {strides = array<i32>} : memref<200x64xf32, #tpu.memory_space<vmem>>, vector<1x16xf32>,
        %swap3A_144 = vector.shape_cast %swap3A_143 : vector<1x16xf32> to vector<16xf32>
        %swap3A_145 = vector.shape_cast %add3A_140 : vector<16xf32> to vector<1x16xf32>
        tpu.vector_store %arg14[%swap3A_141, %swap3A_142], %swap3A_145 {strides = array<i32>} : memref<200x64xf32, #tpu.memory_space<vmem>>, vector<1x16xf32>,
        %get3A_146 = arith.index_cast %scan3A_105 : i32 to index
        %get3A_147 = arith.constant 48 : index
        %get3A_148 = tpu.vector_load %arg12[%get3A_146, %get3A_147] {strides = array<i32>} : memref<200x64xf32, #tpu.memory_space<vmem>>, vector<1x16xf32>,
        %get3A_149 = vector.shape_cast %get3A_148 : vector<1x16xf32> to vector<16xf32>
        %get3A_150 = arith.index_cast %scan3A_105 : i32 to index
        %get3A_151 = arith.constant 48 : index
        %get3A_152 = tpu.vector_load %arg13[%get3A_150, %get3A_151] {strides = array<i32>} : memref<200x64xf32, #tpu.memory_space<vmem>>, vector<1x16xf32>,
        %get3A_153 = vector.shape_cast %get3A_152 : vector<1x16xf32> to vector<16xf32>
        %add3A_154 = arith.addf %get3A_149, %get3A_153 : vector<16xf32>
        %swap3A_155 = arith.index_cast %scan3A_105 : i32 to index
        %swap3A_156 = arith.constant 48 : index
        %swap3A_157 = tpu.vector_load %arg14[%swap3A_155, %swap3A_156] {strides = array<i32>} : memref<200x64xf32, #tpu.memory_space<vmem>>, vector<1x16xf32>,
        %swap3A_158 = vector.shape_cast %swap3A_157 : vector<1x16xf32> to vector<16xf32>
        %swap3A_159 = vector.shape_cast %add3A_154 : vector<16xf32> to vector<1x16xf32>
        tpu.vector_store %arg14[%swap3A_155, %swap3A_156], %swap3A_159 {strides = array<i32>} : memref<200x64xf32, #tpu.memory_space<vmem>>, vector<1x16xf32>,
      }
      %scan3A_95 = arith.constant 200 : i32
      %lt3A_96 = arith.constant 6 : i32
      %lt3A_97 = arith.cmpi slt, %scan3A_42, %lt3A_96 : i32
      %convert_element_type3A_98 = arith.extui %lt3A_97 : i1 to i32
      %cond3A_99 = arith.constant 0 : i32
      %cond3A_100 = arith.cmpi ne, %convert_element_type3A_98, %cond3A_99 : i32
      scf.if %cond3A_100 {
        %add3A_105 = arith.constant 1 : i32
        %add3A_106 = arith.addi %scan3A_42, %add3A_105 : i32
        %mul3A_107 = arith.constant 200 : i32
        %mul3A_108 = arith.muli %add3A_106, %mul3A_107 : i32
        %add3A_109 = arith.constant 1400 : i32
        %add3A_110 = arith.addi %add3A_109, %mul3A_108 : i32
        %dma_start3A_111 = tpu.memref_slice %arg7[%add3A_110] : memref<2800xi32, #tpu.memory_space<vmem>> -> memref<200xi32, #tpu.memory_space<vmem>>
        %dma_start3A_112 = arith.constant 0 : i32
        %dma_start3A_113 = arith.constant 0 : i32
        %dma_start3A_114 = tpu.memref_slice %arg2[%dma_start3A_112, %dma_start3A_113] : memref<10000x64xf32, #tpu.memory_space<hbm>> -> memref<10000x64xf32, #tpu.memory_space<hbm>>
        tpu.enqueue_indirect_dma source(%dma_start3A_114 : memref<10000x64xf32, #tpu.memory_space<hbm>>) target(%arg12 : memref<200x64xf32, #tpu.memory_space<vmem>>) offsets(%dma_start3A_111 : memref<200xi32, #tpu.memory_space<vmem>>) semaphore(%arg16 : memref<!tpu.dma_semaphore, #tpu.memory_space<semaphore_mem>>)
        %dma_start3A_115 = tpu.memref_slice %arg8[%add3A_110] : memref<2800xi32, #tpu.memory_space<vmem>> -> memref<200xi32, #tpu.memory_space<vmem>>
        %dma_start3A_116 = arith.constant 0 : i32
        %dma_start3A_117 = arith.constant 0 : i32
        %dma_start3A_118 = tpu.memref_slice %arg3[%dma_start3A_116, %dma_start3A_117] : memref<10000x64xf32, #tpu.memory_space<hbm>> -> memref<10000x64xf32, #tpu.memory_space<hbm>>
        tpu.enqueue_indirect_dma source(%dma_start3A_118 : memref<10000x64xf32, #tpu.memory_space<hbm>>) target(%arg13 : memref<200x64xf32, #tpu.memory_space<vmem>>) offsets(%dma_start3A_115 : memref<200xi32, #tpu.memory_space<vmem>>) semaphore(%arg16 : memref<!tpu.dma_semaphore, #tpu.memory_space<semaphore_mem>>)
      } else {
      }
      %dma_start3A_101 = arith.constant 64 : i32
      %dma_start3A_102 = tpu.memref_slice %arg6[%add3A_74, %dma_start3A_101] : memref<44800x128xf32, #tpu.memory_space<hbm>> -> memref<200x64xf32, #tpu.memory_space<hbm>>
      %dma_start3A_103 = arith.constant 64 : i32
      %dma_start3A_104 = tpu.memref_slice %arg6[%add3A_74, %dma_start3A_103] : memref<44800x128xf32, #tpu.memory_space<hbm>> -> memref<200x64xf32, #tpu.memory_space<hbm>>
      tpu.enqueue_dma source(%arg14 : memref<200x64xf32, #tpu.memory_space<vmem>>) target(%dma_start3A_104 : memref<200x64xf32, #tpu.memory_space<hbm>>) target_semaphore(%arg18 : memref<!tpu.dma_semaphore, #tpu.memory_space<semaphore_mem>>)
    }
    %scan3A_30 = arith.constant 7 : i32
    %add3A_31 = arith.constant 1200 : i32
    %add3A_32 = arith.addi %mul3A_2, %add3A_31 : i32
    %dma_wait3A = arith.constant 0 : i32
    %dma_wait3A_33 = tpu.memref_slice %arg6[%add3A_32, %dma_wait3A] : memref<44800x128xf32, #tpu.memory_space<hbm>> -> memref<200x64xf32, #tpu.memory_space<hbm>>
    %dma_wait3A_34 = arith.constant 0 : i32
    %dma_wait3A_35 = tpu.memref_slice %arg6[%add3A_32, %dma_wait3A_34] : memref<44800x128xf32, #tpu.memory_space<hbm>> -> memref<200x64xf32, #tpu.memory_space<hbm>>
    tpu.wait_dma2 semaphore(%arg17 : memref<!tpu.dma_semaphore, #tpu.memory_space<semaphore_mem>>) src(%arg11 : memref<200x64xf32, #tpu.memory_space<vmem>>) dst(%dma_wait3A_35 : memref<200x64xf32, #tpu.memory_space<hbm>>)
    %add3A_36 = arith.constant 1200 : i32
    %add3A_37 = arith.addi %mul3A_2, %add3A_36 : i32
    %dma_wait3A_38 = arith.constant 64 : i32
    %dma_wait3A_39 = tpu.memref_slice %arg6[%add3A_37, %dma_wait3A_38] : memref<44800x128xf32, #tpu.memory_space<hbm>> -> memref<200x64xf32, #tpu.memory_space<hbm>>
    %dma_wait3A_40 = arith.constant 64 : i32
    %dma_wait3A_41 = tpu.memref_slice %arg6[%add3A_37, %dma_wait3A_40] : memref<44800x128xf32, #tpu.memory_space<hbm>> -> memref<200x64xf32, #tpu.memory_space<hbm>>
    tpu.wait_dma2 semaphore(%arg18 : memref<!tpu.dma_semaphore, #tpu.memory_space<semaphore_mem>>) src(%arg14 : memref<200x64xf32, #tpu.memory_space<vmem>>) dst(%dma_wait3A_41 : memref<200x64xf32, #tpu.memory_space<hbm>>)
    return
  }
}

#map = affine_map<(d0, d1) -> (0, 0)>
#map1 = affine_map<(d0, d1) -> (0)>
module attributes {stable_mosaic.version = 14 : i64} {
  func.func @_gather(%arg0: i32, %arg1: i32, %arg2: memref<10000x64xf32, #tpu.memory_space<hbm>>, %arg3: memref<10000x64xf32, #tpu.memory_space<hbm>>, %arg4: memref<89600xi32, #tpu.memory_space<hbm>>, %arg5: memref<89600xi32, #tpu.memory_space<hbm>>, %arg6: memref<44800x128xf32, #tpu.memory_space<hbm>>, %arg7: memref<2800xi32, #tpu.memory_space<vmem>>, %arg8: memref<2800xi32, #tpu.memory_space<vmem>>, %arg9: memref<200x64xf32, #tpu.memory_space<vmem>>, %arg10: memref<200x64xf32, #tpu.memory_space<vmem>>, %arg11: memref<200x64xf32, #tpu.memory_space<vmem>>, %arg12: memref<200x64xf32, #tpu.memory_space<vmem>>, %arg13: memref<200x64xf32, #tpu.memory_space<vmem>>, %arg14: memref<200x64xf32, #tpu.memory_space<vmem>>, %arg15: memref<!tpu.dma_semaphore, #tpu.memory_space<semaphore_mem>>, %arg16: memref<!tpu.dma_semaphore, #tpu.memory_space<semaphore_mem>>, %arg17: memref<!tpu.dma_semaphore, #tpu.memory_space<semaphore_mem>>, %arg18: memref<!tpu.dma_semaphore, #tpu.memory_space<semaphore_mem>>) attributes {dimension_semantics = [#tpu.dimension_semantics<core_parallel>, #tpu.dimension_semantics<subcore_parallel>], iteration_bounds = array<i64: 2, 16>, scalar_prefetch = 0 : i64, scratch_operands = 12 : i64, tpu.core_type = #tpu.core_type<sc_vector_subcore>, window_params = [{transform_indices = #map}, {transform_indices = #map}, {transform_indices = #map1}, {transform_indices = #map1}, {transform_indices = #map}]} {
    %mul3A = arith.constant 2 : i32
    %mul3A_0 = arith.muli %arg1, %mul3A : i32
    %add3A = arith.addi %mul3A_0, %arg0 : i32
    %mul3A_1 = arith.constant 1400 : i32
    %mul3A_2 = arith.muli %add3A, %mul3A_1 : i32
    "tpu.region"() ({
      %run_scoped3A = tpu.sem_alloc : memref<!tpu.dma_semaphore, #tpu.memory_space<semaphore_mem>>
      %dma_start3A_42 = arith.constant 0 : i32
      %dma_start3A_43 = tpu.memref_slice %arg7[%dma_start3A_42] : memref<2800xi32, #tpu.memory_space<vmem>> -> memref<1400xi32, #tpu.memory_space<vmem>>
      %dma_start3A_44 = tpu.memref_slice %arg4[%mul3A_2] : memref<89600xi32, #tpu.memory_space<hbm>> -> memref<1400xi32, #tpu.memory_space<hbm>>
      %dma_start3A_45 = arith.constant 0 : i32
      %dma_start3A_46 = tpu.memref_slice %arg7[%dma_start3A_45] : memref<2800xi32, #tpu.memory_space<vmem>> -> memref<1400xi32, #tpu.memory_space<vmem>>
      %dma_start3A_47 = tpu.memref_slice %arg4[%mul3A_2] : memref<89600xi32, #tpu.memory_space<hbm>> -> memref<1400xi32, #tpu.memory_space<hbm>>
      tpu.enqueue_dma source(%dma_start3A_47 : memref<1400xi32, #tpu.memory_space<hbm>>) target(%dma_start3A_46 : memref<1400xi32, #tpu.memory_space<vmem>>) target_semaphore(%run_scoped3A : memref<!tpu.dma_semaphore, #tpu.memory_space<semaphore_mem>>)
      %dma_wait3A_48 = arith.constant 0 : i32
      %dma_wait3A_49 = tpu.memref_slice %arg7[%dma_wait3A_48] : memref<2800xi32, #tpu.memory_space<vmem>> -> memref<1400xi32, #tpu.memory_space<vmem>>
      %dma_wait3A_50 = tpu.memref_slice %arg4[%mul3A_2] : memref<89600xi32, #tpu.memory_space<hbm>> -> memref<1400xi32, #tpu.memory_space<hbm>>
      %dma_wait3A_51 = arith.constant 0 : i32
      %dma_wait3A_52 = tpu.memref_slice %arg7[%dma_wait3A_51] : memref<2800xi32, #tpu.memory_space<vmem>> -> memref<1400xi32, #tpu.memory_space<vmem>>
      %dma_wait3A_53 = tpu.memref_slice %arg4[%mul3A_2] : memref<89600xi32, #tpu.memory_space<hbm>> -> memref<1400xi32, #tpu.memory_space<hbm>>
      tpu.wait_dma2 semaphore(%run_scoped3A : memref<!tpu.dma_semaphore, #tpu.memory_space<semaphore_mem>>) src(%dma_wait3A_53 : memref<1400xi32, #tpu.memory_space<hbm>>) dst(%dma_wait3A_52 : memref<1400xi32, #tpu.memory_space<vmem>>)
      tpu.yield
    }) : () -> ()
    %add3A_3 = arith.constant 44800 : i32
    %add3A_4 = arith.addi %add3A_3, %mul3A_2 : i32
    "tpu.region"() ({
      %run_scoped3A = tpu.sem_alloc : memref<!tpu.dma_semaphore, #tpu.memory_space<semaphore_mem>>
      %dma_start3A_42 = arith.constant 1400 : i32
      %dma_start3A_43 = tpu.memref_slice %arg7[%dma_start3A_42] : memref<2800xi32, #tpu.memory_space<vmem>> -> memref<1400xi32, #tpu.memory_space<vmem>>
      %dma_start3A_44 = tpu.memref_slice %arg4[%add3A_4] : memref<89600xi32, #tpu.memory_space<hbm>> -> memref<1400xi32, #tpu.memory_space<hbm>>
      %dma_start3A_45 = arith.constant 1400 : i32
      %dma_start3A_46 = tpu.memref_slice %arg7[%dma_start3A_45] : memref<2800xi32, #tpu.memory_space<vmem>> -> memref<1400xi32, #tpu.memory_space<vmem>>
      %dma_start3A_47 = tpu.memref_slice %arg4[%add3A_4] : memref<89600xi32, #tpu.memory_space<hbm>> -> memref<1400xi32, #tpu.memory_space<hbm>>
      tpu.enqueue_dma source(%dma_start3A_47 : memref<1400xi32, #tpu.memory_space<hbm>>) target(%dma_start3A_46 : memref<1400xi32, #tpu.memory_space<vmem>>) target_semaphore(%run_scoped3A : memref<!tpu.dma_semaphore, #tpu.memory_space<semaphore_mem>>)
      %dma_wait3A_48 = arith.constant 1400 : i32
      %dma_wait3A_49 = tpu.memref_slice %arg7[%dma_wait3A_48] : memref<2800xi32, #tpu.memory_space<vmem>> -> memref<1400xi32, #tpu.memory_space<vmem>>
      %dma_wait3A_50 = tpu.memref_slice %arg4[%add3A_4] : memref<89600xi32, #tpu.memory_space<hbm>> -> memref<1400xi32, #tpu.memory_space<hbm>>
      %dma_wait3A_51 = arith.constant 1400 : i32
      %dma_wait3A_52 = tpu.memref_slice %arg7[%dma_wait3A_51] : memref<2800xi32, #tpu.memory_space<vmem>> -> memref<1400xi32, #tpu.memory_space<vmem>>
      %dma_wait3A_53 = tpu.memref_slice %arg4[%add3A_4] : memref<89600xi32, #tpu.memory_space<hbm>> -> memref<1400xi32, #tpu.memory_space<hbm>>
      tpu.wait_dma2 semaphore(%run_scoped3A : memref<!tpu.dma_semaphore, #tpu.memory_space<semaphore_mem>>) src(%dma_wait3A_53 : memref<1400xi32, #tpu.memory_space<hbm>>) dst(%dma_wait3A_52 : memref<1400xi32, #tpu.memory_space<vmem>>)
      tpu.yield
    }) : () -> ()
    "tpu.region"() ({
      %run_scoped3A = tpu.sem_alloc : memref<!tpu.dma_semaphore, #tpu.memory_space<semaphore_mem>>
      %dma_start3A_42 = arith.constant 0 : i32
      %dma_start3A_43 = tpu.memref_slice %arg8[%dma_start3A_42] : memref<2800xi32, #tpu.memory_space<vmem>> -> memref<1400xi32, #tpu.memory_space<vmem>>
      %dma_start3A_44 = tpu.memref_slice %arg5[%mul3A_2] : memref<89600xi32, #tpu.memory_space<hbm>> -> memref<1400xi32, #tpu.memory_space<hbm>>
      %dma_start3A_45 = arith.constant 0 : i32
      %dma_start3A_46 = tpu.memref_slice %arg8[%dma_start3A_45] : memref<2800xi32, #tpu.memory_space<vmem>> -> memref<1400xi32, #tpu.memory_space<vmem>>
      %dma_start3A_47 = tpu.memref_slice %arg5[%mul3A_2] : memref<89600xi32, #tpu.memory_space<hbm>> -> memref<1400xi32, #tpu.memory_space<hbm>>
      tpu.enqueue_dma source(%dma_start3A_47 : memref<1400xi32, #tpu.memory_space<hbm>>) target(%dma_start3A_46 : memref<1400xi32, #tpu.memory_space<vmem>>) target_semaphore(%run_scoped3A : memref<!tpu.dma_semaphore, #tpu.memory_space<semaphore_mem>>)
      %dma_wait3A_48 = arith.constant 0 : i32
      %dma_wait3A_49 = tpu.memref_slice %arg8[%dma_wait3A_48] : memref<2800xi32, #tpu.memory_space<vmem>> -> memref<1400xi32, #tpu.memory_space<vmem>>
      %dma_wait3A_50 = tpu.memref_slice %arg5[%mul3A_2] : memref<89600xi32, #tpu.memory_space<hbm>> -> memref<1400xi32, #tpu.memory_space<hbm>>
      %dma_wait3A_51 = arith.constant 0 : i32
      %dma_wait3A_52 = tpu.memref_slice %arg8[%dma_wait3A_51] : memref<2800xi32, #tpu.memory_space<vmem>> -> memref<1400xi32, #tpu.memory_space<vmem>>
      %dma_wait3A_53 = tpu.memref_slice %arg5[%mul3A_2] : memref<89600xi32, #tpu.memory_space<hbm>> -> memref<1400xi32, #tpu.memory_space<hbm>>
      tpu.wait_dma2 semaphore(%run_scoped3A : memref<!tpu.dma_semaphore, #tpu.memory_space<semaphore_mem>>) src(%dma_wait3A_53 : memref<1400xi32, #tpu.memory_space<hbm>>) dst(%dma_wait3A_52 : memref<1400xi32, #tpu.memory_space<vmem>>)
      tpu.yield
    }) : () -> ()
    %add3A_5 = arith.constant 44800 : i32
    %add3A_6 = arith.addi %add3A_5, %mul3A_2 : i32
    "tpu.region"() ({
      %run_scoped3A = tpu.sem_alloc : memref<!tpu.dma_semaphore, #tpu.memory_space<semaphore_mem>>
      %dma_start3A_42 = arith.constant 1400 : i32
      %dma_start3A_43 = tpu.memref_slice %arg8[%dma_start3A_42] : memref<2800xi32, #tpu.memory_space<vmem>> -> memref<1400xi32, #tpu.memory_space<vmem>>
      %dma_start3A_44 = tpu.memref_slice %arg5[%add3A_6] : memref<89600xi32, #tpu.memory_space<hbm>> -> memref<1400xi32, #tpu.memory_space<hbm>>
      %dma_start3A_45 = arith.constant 1400 : i32
      %dma_start3A_46 = tpu.memref_slice %arg8[%dma_start3A_45] : memref<2800xi32, #tpu.memory_space<vmem>> -> memref<1400xi32, #tpu.memory_space<vmem>>
      %dma_start3A_47 = tpu.memref_slice %arg5[%add3A_6] : memref<89600xi32, #tpu.memory_space<hbm>> -> memref<1400xi32, #tpu.memory_space<hbm>>
      tpu.enqueue_dma source(%dma_start3A_47 : memref<1400xi32, #tpu.memory_space<hbm>>) target(%dma_start3A_46 : memref<1400xi32, #tpu.memory_space<vmem>>) target_semaphore(%run_scoped3A : memref<!tpu.dma_semaphore, #tpu.memory_space<semaphore_mem>>)
      %dma_wait3A_48 = arith.constant 1400 : i32
      %dma_wait3A_49 = tpu.memref_slice %arg8[%dma_wait3A_48] : memref<2800xi32, #tpu.memory_space<vmem>> -> memref<1400xi32, #tpu.memory_space<vmem>>
      %dma_wait3A_50 = tpu.memref_slice %arg5[%add3A_6] : memref<89600xi32, #tpu.memory_space<hbm>> -> memref<1400xi32, #tpu.memory_space<hbm>>
      %dma_wait3A_51 = arith.constant 1400 : i32
      %dma_wait3A_52 = tpu.memref_slice %arg8[%dma_wait3A_51] : memref<2800xi32, #tpu.memory_space<vmem>> -> memref<1400xi32, #tpu.memory_space<vmem>>
      %dma_wait3A_53 = tpu.memref_slice %arg5[%add3A_6] : memref<89600xi32, #tpu.memory_space<hbm>> -> memref<1400xi32, #tpu.memory_space<hbm>>
      tpu.wait_dma2 semaphore(%run_scoped3A : memref<!tpu.dma_semaphore, #tpu.memory_space<semaphore_mem>>) src(%dma_wait3A_53 : memref<1400xi32, #tpu.memory_space<hbm>>) dst(%dma_wait3A_52 : memref<1400xi32, #tpu.memory_space<vmem>>)
      tpu.yield
    }) : () -> ()
    %dma_start3A = arith.constant 0 : i32
    %dma_start3A_7 = tpu.memref_slice %arg7[%dma_start3A] : memref<2800xi32, #tpu.memory_space<vmem>> -> memref<200xi32, #tpu.memory_space<vmem>>
    %dma_start3A_8 = arith.constant 0 : i32
    %dma_start3A_9 = arith.constant 0 : i32
    %dma_start3A_10 = tpu.memref_slice %arg2[%dma_start3A_8, %dma_start3A_9] : memref<10000x64xf32, #tpu.memory_space<hbm>> -> memref<10000x64xf32, #tpu.memory_space<hbm>>
    tpu.enqueue_indirect_dma source(%dma_start3A_10 : memref<10000x64xf32, #tpu.memory_space<hbm>>) target(%arg9 : memref<200x64xf32, #tpu.memory_space<vmem>>) offsets(%dma_start3A_7 : memref<200xi32, #tpu.memory_space<vmem>>) semaphore(%arg15 : memref<!tpu.dma_semaphore, #tpu.memory_space<semaphore_mem>>)
    %dma_start3A_11 = arith.constant 0 : i32
    %dma_start3A_12 = tpu.memref_slice %arg8[%dma_start3A_11] : memref<2800xi32, #tpu.memory_space<vmem>> -> memref<200xi32, #tpu.memory_space<vmem>>
    %dma_start3A_13 = arith.constant 0 : i32
    %dma_start3A_14 = arith.constant 0 : i32
    %dma_start3A_15 = tpu.memref_slice %arg3[%dma_start3A_13, %dma_start3A_14] : memref<10000x64xf32, #tpu.memory_space<hbm>> -> memref<10000x64xf32, #tpu.memory_space<hbm>>
    tpu.enqueue_indirect_dma source(%dma_start3A_15 : memref<10000x64xf32, #tpu.memory_space<hbm>>) target(%arg10 : memref<200x64xf32, #tpu.memory_space<vmem>>) offsets(%dma_start3A_12 : memref<200xi32, #tpu.memory_space<vmem>>) semaphore(%arg15 : memref<!tpu.dma_semaphore, #tpu.memory_space<semaphore_mem>>)
    %dma_start3A_16 = arith.constant 1400 : i32
    %dma_start3A_17 = tpu.memref_slice %arg7[%dma_start3A_16] : memref<2800xi32, #tpu.memory_space<vmem>> -> memref<200xi32, #tpu.memory_space<vmem>>
    %dma_start3A_18 = arith.constant 0 : i32
    %dma_start3A_19 = arith.constant 0 : i32
    %dma_start3A_20 = tpu.memref_slice %arg2[%dma_start3A_18, %dma_start3A_19] : memref<10000x64xf32, #tpu.memory_space<hbm>> -> memref<10000x64xf32, #tpu.memory_space<hbm>>
    tpu.enqueue_indirect_dma source(%dma_start3A_20 : memref<10000x64xf32, #tpu.memory_space<hbm>>) target(%arg12 : memref<200x64xf32, #tpu.memory_space<vmem>>) offsets(%dma_start3A_17 : memref<200xi32, #tpu.memory_space<vmem>>) semaphore(%arg16 : memref<!tpu.dma_semaphore, #tpu.memory_space<semaphore_mem>>)
    %dma_start3A_21 = arith.constant 1400 : i32
    %dma_start3A_22 = tpu.memref_slice %arg8[%dma_start3A_21] : memref<2800xi32, #tpu.memory_space<vmem>> -> memref<200xi32, #tpu.memory_space<vmem>>
    %dma_start3A_23 = arith.constant 0 : i32
    %dma_start3A_24 = arith.constant 0 : i32
    %dma_start3A_25 = tpu.memref_slice %arg3[%dma_start3A_23, %dma_start3A_24] : memref<10000x64xf32, #tpu.memory_space<hbm>> -> memref<10000x64xf32, #tpu.memory_space<hbm>>
    tpu.enqueue_indirect_dma source(%dma_start3A_25 : memref<10000x64xf32, #tpu.memory_space<hbm>>) target(%arg13 : memref<200x64xf32, #tpu.memory_space<vmem>>) offsets(%dma_start3A_22 : memref<200xi32, #tpu.memory_space<vmem>>) semaphore(%arg16 : memref<!tpu.dma_semaphore, #tpu.memory_space<semaphore_mem>>)
    %scan3A = arith.constant 0 : i32
    %scan3A_26 = arith.constant 0 : i32
    %scan3A_27 = arith.constant 7 : i32
    %scan3A_28 = arith.addi %scan3A_26, %scan3A_27 : i32
    %scan3A_29 = arith.constant 1 : i32
    scf.for %scan3A_42 = %scan3A_26 to %scan3A_28 step %scan3A_29  : i32 {
      %mul3A_43 = arith.constant 200 : i32
      %mul3A_44 = arith.muli %scan3A_42, %mul3A_43 : i32
      %add3A_45 = arith.addi %mul3A_2, %mul3A_44 : i32
      %dma_wait3A_46 = arith.constant 0 : i32
      %dma_wait3A_47 = tpu.memref_slice %arg7[%dma_wait3A_46] : memref<2800xi32, #tpu.memory_space<vmem>> -> memref<200xi32, #tpu.memory_space<vmem>>
      %dma_wait3A_48 = arith.constant 0 : i32
      %dma_wait3A_49 = arith.constant 0 : i32
      %dma_wait3A_50 = tpu.memref_slice %arg2[%dma_wait3A_48, %dma_wait3A_49] : memref<10000x64xf32, #tpu.memory_space<hbm>> -> memref<10000x64xf32, #tpu.memory_space<hbm>>
      tpu.wait_indirect_dma semaphore(%arg15 : memref<!tpu.dma_semaphore, #tpu.memory_space<semaphore_mem>>) src(%dma_wait3A_50 : memref<10000x64xf32, #tpu.memory_space<hbm>>) dst(%arg9 : memref<200x64xf32, #tpu.memory_space<vmem>>)
      %dma_wait3A_51 = arith.constant 0 : i32
      %dma_wait3A_52 = tpu.memref_slice %arg8[%dma_wait3A_51] : memref<2800xi32, #tpu.memory_space<vmem>> -> memref<200xi32, #tpu.memory_space<vmem>>
      %dma_wait3A_53 = arith.constant 0 : i32
      %dma_wait3A_54 = arith.constant 0 : i32
      %dma_wait3A_55 = tpu.memref_slice %arg3[%dma_wait3A_53, %dma_wait3A_54] : memref<10000x64xf32, #tpu.memory_space<hbm>> -> memref<10000x64xf32, #tpu.memory_space<hbm>>
      tpu.wait_indirect_dma semaphore(%arg15 : memref<!tpu.dma_semaphore, #tpu.memory_space<semaphore_mem>>) src(%dma_wait3A_55 : memref<10000x64xf32, #tpu.memory_space<hbm>>) dst(%arg10 : memref<200x64xf32, #tpu.memory_space<vmem>>)
      %ge3A = arith.constant 1 : i32
      %ge3A_56 = arith.cmpi sge, %scan3A_42, %ge3A : i32
      %convert_element_type3A = arith.extui %ge3A_56 : i1 to i32
      %cond3A = arith.constant 0 : i32
      %cond3A_57 = arith.cmpi ne, %convert_element_type3A, %cond3A : i32
      scf.if %cond3A_57 {
        %sub3A = arith.constant 200 : i32
        %sub3A_105 = arith.subi %add3A_45, %sub3A : i32
        %dma_wait3A_106 = arith.constant 0 : i32
        %dma_wait3A_107 = tpu.memref_slice %arg6[%sub3A_105, %dma_wait3A_106] : memref<44800x128xf32, #tpu.memory_space<hbm>> -> memref<200x64xf32, #tpu.memory_space<hbm>>
        %dma_wait3A_108 = arith.constant 0 : i32
        %dma_wait3A_109 = tpu.memref_slice %arg6[%sub3A_105, %dma_wait3A_108] : memref<44800x128xf32, #tpu.memory_space<hbm>> -> memref<200x64xf32, #tpu.memory_space<hbm>>
        tpu.wait_dma2 semaphore(%arg17 : memref<!tpu.dma_semaphore, #tpu.memory_space<semaphore_mem>>) src(%arg11 : memref<200x64xf32, #tpu.memory_space<vmem>>) dst(%dma_wait3A_109 : memref<200x64xf32, #tpu.memory_space<hbm>>)
      } else {
      }
      %scan3A_58 = arith.constant 0 : i32
      %scan3A_59 = arith.constant 0 : i32
      %scan3A_60 = arith.constant 200 : i32
      %scan3A_61 = arith.addi %scan3A_59, %scan3A_60 : i32
      %scan3A_62 = arith.constant 1 : i32
      scf.for %scan3A_105 = %scan3A_59 to %scan3A_61 step %scan3A_62  : i32 {
        %get3A = arith.index_cast %scan3A_105 : i32 to index
        %get3A_106 = arith.constant 0 : index
        %get3A_107 = tpu.vector_load %arg9[%get3A, %get3A_106] {strides = array<i32>} : memref<200x64xf32, #tpu.memory_space<vmem>>, vector<1x16xf32>,
        %get3A_108 = vector.shape_cast %get3A_107 : vector<1x16xf32> to vector<16xf32>
        %get3A_109 = arith.index_cast %scan3A_105 : i32 to index
        %get3A_110 = arith.constant 0 : index
        %get3A_111 = tpu.vector_load %arg10[%get3A_109, %get3A_110] {strides = array<i32>} : memref<200x64xf32, #tpu.memory_space<vmem>>, vector<1x16xf32>,
        %get3A_112 = vector.shape_cast %get3A_111 : vector<1x16xf32> to vector<16xf32>
        %add3A_113 = arith.addf %get3A_108, %get3A_112 : vector<16xf32>
        %swap3A = arith.index_cast %scan3A_105 : i32 to index
        %swap3A_114 = arith.constant 0 : index
        %swap3A_115 = tpu.vector_load %arg11[%swap3A, %swap3A_114] {strides = array<i32>} : memref<200x64xf32, #tpu.memory_space<vmem>>, vector<1x16xf32>,
        %swap3A_116 = vector.shape_cast %swap3A_115 : vector<1x16xf32> to vector<16xf32>
        %swap3A_117 = vector.shape_cast %add3A_113 : vector<16xf32> to vector<1x16xf32>
        tpu.vector_store %arg11[%swap3A, %swap3A_114], %swap3A_117 {strides = array<i32>} : memref<200x64xf32, #tpu.memory_space<vmem>>, vector<1x16xf32>,
        %get3A_118 = arith.index_cast %scan3A_105 : i32 to index
        %get3A_119 = arith.constant 16 : index
        %get3A_120 = tpu.vector_load %arg9[%get3A_118, %get3A_119] {strides = array<i32>} : memref<200x64xf32, #tpu.memory_space<vmem>>, vector<1x16xf32>,
        %get3A_121 = vector.shape_cast %get3A_120 : vector<1x16xf32> to vector<16xf32>
        %get3A_122 = arith.index_cast %scan3A_105 : i32 to index
        %get3A_123 = arith.constant 16 : index
        %get3A_124 = tpu.vector_load %arg10[%get3A_122, %get3A_123] {strides = array<i32>} : memref<200x64xf32, #tpu.memory_space<vmem>>, vector<1x16xf32>,
        %get3A_125 = vector.shape_cast %get3A_124 : vector<1x16xf32> to vector<16xf32>
        %add3A_126 = arith.addf %get3A_121, %get3A_125 : vector<16xf32>
        %swap3A_127 = arith.index_cast %scan3A_105 : i32 to index
        %swap3A_128 = arith.constant 16 : index
        %swap3A_129 = tpu.vector_load %arg11[%swap3A_127, %swap3A_128] {strides = array<i32>} : memref<200x64xf32, #tpu.memory_space<vmem>>, vector<1x16xf32>,
        %swap3A_130 = vector.shape_cast %swap3A_129 : vector<1x16xf32> to vector<16xf32>
        %swap3A_131 = vector.shape_cast %add3A_126 : vector<16xf32> to vector<1x16xf32>
        tpu.vector_store %arg11[%swap3A_127, %swap3A_128], %swap3A_131 {strides = array<i32>} : memref<200x64xf32, #tpu.memory_space<vmem>>, vector<1x16xf32>,
        %get3A_132 = arith.index_cast %scan3A_105 : i32 to index
        %get3A_133 = arith.constant 32 : index
        %get3A_134 = tpu.vector_load %arg9[%get3A_132, %get3A_133] {strides = array<i32>} : memref<200x64xf32, #tpu.memory_space<vmem>>, vector<1x16xf32>,
        %get3A_135 = vector.shape_cast %get3A_134 : vector<1x16xf32> to vector<16xf32>
        %get3A_136 = arith.index_cast %scan3A_105 : i32 to index
        %get3A_137 = arith.constant 32 : index
        %get3A_138 = tpu.vector_load %arg10[%get3A_136, %get3A_137] {strides = array<i32>} : memref<200x64xf32, #tpu.memory_space<vmem>>, vector<1x16xf32>,
        %get3A_139 = vector.shape_cast %get3A_138 : vector<1x16xf32> to vector<16xf32>
        %add3A_140 = arith.addf %get3A_135, %get3A_139 : vector<16xf32>
        %swap3A_141 = arith.index_cast %scan3A_105 : i32 to index
        %swap3A_142 = arith.constant 32 : index
        %swap3A_143 = tpu.vector_load %arg11[%swap3A_141, %swap3A_142] {strides = array<i32>} : memref<200x64xf32, #tpu.memory_space<vmem>>, vector<1x16xf32>,
        %swap3A_144 = vector.shape_cast %swap3A_143 : vector<1x16xf32> to vector<16xf32>
        %swap3A_145 = vector.shape_cast %add3A_140 : vector<16xf32> to vector<1x16xf32>
        tpu.vector_store %arg11[%swap3A_141, %swap3A_142], %swap3A_145 {strides = array<i32>} : memref<200x64xf32, #tpu.memory_space<vmem>>, vector<1x16xf32>,
        %get3A_146 = arith.index_cast %scan3A_105 : i32 to index
        %get3A_147 = arith.constant 48 : index
        %get3A_148 = tpu.vector_load %arg9[%get3A_146, %get3A_147] {strides = array<i32>} : memref<200x64xf32, #tpu.memory_space<vmem>>, vector<1x16xf32>,
        %get3A_149 = vector.shape_cast %get3A_148 : vector<1x16xf32> to vector<16xf32>
        %get3A_150 = arith.index_cast %scan3A_105 : i32 to index
        %get3A_151 = arith.constant 48 : index
        %get3A_152 = tpu.vector_load %arg10[%get3A_150, %get3A_151] {strides = array<i32>} : memref<200x64xf32, #tpu.memory_space<vmem>>, vector<1x16xf32>,
        %get3A_153 = vector.shape_cast %get3A_152 : vector<1x16xf32> to vector<16xf32>
        %add3A_154 = arith.addf %get3A_149, %get3A_153 : vector<16xf32>
        %swap3A_155 = arith.index_cast %scan3A_105 : i32 to index
        %swap3A_156 = arith.constant 48 : index
        %swap3A_157 = tpu.vector_load %arg11[%swap3A_155, %swap3A_156] {strides = array<i32>} : memref<200x64xf32, #tpu.memory_space<vmem>>, vector<1x16xf32>,
        %swap3A_158 = vector.shape_cast %swap3A_157 : vector<1x16xf32> to vector<16xf32>
        %swap3A_159 = vector.shape_cast %add3A_154 : vector<16xf32> to vector<1x16xf32>
        tpu.vector_store %arg11[%swap3A_155, %swap3A_156], %swap3A_159 {strides = array<i32>} : memref<200x64xf32, #tpu.memory_space<vmem>>, vector<1x16xf32>,
      }
      %scan3A_63 = arith.constant 200 : i32
      %lt3A = arith.constant 6 : i32
      %lt3A_64 = arith.cmpi slt, %scan3A_42, %lt3A : i32
      %convert_element_type3A_65 = arith.extui %lt3A_64 : i1 to i32
      %cond3A_66 = arith.constant 0 : i32
      %cond3A_67 = arith.cmpi ne, %convert_element_type3A_65, %cond3A_66 : i32
      scf.if %cond3A_67 {
        %add3A_105 = arith.constant 1 : i32
        %add3A_106 = arith.addi %scan3A_42, %add3A_105 : i32
        %mul3A_107 = arith.constant 200 : i32
        %mul3A_108 = arith.muli %add3A_106, %mul3A_107 : i32
        %add3A_109 = arith.constant 0 : i32
        %add3A_110 = arith.addi %add3A_109, %mul3A_108 : i32
        %dma_start3A_111 = tpu.memref_slice %arg7[%add3A_110] : memref<2800xi32, #tpu.memory_space<vmem>> -> memref<200xi32, #tpu.memory_space<vmem>>
        %dma_start3A_112 = arith.constant 0 : i32
        %dma_start3A_113 = arith.constant 0 : i32
        %dma_start3A_114 = tpu.memref_slice %arg2[%dma_start3A_112, %dma_start3A_113] : memref<10000x64xf32, #tpu.memory_space<hbm>> -> memref<10000x64xf32, #tpu.memory_space<hbm>>
        tpu.enqueue_indirect_dma source(%dma_start3A_114 : memref<10000x64xf32, #tpu.memory_space<hbm>>) target(%arg9 : memref<200x64xf32, #tpu.memory_space<vmem>>) offsets(%dma_start3A_111 : memref<200xi32, #tpu.memory_space<vmem>>) semaphore(%arg15 : memref<!tpu.dma_semaphore, #tpu.memory_space<semaphore_mem>>)
        %dma_start3A_115 = tpu.memref_slice %arg8[%add3A_110] : memref<2800xi32, #tpu.memory_space<vmem>> -> memref<200xi32, #tpu.memory_space<vmem>>
        %dma_start3A_116 = arith.constant 0 : i32
        %dma_start3A_117 = arith.constant 0 : i32
        %dma_start3A_118 = tpu.memref_slice %arg3[%dma_start3A_116, %dma_start3A_117] : memref<10000x64xf32, #tpu.memory_space<hbm>> -> memref<10000x64xf32, #tpu.memory_space<hbm>>
        tpu.enqueue_indirect_dma source(%dma_start3A_118 : memref<10000x64xf32, #tpu.memory_space<hbm>>) target(%arg10 : memref<200x64xf32, #tpu.memory_space<vmem>>) offsets(%dma_start3A_115 : memref<200xi32, #tpu.memory_space<vmem>>) semaphore(%arg15 : memref<!tpu.dma_semaphore, #tpu.memory_space<semaphore_mem>>)
      } else {
      }
      %dma_start3A_68 = arith.constant 0 : i32
      %dma_start3A_69 = tpu.memref_slice %arg6[%add3A_45, %dma_start3A_68] : memref<44800x128xf32, #tpu.memory_space<hbm>> -> memref<200x64xf32, #tpu.memory_space<hbm>>
      %dma_start3A_70 = arith.constant 0 : i32
      %dma_start3A_71 = tpu.memref_slice %arg6[%add3A_45, %dma_start3A_70] : memref<44800x128xf32, #tpu.memory_space<hbm>> -> memref<200x64xf32, #tpu.memory_space<hbm>>
      tpu.enqueue_dma source(%arg11 : memref<200x64xf32, #tpu.memory_space<vmem>>) target(%dma_start3A_71 : memref<200x64xf32, #tpu.memory_space<hbm>>) target_semaphore(%arg17 : memref<!tpu.dma_semaphore, #tpu.memory_space<semaphore_mem>>)
      %mul3A_72 = arith.constant 200 : i32
      %mul3A_73 = arith.muli %scan3A_42, %mul3A_72 : i32
      %add3A_74 = arith.addi %mul3A_2, %mul3A_73 : i32
      %dma_wait3A_75 = arith.constant 0 : i32
      %dma_wait3A_76 = tpu.memref_slice %arg7[%dma_wait3A_75] : memref<2800xi32, #tpu.memory_space<vmem>> -> memref<200xi32, #tpu.memory_space<vmem>>
      %dma_wait3A_77 = arith.constant 0 : i32
      %dma_wait3A_78 = arith.constant 0 : i32
      %dma_wait3A_79 = tpu.memref_slice %arg2[%dma_wait3A_77, %dma_wait3A_78] : memref<10000x64xf32, #tpu.memory_space<hbm>> -> memref<10000x64xf32, #tpu.memory_space<hbm>>
      tpu.wait_indirect_dma semaphore(%arg16 : memref<!tpu.dma_semaphore, #tpu.memory_space<semaphore_mem>>) src(%dma_wait3A_79 : memref<10000x64xf32, #tpu.memory_space<hbm>>) dst(%arg12 : memref<200x64xf32, #tpu.memory_space<vmem>>)
      %dma_wait3A_80 = arith.constant 0 : i32
      %dma_wait3A_81 = tpu.memref_slice %arg8[%dma_wait3A_80] : memref<2800xi32, #tpu.memory_space<vmem>> -> memref<200xi32, #tpu.memory_space<vmem>>
      %dma_wait3A_82 = arith.constant 0 : i32
      %dma_wait3A_83 = arith.constant 0 : i32
      %dma_wait3A_84 = tpu.memref_slice %arg3[%dma_wait3A_82, %dma_wait3A_83] : memref<10000x64xf32, #tpu.memory_space<hbm>> -> memref<10000x64xf32, #tpu.memory_space<hbm>>
      tpu.wait_indirect_dma semaphore(%arg16 : memref<!tpu.dma_semaphore, #tpu.memory_space<semaphore_mem>>) src(%dma_wait3A_84 : memref<10000x64xf32, #tpu.memory_space<hbm>>) dst(%arg13 : memref<200x64xf32, #tpu.memory_space<vmem>>)
      %ge3A_85 = arith.constant 1 : i32
      %ge3A_86 = arith.cmpi sge, %scan3A_42, %ge3A_85 : i32
      %convert_element_type3A_87 = arith.extui %ge3A_86 : i1 to i32
      %cond3A_88 = arith.constant 0 : i32
      %cond3A_89 = arith.cmpi ne, %convert_element_type3A_87, %cond3A_88 : i32
      scf.if %cond3A_89 {
        %sub3A = arith.constant 200 : i32
        %sub3A_105 = arith.subi %add3A_74, %sub3A : i32
        %dma_wait3A_106 = arith.constant 64 : i32
        %dma_wait3A_107 = tpu.memref_slice %arg6[%sub3A_105, %dma_wait3A_106] : memref<44800x128xf32, #tpu.memory_space<hbm>> -> memref<200x64xf32, #tpu.memory_space<hbm>>
        %dma_wait3A_108 = arith.constant 64 : i32
        %dma_wait3A_109 = tpu.memref_slice %arg6[%sub3A_105, %dma_wait3A_108] : memref<44800x128xf32, #tpu.memory_space<hbm>> -> memref<200x64xf32, #tpu.memory_space<hbm>>
        tpu.wait_dma2 semaphore(%arg18 : memref<!tpu.dma_semaphore, #tpu.memory_space<semaphore_mem>>) src(%arg14 : memref<200x64xf32, #tpu.memory_space<vmem>>) dst(%dma_wait3A_109 : memref<200x64xf32, #tpu.memory_space<hbm>>)
      } else {
      }
      %scan3A_90 = arith.constant 0 : i32
      %scan3A_91 = arith.constant 0 : i32
      %scan3A_92 = arith.constant 200 : i32
      %scan3A_93 = arith.addi %scan3A_91, %scan3A_92 : i32
      %scan3A_94 = arith.constant 1 : i32
      scf.for %scan3A_105 = %scan3A_91 to %scan3A_93 step %scan3A_94  : i32 {
        %get3A = arith.index_cast %scan3A_105 : i32 to index
        %get3A_106 = arith.constant 0 : index
        %get3A_107 = tpu.vector_load %arg12[%get3A, %get3A_106] {strides = array<i32>} : memref<200x64xf32, #tpu.memory_space<vmem>>, vector<1x16xf32>,
        %get3A_108 = vector.shape_cast %get3A_107 : vector<1x16xf32> to vector<16xf32>
        %get3A_109 = arith.index_cast %scan3A_105 : i32 to index
        %get3A_110 = arith.constant 0 : index
        %get3A_111 = tpu.vector_load %arg13[%get3A_109, %get3A_110] {strides = array<i32>} : memref<200x64xf32, #tpu.memory_space<vmem>>, vector<1x16xf32>,
        %get3A_112 = vector.shape_cast %get3A_111 : vector<1x16xf32> to vector<16xf32>
        %add3A_113 = arith.addf %get3A_108, %get3A_112 : vector<16xf32>
        %swap3A = arith.index_cast %scan3A_105 : i32 to index
        %swap3A_114 = arith.constant 0 : index
        %swap3A_115 = tpu.vector_load %arg14[%swap3A, %swap3A_114] {strides = array<i32>} : memref<200x64xf32, #tpu.memory_space<vmem>>, vector<1x16xf32>,
        %swap3A_116 = vector.shape_cast %swap3A_115 : vector<1x16xf32> to vector<16xf32>
        %swap3A_117 = vector.shape_cast %add3A_113 : vector<16xf32> to vector<1x16xf32>
        tpu.vector_store %arg14[%swap3A, %swap3A_114], %swap3A_117 {strides = array<i32>} : memref<200x64xf32, #tpu.memory_space<vmem>>, vector<1x16xf32>,
        %get3A_118 = arith.index_cast %scan3A_105 : i32 to index
        %get3A_119 = arith.constant 16 : index
        %get3A_120 = tpu.vector_load %arg12[%get3A_118, %get3A_119] {strides = array<i32>} : memref<200x64xf32, #tpu.memory_space<vmem>>, vector<1x16xf32>,
        %get3A_121 = vector.shape_cast %get3A_120 : vector<1x16xf32> to vector<16xf32>
        %get3A_122 = arith.index_cast %scan3A_105 : i32 to index
        %get3A_123 = arith.constant 16 : index
        %get3A_124 = tpu.vector_load %arg13[%get3A_122, %get3A_123] {strides = array<i32>} : memref<200x64xf32, #tpu.memory_space<vmem>>, vector<1x16xf32>,
        %get3A_125 = vector.shape_cast %get3A_124 : vector<1x16xf32> to vector<16xf32>
        %add3A_126 = arith.addf %get3A_121, %get3A_125 : vector<16xf32>
        %swap3A_127 = arith.index_cast %scan3A_105 : i32 to index
        %swap3A_128 = arith.constant 16 : index
        %swap3A_129 = tpu.vector_load %arg14[%swap3A_127, %swap3A_128] {strides = array<i32>} : memref<200x64xf32, #tpu.memory_space<vmem>>, vector<1x16xf32>,
        %swap3A_130 = vector.shape_cast %swap3A_129 : vector<1x16xf32> to vector<16xf32>
        %swap3A_131 = vector.shape_cast %add3A_126 : vector<16xf32> to vector<1x16xf32>
        tpu.vector_store %arg14[%swap3A_127, %swap3A_128], %swap3A_131 {strides = array<i32>} : memref<200x64xf32, #tpu.memory_space<vmem>>, vector<1x16xf32>,
        %get3A_132 = arith.index_cast %scan3A_105 : i32 to index
        %get3A_133 = arith.constant 32 : index
        %get3A_134 = tpu.vector_load %arg12[%get3A_132, %get3A_133] {strides = array<i32>} : memref<200x64xf32, #tpu.memory_space<vmem>>, vector<1x16xf32>,
        %get3A_135 = vector.shape_cast %get3A_134 : vector<1x16xf32> to vector<16xf32>
        %get3A_136 = arith.index_cast %scan3A_105 : i32 to index
        %get3A_137 = arith.constant 32 : index
        %get3A_138 = tpu.vector_load %arg13[%get3A_136, %get3A_137] {strides = array<i32>} : memref<200x64xf32, #tpu.memory_space<vmem>>, vector<1x16xf32>,
        %get3A_139 = vector.shape_cast %get3A_138 : vector<1x16xf32> to vector<16xf32>
        %add3A_140 = arith.addf %get3A_135, %get3A_139 : vector<16xf32>
        %swap3A_141 = arith.index_cast %scan3A_105 : i32 to index
        %swap3A_142 = arith.constant 32 : index
        %swap3A_143 = tpu.vector_load %arg14[%swap3A_141, %swap3A_142] {strides = array<i32>} : memref<200x64xf32, #tpu.memory_space<vmem>>, vector<1x16xf32>,
        %swap3A_144 = vector.shape_cast %swap3A_143 : vector<1x16xf32> to vector<16xf32>
        %swap3A_145 = vector.shape_cast %add3A_140 : vector<16xf32> to vector<1x16xf32>
        tpu.vector_store %arg14[%swap3A_141, %swap3A_142], %swap3A_145 {strides = array<i32>} : memref<200x64xf32, #tpu.memory_space<vmem>>, vector<1x16xf32>,
        %get3A_146 = arith.index_cast %scan3A_105 : i32 to index
        %get3A_147 = arith.constant 48 : index
        %get3A_148 = tpu.vector_load %arg12[%get3A_146, %get3A_147] {strides = array<i32>} : memref<200x64xf32, #tpu.memory_space<vmem>>, vector<1x16xf32>,
        %get3A_149 = vector.shape_cast %get3A_148 : vector<1x16xf32> to vector<16xf32>
        %get3A_150 = arith.index_cast %scan3A_105 : i32 to index
        %get3A_151 = arith.constant 48 : index
        %get3A_152 = tpu.vector_load %arg13[%get3A_150, %get3A_151] {strides = array<i32>} : memref<200x64xf32, #tpu.memory_space<vmem>>, vector<1x16xf32>,
        %get3A_153 = vector.shape_cast %get3A_152 : vector<1x16xf32> to vector<16xf32>
        %add3A_154 = arith.addf %get3A_149, %get3A_153 : vector<16xf32>
        %swap3A_155 = arith.index_cast %scan3A_105 : i32 to index
        %swap3A_156 = arith.constant 48 : index
        %swap3A_157 = tpu.vector_load %arg14[%swap3A_155, %swap3A_156] {strides = array<i32>} : memref<200x64xf32, #tpu.memory_space<vmem>>, vector<1x16xf32>,
        %swap3A_158 = vector.shape_cast %swap3A_157 : vector<1x16xf32> to vector<16xf32>
        %swap3A_159 = vector.shape_cast %add3A_154 : vector<16xf32> to vector<1x16xf32>
        tpu.vector_store %arg14[%swap3A_155, %swap3A_156], %swap3A_159 {strides = array<i32>} : memref<200x64xf32, #tpu.memory_space<vmem>>, vector<1x16xf32>,
      }
      %scan3A_95 = arith.constant 200 : i32
      %lt3A_96 = arith.constant 6 : i32
      %lt3A_97 = arith.cmpi slt, %scan3A_42, %lt3A_96 : i32
      %convert_element_type3A_98 = arith.extui %lt3A_97 : i1 to i32
      %cond3A_99 = arith.constant 0 : i32
      %cond3A_100 = arith.cmpi ne, %convert_element_type3A_98, %cond3A_99 : i32
      scf.if %cond3A_100 {
        %add3A_105 = arith.constant 1 : i32
        %add3A_106 = arith.addi %scan3A_42, %add3A_105 : i32
        %mul3A_107 = arith.constant 200 : i32
        %mul3A_108 = arith.muli %add3A_106, %mul3A_107 : i32
        %add3A_109 = arith.constant 1400 : i32
        %add3A_110 = arith.addi %add3A_109, %mul3A_108 : i32
        %dma_start3A_111 = tpu.memref_slice %arg7[%add3A_110] : memref<2800xi32, #tpu.memory_space<vmem>> -> memref<200xi32, #tpu.memory_space<vmem>>
        %dma_start3A_112 = arith.constant 0 : i32
        %dma_start3A_113 = arith.constant 0 : i32
        %dma_start3A_114 = tpu.memref_slice %arg2[%dma_start3A_112, %dma_start3A_113] : memref<10000x64xf32, #tpu.memory_space<hbm>> -> memref<10000x64xf32, #tpu.memory_space<hbm>>
        tpu.enqueue_indirect_dma source(%dma_start3A_114 : memref<10000x64xf32, #tpu.memory_space<hbm>>) target(%arg12 : memref<200x64xf32, #tpu.memory_space<vmem>>) offsets(%dma_start3A_111 : memref<200xi32, #tpu.memory_space<vmem>>) semaphore(%arg16 : memref<!tpu.dma_semaphore, #tpu.memory_space<semaphore_mem>>)
        %dma_start3A_115 = tpu.memref_slice %arg8[%add3A_110] : memref<2800xi32, #tpu.memory_space<vmem>> -> memref<200xi32, #tpu.memory_space<vmem>>
        %dma_start3A_116 = arith.constant 0 : i32
        %dma_start3A_117 = arith.constant 0 : i32
        %dma_start3A_118 = tpu.memref_slice %arg3[%dma_start3A_116, %dma_start3A_117] : memref<10000x64xf32, #tpu.memory_space<hbm>> -> memref<10000x64xf32, #tpu.memory_space<hbm>>
        tpu.enqueue_indirect_dma source(%dma_start3A_118 : memref<10000x64xf32, #tpu.memory_space<hbm>>) target(%arg13 : memref<200x64xf32, #tpu.memory_space<vmem>>) offsets(%dma_start3A_115 : memref<200xi32, #tpu.memory_space<vmem>>) semaphore(%arg16 : memref<!tpu.dma_semaphore, #tpu.memory_space<semaphore_mem>>)
      } else {
      }
      %dma_start3A_101 = arith.constant 64 : i32
      %dma_start3A_102 = tpu.memref_slice %arg6[%add3A_74, %dma_start3A_101] : memref<44800x128xf32, #tpu.memory_space<hbm>> -> memref<200x64xf32, #tpu.memory_space<hbm>>
      %dma_start3A_103 = arith.constant 64 : i32
      %dma_start3A_104 = tpu.memref_slice %arg6[%add3A_74, %dma_start3A_103] : memref<44800x128xf32, #tpu.memory_space<hbm>> -> memref<200x64xf32, #tpu.memory_space<hbm>>
      tpu.enqueue_dma source(%arg14 : memref<200x64xf32, #tpu.memory_space<vmem>>) target(%dma_start3A_104 : memref<200x64xf32, #tpu.memory_space<hbm>>) target_semaphore(%arg18 : memref<!tpu.dma_semaphore, #tpu.memory_space<semaphore_mem>>)
    }
    %scan3A_30 = arith.constant 7 : i32
    %add3A_31 = arith.constant 1200 : i32
    %add3A_32 = arith.addi %mul3A_2, %add3A_31 : i32
    %dma_wait3A = arith.constant 0 : i32
    %dma_wait3A_33 = tpu.memref_slice %arg6[%add3A_32, %dma_wait3A] : memref<44800x128xf32, #tpu.memory_space<hbm>> -> memref<200x64xf32, #tpu.memory_space<hbm>>
    %dma_wait3A_34 = arith.constant 0 : i32
    %dma_wait3A_35 = tpu.memref_slice %arg6[%add3A_32, %dma_wait3A_34] : memref<44800x128xf32, #tpu.memory_space<hbm>> -> memref<200x64xf32, #tpu.memory_space<hbm>>
    tpu.wait_dma2 semaphore(%arg17 : memref<!tpu.dma_semaphore, #tpu.memory_space<semaphore_mem>>) src(%arg11 : memref<200x64xf32, #tpu.memory_space<vmem>>) dst(%dma_wait3A_35 : memref<200x64xf32, #tpu.memory_space<hbm>>)
    %add3A_36 = arith.constant 1200 : i32
    %add3A_37 = arith.addi %mul3A_2, %add3A_36 : i32
    %dma_wait3A_38 = arith.constant 64 : i32
    %dma_wait3A_39 = tpu.memref_slice %arg6[%add3A_37, %dma_wait3A_38] : memref<44800x128xf32, #tpu.memory_space<hbm>> -> memref<200x64xf32, #tpu.memory_space<hbm>>
    %dma_wait3A_40 = arith.constant 64 : i32
    %dma_wait3A_41 = tpu.memref_slice %arg6[%add3A_37, %dma_wait3A_40] : memref<44800x128xf32, #tpu.memory_space<hbm>> -> memref<200x64xf32, #tpu.memory_space<hbm>>
    tpu.wait_dma2 semaphore(%arg18 : memref<!tpu.dma_semaphore, #tpu.memory_space<semaphore_mem>>) src(%arg14 : memref<200x64xf32, #tpu.memory_space<vmem>>) dst(%dma_wait3A_41 : memref<200x64xf32, #tpu.memory_space<hbm>>)
    return
  }
}

module attributes {stable_mosaic.version = 14 : i64} {
  func.func @_precompute_body(%arg0: memref<10000x128xf32, #tpu.memory_space<vmem>>, %arg1: memref<128x64xf32, #tpu.memory_space<vmem>>, %arg2: memref<128x64xf32, #tpu.memory_space<vmem>>, %arg3: memref<2x320000xi32, #tpu.memory_space<vmem>>, %arg4: memref<5000x128xf32, #tpu.memory_space<vmem>>, %arg5: memref<5000x128xf32, #tpu.memory_space<vmem>>, %arg6: memref<89600xi32, #tpu.memory_space<vmem>>, %arg7: memref<140800xi32, #tpu.memory_space<vmem>>, %arg8: memref<89600xi32, #tpu.memory_space<vmem>>, %arg9: memref<89600xi32, #tpu.memory_space<vmem>>, %arg10: memref<140800xi32, #tpu.memory_space<vmem>>, %arg11: memref<89600xi32, #tpu.memory_space<vmem>>) attributes {dimension_semantics = [], scalar_prefetch = 0 : i64, scratch_operands = 0 : i64, tpu.core_type = #tpu.core_type<tc>} {
    %get3A = arith.constant 0 : index
    %get3A_0 = arith.constant 0 : index
    %get3A_1 = vector.load %arg0[%get3A, %get3A_0] : memref<10000x128xf32, #tpu.memory_space<vmem>>, vector<10000x128xf32>
    %get3A_2 = arith.constant 0 : index
    %get3A_3 = arith.constant 0 : index
    %get3A_4 = vector.load %arg1[%get3A_2, %get3A_3] : memref<128x64xf32, #tpu.memory_space<vmem>>, vector<128x64xf32>
    %get3A_5 = arith.constant 0 : index
    %get3A_6 = arith.constant 0 : index
    %get3A_7 = vector.load %arg2[%get3A_5, %get3A_6] : memref<128x64xf32, #tpu.memory_space<vmem>>, vector<128x64xf32>
    %slice3A = vector.extract_strided_slice %get3A_1 {offsets = [0, 0], sizes = [5000, 128], strides = [1, 1]} : vector<10000x128xf32> to vector<5000x128xf32>
    %dot_general3A = arith.constant dense<0.000000e+00> : vector<5000x64xf32>
    %dot_general3A_8 = tpu.matmul %slice3A, %get3A_4, %dot_general3A {dimension_numbers = #tpu.dot_dimension_numbers<[1], [0], [0], [1], [0, 0, 1, 1], [], []>, transpose_lhs_hint = false} : vector<5000x128xf32>, vector<128x64xf32>, vector<5000x64xf32> -> vector<5000x64xf32>
    %slice3A_9 = vector.extract_strided_slice %get3A_1 {offsets = [5000, 0], sizes = [5000, 128], strides = [1, 1]} : vector<10000x128xf32> to vector<5000x128xf32>
    %dot_general3A_10 = arith.constant dense<0.000000e+00> : vector<5000x64xf32>
    %dot_general3A_11 = tpu.matmul %slice3A_9, %get3A_4, %dot_general3A_10 {dimension_numbers = #tpu.dot_dimension_numbers<[1], [0], [0], [1], [0, 0, 1, 1], [], []>, transpose_lhs_hint = false} : vector<5000x128xf32>, vector<128x64xf32>, vector<5000x64xf32> -> vector<5000x64xf32>
    %concatenate3A = tpu.concatenate %dot_general3A_8, %dot_general3A_11 in 1 : vector<5000x64xf32>, vector<5000x64xf32> -> vector<5000x128xf32>
    %swap3A = arith.constant 0 : index
    %swap3A_12 = arith.constant 0 : index
    %swap3A_13 = vector.load %arg4[%swap3A, %swap3A_12] : memref<5000x128xf32, #tpu.memory_space<vmem>>, vector<5000x128xf32>
    tpu.vector_store %arg4[%swap3A, %swap3A_12], %concatenate3A {strides = array<i32>} : memref<5000x128xf32, #tpu.memory_space<vmem>>, vector<5000x128xf32>,
    %slice3A_14 = vector.extract_strided_slice %get3A_1 {offsets = [0, 0], sizes = [5000, 128], strides = [1, 1]} : vector<10000x128xf32> to vector<5000x128xf32>
    %dot_general3A_15 = arith.constant dense<0.000000e+00> : vector<5000x64xf32>
    %dot_general3A_16 = tpu.matmul %slice3A_14, %get3A_7, %dot_general3A_15 {dimension_numbers = #tpu.dot_dimension_numbers<[1], [0], [0], [1], [0, 0, 1, 1], [], []>, transpose_lhs_hint = false} : vector<5000x128xf32>, vector<128x64xf32>, vector<5000x64xf32> -> vector<5000x64xf32>
    %slice3A_17 = vector.extract_strided_slice %get3A_1 {offsets = [5000, 0], sizes = [5000, 128], strides = [1, 1]} : vector<10000x128xf32> to vector<5000x128xf32>
    %dot_general3A_18 = arith.constant dense<0.000000e+00> : vector<5000x64xf32>
    %dot_general3A_19 = tpu.matmul %slice3A_17, %get3A_7, %dot_general3A_18 {dimension_numbers = #tpu.dot_dimension_numbers<[1], [0], [0], [1], [0, 0, 1, 1], [], []>, transpose_lhs_hint = false} : vector<5000x128xf32>, vector<128x64xf32>, vector<5000x64xf32> -> vector<5000x64xf32>
    %concatenate3A_20 = tpu.concatenate %dot_general3A_16, %dot_general3A_19 in 1 : vector<5000x64xf32>, vector<5000x64xf32> -> vector<5000x128xf32>
    %swap3A_21 = arith.constant 0 : index
    %swap3A_22 = arith.constant 0 : index
    %swap3A_23 = vector.load %arg5[%swap3A_21, %swap3A_22] : memref<5000x128xf32, #tpu.memory_space<vmem>>, vector<5000x128xf32>
    tpu.vector_store %arg5[%swap3A_21, %swap3A_22], %concatenate3A_20 {strides = array<i32>} : memref<5000x128xf32, #tpu.memory_space<vmem>>, vector<5000x128xf32>,
    %get3A_24 = arith.constant 0 : index
    %get3A_25 = arith.constant 0 : index
    %get3A_26 = vector.load %arg3[%get3A_24, %get3A_25] : memref<2x320000xi32, #tpu.memory_space<vmem>>, vector<1x320000xi32>
    %get3A_27 = vector.shape_cast %get3A_26 : vector<1x320000xi32> to vector<320000xi32>
    %get3A_28 = arith.constant 1 : index
    %get3A_29 = arith.constant 0 : index
    %get3A_30 = vector.load %arg3[%get3A_28, %get3A_29] : memref<2x320000xi32, #tpu.memory_space<vmem>>, vector<1x320000xi32>
    %get3A_31 = vector.shape_cast %get3A_30 : vector<1x320000xi32> to vector<320000xi32>
    %mul3A = arith.constant 2 : i32
    %mul3A_32 = vector.broadcast %mul3A : i32 to vector<320000xi32>
    %mul3A_33 = arith.muli %mul3A_32, %get3A_27 : vector<320000xi32>
    %lt3A = arith.constant 5000 : i32
    %lt3A_34 = vector.broadcast %lt3A : i32 to vector<320000xi32>
    %lt3A_35 = arith.cmpi slt, %get3A_27, %lt3A_34 : vector<320000xi32>
    %jit3A = arith.constant 0 : i32
    %jit3A_36 = arith.constant 9999 : i32
    %broadcast_in_dim3A = vector.broadcast %jit3A : i32 to vector<320000xi32>
    %broadcast_in_dim3A_37 = vector.broadcast %jit3A_36 : i32 to vector<320000xi32>
    %select_n3A = arith.select %lt3A_35, %broadcast_in_dim3A, %broadcast_in_dim3A_37 : vector<320000xi1>, vector<320000xi32>
    %sub3A = arith.subi %mul3A_33, %select_n3A : vector<320000xi32>
    %mul3A_38 = arith.constant 2 : i32
    %mul3A_39 = vector.broadcast %mul3A_38 : i32 to vector<320000xi32>
    %mul3A_40 = arith.muli %mul3A_39, %get3A_31 : vector<320000xi32>
    %lt3A_41 = arith.constant 5000 : i32
    %lt3A_42 = vector.broadcast %lt3A_41 : i32 to vector<320000xi32>
    %lt3A_43 = arith.cmpi slt, %get3A_31, %lt3A_42 : vector<320000xi32>
    %jit3A_44 = arith.constant 0 : i32
    %jit3A_45 = arith.constant 9999 : i32
    %broadcast_in_dim3A_46 = vector.broadcast %jit3A_44 : i32 to vector<320000xi32>
    %broadcast_in_dim3A_47 = vector.broadcast %jit3A_45 : i32 to vector<320000xi32>
    %select_n3A_48 = arith.select %lt3A_43, %broadcast_in_dim3A_46, %broadcast_in_dim3A_47 : vector<320000xi1>, vector<320000xi32>
    %sub3A_49 = arith.subi %mul3A_40, %select_n3A_48 : vector<320000xi32>
    %slice3A_50 = vector.extract_strided_slice %sub3A {offsets = [0], sizes = [89600], strides = [1]} : vector<320000xi32> to vector<89600xi32>
    %swap3A_51 = arith.constant 0 : index
    %swap3A_52 = vector.load %arg6[%swap3A_51] : memref<89600xi32, #tpu.memory_space<vmem>>, vector<89600xi32>
    tpu.vector_store %arg6[%swap3A_51], %slice3A_50 {strides = array<i32>} : memref<89600xi32, #tpu.memory_space<vmem>>, vector<89600xi32>,
    %slice3A_53 = vector.extract_strided_slice %sub3A_49 {offsets = [0], sizes = [89600], strides = [1]} : vector<320000xi32> to vector<89600xi32>
    %swap3A_54 = arith.constant 0 : index
    %swap3A_55 = vector.load %arg9[%swap3A_54] : memref<89600xi32, #tpu.memory_space<vmem>>, vector<89600xi32>
    tpu.vector_store %arg9[%swap3A_54], %slice3A_53 {strides = array<i32>} : memref<89600xi32, #tpu.memory_space<vmem>>, vector<89600xi32>,
    %slice3A_56 = vector.extract_strided_slice %sub3A {offsets = [89600], sizes = [140800], strides = [1]} : vector<320000xi32> to vector<140800xi32>
    %swap3A_57 = arith.constant 0 : index
    %swap3A_58 = vector.load %arg7[%swap3A_57] : memref<140800xi32, #tpu.memory_space<vmem>>, vector<140800xi32>
    tpu.vector_store %arg7[%swap3A_57], %slice3A_56 {strides = array<i32>} : memref<140800xi32, #tpu.memory_space<vmem>>, vector<140800xi32>,
    %slice3A_59 = vector.extract_strided_slice %sub3A_49 {offsets = [89600], sizes = [140800], strides = [1]} : vector<320000xi32> to vector<140800xi32>
    %swap3A_60 = arith.constant 0 : index
    %swap3A_61 = vector.load %arg10[%swap3A_60] : memref<140800xi32, #tpu.memory_space<vmem>>, vector<140800xi32>
    tpu.vector_store %arg10[%swap3A_60], %slice3A_59 {strides = array<i32>} : memref<140800xi32, #tpu.memory_space<vmem>>, vector<140800xi32>,
    %slice3A_62 = vector.extract_strided_slice %sub3A {offsets = [230400], sizes = [89600], strides = [1]} : vector<320000xi32> to vector<89600xi32>
    %swap3A_63 = arith.constant 0 : index
    %swap3A_64 = vector.load %arg8[%swap3A_63] : memref<89600xi32, #tpu.memory_space<vmem>>, vector<89600xi32>
    tpu.vector_store %arg8[%swap3A_63], %slice3A_62 {strides = array<i32>} : memref<89600xi32, #tpu.memory_space<vmem>>, vector<89600xi32>,
    %slice3A_65 = vector.extract_strided_slice %sub3A_49 {offsets = [230400], sizes = [89600], strides = [1]} : vector<320000xi32> to vector<89600xi32>
    %swap3A_66 = arith.constant 0 : index
    %swap3A_67 = vector.load %arg11[%swap3A_66] : memref<89600xi32, #tpu.memory_space<vmem>>, vector<89600xi32>
    tpu.vector_store %arg11[%swap3A_66], %slice3A_65 {strides = array<i32>} : memref<89600xi32, #tpu.memory_space<vmem>>, vector<89600xi32>,
    return
  }
}

module attributes {stable_mosaic.version = 14 : i64} {
  func.func @_mlp_body(%arg0: i32, %arg1: memref<1600x128xf32, #tpu.memory_space<vmem>>, %arg2: memref<1600x128xf32, #tpu.memory_space<vmem>>, %arg3: memref<16x3200xf32, #tpu.memory_space<vmem>>, %arg4: memref<16x3200xf32, #tpu.memory_space<vmem>>, %arg5: memref<33x128xf32, #tpu.memory_space<vmem>>, %arg6: memref<128x128xf32, #tpu.memory_space<vmem>>, %arg7: memref<1x128xf32, #tpu.memory_space<vmem>>, %arg8: memref<2x128xf32, #tpu.memory_space<vmem>>, %arg9: memref<1x1xf32, #tpu.memory_space<vmem>>, %arg10: memref<1x1x3200xf32, #tpu.memory_space<vmem>>, %arg11: memref<1x1x3200xf32, #tpu.memory_space<vmem>>) attributes {dimension_semantics = [#tpu.dimension_semantics<arbitrary>], iteration_bounds = array<i64: 14>, scalar_prefetch = 0 : i64, scratch_operands = 0 : i64, tpu.core_type = #tpu.core_type<tc>, window_params = [{transform_indices = @transform_0, window_bounds = array<i64: 1600, 128>}, {transform_indices = @transform_1, window_bounds = array<i64: 1600, 128>}, {transform_indices = @transform_2, window_bounds = array<i64: 16, 3200>}, {transform_indices = @transform_3, window_bounds = array<i64: 16, 3200>}, {pipeline_mode = #tpu.pipeline_mode<synchronous>, transform_indices = @transform_4, window_bounds = array<i64: 33, 128>}, {pipeline_mode = #tpu.pipeline_mode<synchronous>, transform_indices = @transform_5, window_bounds = array<i64: 128, 128>}, {pipeline_mode = #tpu.pipeline_mode<synchronous>, transform_indices = @transform_6, window_bounds = array<i64: 1, 128>}, {pipeline_mode = #tpu.pipeline_mode<synchronous>, transform_indices = @transform_7, window_bounds = array<i64: 2, 128>}, {pipeline_mode = #tpu.pipeline_mode<synchronous>, transform_indices = @transform_8, window_bounds = array<i64: 1, 1>}, {transform_indices = @transform_9, window_bounds = array<i64: 1, 1, 3200>}, {transform_indices = @transform_10, window_bounds = array<i64: 1, 1, 3200>}]} {
    %get3A = arith.constant 0 : index
    %get3A_0 = arith.constant 0 : index
    %get3A_1 = vector.load %arg1[%get3A, %get3A_0] : memref<1600x128xf32, #tpu.memory_space<vmem>>, vector<1600x128xf32>
    %get3A_2 = arith.constant 0 : index
    %get3A_3 = arith.constant 0 : index
    %get3A_4 = vector.load %arg2[%get3A_2, %get3A_3] : memref<1600x128xf32, #tpu.memory_space<vmem>>, vector<1600x128xf32>
    %concatenate3A = tpu.concatenate %get3A_1, %get3A_4 in 0 : vector<1600x128xf32>, vector<1600x128xf32> -> vector<3200x128xf32>
    %get3A_5 = arith.constant 0 : index
    %get3A_6 = arith.constant 0 : index
    %get3A_7 = vector.load %arg3[%get3A_5, %get3A_6] : memref<16x3200xf32, #tpu.memory_space<vmem>>, vector<16x3200xf32>
    %get3A_8 = arith.constant 0 : index
    %get3A_9 = arith.constant 0 : index
    %get3A_10 = vector.load %arg4[%get3A_8, %get3A_9] : memref<16x3200xf32, #tpu.memory_space<vmem>>, vector<16x3200xf32>
    %broadcast_in_dim3A = arith.constant 1.000000e+00 : f32
    %broadcast_in_dim3A_11 = vector.broadcast %broadcast_in_dim3A : f32 to vector<1x3200xf32>
    %concatenate3A_12 = tpu.concatenate %get3A_7, %get3A_10, %broadcast_in_dim3A_11 in 0 : vector<16x3200xf32>, vector<16x3200xf32>, vector<1x3200xf32> -> vector<33x3200xf32>
    %get3A_13 = arith.constant 0 : index
    %get3A_14 = arith.constant 0 : index
    %get3A_15 = vector.load %arg5[%get3A_13, %get3A_14] : memref<33x128xf32, #tpu.memory_space<vmem>>, vector<33x128xf32>
    %dot_general3A = arith.constant dense<0.000000e+00> : vector<3200x128xf32>
    %dot_general3A_16 = tpu.matmul %concatenate3A_12, %get3A_15, %dot_general3A {dimension_numbers = #tpu.dot_dimension_numbers<[0], [0], [1], [1], [0, 1, 1, 1], [], []>, transpose_lhs_hint = false} : vector<33x3200xf32>, vector<33x128xf32>, vector<3200x128xf32> -> vector<3200x128xf32>
    %add3A = arith.addf %concatenate3A, %dot_general3A_16 : vector<3200x128xf32>
    %gt3A = arith.constant 0.000000e+00 : f32
    %gt3A_17 = vector.broadcast %gt3A : f32 to vector<3200x128xf32>
    %gt3A_18 = arith.cmpf ogt, %add3A, %gt3A_17 : vector<3200x128xf32>
    %exp3A = math.exp %add3A : vector<3200x128xf32>
    %sub3A = arith.constant 1.000000e+00 : f32
    %sub3A_19 = vector.broadcast %sub3A : f32 to vector<3200x128xf32>
    %sub3A_20 = arith.subf %exp3A, %sub3A_19 : vector<3200x128xf32>
    %select_n3A = arith.select %gt3A_18, %add3A, %sub3A_20 : vector<3200x128xi1>, vector<3200x128xf32>
    %get3A_21 = arith.constant 0 : index
    %get3A_22 = arith.constant 0 : index
    %get3A_23 = vector.load %arg6[%get3A_21, %get3A_22] : memref<128x128xf32, #tpu.memory_space<vmem>>, vector<128x128xf32>
    %dot_general3A_24 = arith.constant dense<0.000000e+00> : vector<3200x128xf32>
    %dot_general3A_25 = tpu.matmul %select_n3A, %get3A_23, %dot_general3A_24 {dimension_numbers = #tpu.dot_dimension_numbers<[1], [0], [0], [1], [0, 0, 1, 1], [], []>, transpose_lhs_hint = false} : vector<3200x128xf32>, vector<128x128xf32>, vector<3200x128xf32> -> vector<3200x128xf32>
    %get3A_26 = arith.constant 0 : index
    %get3A_27 = arith.constant 0 : index
    %get3A_28 = vector.load %arg7[%get3A_26, %get3A_27] : memref<1x128xf32, #tpu.memory_space<vmem>>, vector<1x128xf32>
    %add3A_29 = vector.broadcast %get3A_28 : vector<1x128xf32> to vector<3200x128xf32>
    %add3A_30 = arith.addf %dot_general3A_25, %add3A_29 : vector<3200x128xf32>
    %gt3A_31 = arith.constant 0.000000e+00 : f32
    %gt3A_32 = vector.broadcast %gt3A_31 : f32 to vector<3200x128xf32>
    %gt3A_33 = arith.cmpf ogt, %add3A_30, %gt3A_32 : vector<3200x128xf32>
    %exp3A_34 = math.exp %add3A_30 : vector<3200x128xf32>
    %sub3A_35 = arith.constant 1.000000e+00 : f32
    %sub3A_36 = vector.broadcast %sub3A_35 : f32 to vector<3200x128xf32>
    %sub3A_37 = arith.subf %exp3A_34, %sub3A_36 : vector<3200x128xf32>
    %select_n3A_38 = arith.select %gt3A_33, %add3A_30, %sub3A_37 : vector<3200x128xi1>, vector<3200x128xf32>
    %get3A_39 = arith.constant 0 : index
    %get3A_40 = arith.constant 0 : index
    %get3A_41 = vector.load %arg8[%get3A_39, %get3A_40] : memref<2x128xf32, #tpu.memory_space<vmem>>, vector<2x128xf32>
    %dot_general3A_42 = arith.constant dense<0.000000e+00> : vector<2x3200xf32>
    %dot_general3A_43 = tpu.matmul %get3A_41, %select_n3A_38, %dot_general3A_42 {dimension_numbers = #tpu.dot_dimension_numbers<[1], [1], [0], [0], [0, 0, 1, 0], [], []>, transpose_lhs_hint = false} : vector<2x128xf32>, vector<3200x128xf32>, vector<2x3200xf32> -> vector<2x3200xf32>
    %get3A_44 = arith.constant 0 : index
    %get3A_45 = arith.constant 0 : index
    %get3A_46 = vector.load %arg9[%get3A_44, %get3A_45] : memref<1x1xf32, #tpu.memory_space<vmem>>, vector<1x1xf32>
    %add3A_47 = vector.broadcast %get3A_46 : vector<1x1xf32> to vector<2x3200xf32>
    %add3A_48 = arith.addf %dot_general3A_43, %add3A_47 : vector<2x3200xf32>
    %max3A = arith.constant 0.000000e+00 : f32
    %max3A_49 = vector.broadcast %max3A : f32 to vector<2x3200xf32>
    %max3A_50 = arith.maximumf %add3A_48, %max3A_49 : vector<2x3200xf32>
    %abs3A = math.absf %add3A_48 : vector<2x3200xf32>
    %neg3A = arith.constant 0.000000e+00 : f32
    %neg3A_51 = vector.broadcast %neg3A : f32 to vector<2x3200xf32>
    %neg3A_52 = arith.subf %neg3A_51, %abs3A : vector<2x3200xf32>
    %exp3A_53 = math.exp %neg3A_52 : vector<2x3200xf32>
    %add3A_54 = arith.constant 1.000000e+00 : f32
    %add3A_55 = vector.broadcast %add3A_54 : f32 to vector<2x3200xf32>
    %add3A_56 = arith.addf %add3A_55, %exp3A_53 : vector<2x3200xf32>
    %log3A = math.log %add3A_56 : vector<2x3200xf32>
    %add3A_57 = arith.addf %max3A_50, %log3A : vector<2x3200xf32>
    %slice3A = vector.extract_strided_slice %add3A_57 {offsets = [0, 0], sizes = [1, 3200], strides = [1, 1]} : vector<2x3200xf32> to vector<1x3200xf32>
    %swap3A = arith.constant 0 : index
    %swap3A_58 = arith.constant 0 : index
    %swap3A_59 = arith.constant 0 : index
    %swap3A_60 = vector.load %arg10[%swap3A, %swap3A_58, %swap3A_59] : memref<1x1x3200xf32, #tpu.memory_space<vmem>>, vector<1x1x3200xf32>
    %swap3A_61 = vector.shape_cast %swap3A_60 : vector<1x1x3200xf32> to vector<1x3200xf32>
    %swap3A_62 = vector.shape_cast %slice3A : vector<1x3200xf32> to vector<1x1x3200xf32>
    tpu.vector_store %arg10[%swap3A, %swap3A_58, %swap3A_59], %swap3A_62 {strides = array<i32>} : memref<1x1x3200xf32, #tpu.memory_space<vmem>>, vector<1x1x3200xf32>,
    %slice3A_63 = vector.extract_strided_slice %add3A_57 {offsets = [1, 0], sizes = [1, 3200], strides = [1, 1]} : vector<2x3200xf32> to vector<1x3200xf32>
    %swap3A_64 = arith.constant 0 : index
    %swap3A_65 = arith.constant 0 : index
    %swap3A_66 = arith.constant 0 : index
    %swap3A_67 = vector.load %arg11[%swap3A_64, %swap3A_65, %swap3A_66] : memref<1x1x3200xf32, #tpu.memory_space<vmem>>, vector<1x1x3200xf32>
    %swap3A_68 = vector.shape_cast %swap3A_67 : vector<1x1x3200xf32> to vector<1x3200xf32>
    %swap3A_69 = vector.shape_cast %slice3A_63 : vector<1x3200xf32> to vector<1x1x3200xf32>
    tpu.vector_store %arg11[%swap3A_64, %swap3A_65, %swap3A_66], %swap3A_69 {strides = array<i32>} : memref<1x1x3200xf32, #tpu.memory_space<vmem>>, vector<1x1x3200xf32>,
    return
  }
  func.func @transform_0(%arg0: i32) -> (i32, i32) {
    %mul3A = arith.constant 2 : i32
    %mul3A_0 = arith.muli %mul3A, %arg0 : i32
    %c0_i32 = arith.constant 0 : i32
    %c0_i32_1 = arith.constant 0 : i32
    return %mul3A_0, %c0_i32 : i32, i32
  }
  func.func @transform_1(%arg0: i32) -> (i32, i32) {
    %mul3A = arith.constant 2 : i32
    %mul3A_0 = arith.muli %mul3A, %arg0 : i32
    %add3A = arith.constant 1 : i32
    %add3A_1 = arith.addi %mul3A_0, %add3A : i32
    %c0_i32 = arith.constant 0 : i32
    %c0_i32_2 = arith.constant 0 : i32
    return %add3A_1, %c0_i32 : i32, i32
  }
  func.func @transform_2(%arg0: i32) -> (i32, i32) {
    %add3A = arith.constant 72 : i32
    %add3A_0 = arith.addi %arg0, %add3A : i32
    %c0_i32 = arith.constant 0 : i32
    %c0_i32_1 = arith.constant 0 : i32
    return %c0_i32, %add3A_0 : i32, i32
  }
  func.func @transform_3(%arg0: i32) -> (i32, i32) {
    %add3A = arith.constant 86 : i32
    %add3A_0 = arith.addi %arg0, %add3A : i32
    %c0_i32 = arith.constant 0 : i32
    %c0_i32_1 = arith.constant 0 : i32
    return %c0_i32, %add3A_0 : i32, i32
  }
  func.func @transform_4(%arg0: i32) -> (i32, i32) {
    %c0_i32 = arith.constant 0 : i32
    %c0_i32_0 = arith.constant 0 : i32
    %c0_i32_1 = arith.constant 0 : i32
    return %c0_i32, %c0_i32_0 : i32, i32
  }
  func.func @transform_5(%arg0: i32) -> (i32, i32) {
    %c0_i32 = arith.constant 0 : i32
    %c0_i32_0 = arith.constant 0 : i32
    %c0_i32_1 = arith.constant 0 : i32
    return %c0_i32, %c0_i32_0 : i32, i32
  }
  func.func @transform_6(%arg0: i32) -> (i32, i32) {
    %c0_i32 = arith.constant 0 : i32
    %c0_i32_0 = arith.constant 0 : i32
    %c0_i32_1 = arith.constant 0 : i32
    return %c0_i32, %c0_i32_0 : i32, i32
  }
  func.func @transform_7(%arg0: i32) -> (i32, i32) {
    %c0_i32 = arith.constant 0 : i32
    %c0_i32_0 = arith.constant 0 : i32
    %c0_i32_1 = arith.constant 0 : i32
    return %c0_i32, %c0_i32_0 : i32, i32
  }
  func.func @transform_8(%arg0: i32) -> (i32, i32) {
    %c0_i32 = arith.constant 0 : i32
    %c0_i32_0 = arith.constant 0 : i32
    %c0_i32_1 = arith.constant 0 : i32
    return %c0_i32, %c0_i32_0 : i32, i32
  }
  func.func @transform_9(%arg0: i32) -> (i32, i32, i32) {
    %c0_i32 = arith.constant 0 : i32
    %c0_i32_0 = arith.constant 0 : i32
    %c0_i32_1 = arith.constant 0 : i32
    return %arg0, %c0_i32, %c0_i32_0 : i32, i32, i32
  }
  func.func @transform_10(%arg0: i32) -> (i32, i32, i32) {
    %c0_i32 = arith.constant 0 : i32
    %c0_i32_0 = arith.constant 0 : i32
    %c0_i32_1 = arith.constant 0 : i32
    return %arg0, %c0_i32, %c0_i32_0 : i32, i32, i32
  }
}

module attributes {stable_mosaic.version = 14 : i64} {
  func.func @_mlp_body(%arg0: i32, %arg1: memref<1600x128xf32, #tpu.memory_space<vmem>>, %arg2: memref<1600x128xf32, #tpu.memory_space<vmem>>, %arg3: memref<16x3200xf32, #tpu.memory_space<vmem>>, %arg4: memref<16x3200xf32, #tpu.memory_space<vmem>>, %arg5: memref<33x128xf32, #tpu.memory_space<vmem>>, %arg6: memref<128x128xf32, #tpu.memory_space<vmem>>, %arg7: memref<1x128xf32, #tpu.memory_space<vmem>>, %arg8: memref<2x128xf32, #tpu.memory_space<vmem>>, %arg9: memref<1x1xf32, #tpu.memory_space<vmem>>, %arg10: memref<1x1x3200xf32, #tpu.memory_space<vmem>>, %arg11: memref<1x1x3200xf32, #tpu.memory_space<vmem>>) attributes {dimension_semantics = [#tpu.dimension_semantics<arbitrary>], iteration_bounds = array<i64: 14>, scalar_prefetch = 0 : i64, scratch_operands = 0 : i64, tpu.core_type = #tpu.core_type<tc>, window_params = [{transform_indices = @transform_0, window_bounds = array<i64: 1600, 128>}, {transform_indices = @transform_1, window_bounds = array<i64: 1600, 128>}, {transform_indices = @transform_2, window_bounds = array<i64: 16, 3200>}, {transform_indices = @transform_3, window_bounds = array<i64: 16, 3200>}, {pipeline_mode = #tpu.pipeline_mode<synchronous>, transform_indices = @transform_4, window_bounds = array<i64: 33, 128>}, {pipeline_mode = #tpu.pipeline_mode<synchronous>, transform_indices = @transform_5, window_bounds = array<i64: 128, 128>}, {pipeline_mode = #tpu.pipeline_mode<synchronous>, transform_indices = @transform_6, window_bounds = array<i64: 1, 128>}, {pipeline_mode = #tpu.pipeline_mode<synchronous>, transform_indices = @transform_7, window_bounds = array<i64: 2, 128>}, {pipeline_mode = #tpu.pipeline_mode<synchronous>, transform_indices = @transform_8, window_bounds = array<i64: 1, 1>}, {transform_indices = @transform_9, window_bounds = array<i64: 1, 1, 3200>}, {transform_indices = @transform_10, window_bounds = array<i64: 1, 1, 3200>}]} {
    %get3A = arith.constant 0 : index
    %get3A_0 = arith.constant 0 : index
    %get3A_1 = vector.load %arg1[%get3A, %get3A_0] : memref<1600x128xf32, #tpu.memory_space<vmem>>, vector<1600x128xf32>
    %get3A_2 = arith.constant 0 : index
    %get3A_3 = arith.constant 0 : index
    %get3A_4 = vector.load %arg2[%get3A_2, %get3A_3] : memref<1600x128xf32, #tpu.memory_space<vmem>>, vector<1600x128xf32>
    %concatenate3A = tpu.concatenate %get3A_1, %get3A_4 in 0 : vector<1600x128xf32>, vector<1600x128xf32> -> vector<3200x128xf32>
    %get3A_5 = arith.constant 0 : index
    %get3A_6 = arith.constant 0 : index
    %get3A_7 = vector.load %arg3[%get3A_5, %get3A_6] : memref<16x3200xf32, #tpu.memory_space<vmem>>, vector<16x3200xf32>
    %get3A_8 = arith.constant 0 : index
    %get3A_9 = arith.constant 0 : index
    %get3A_10 = vector.load %arg4[%get3A_8, %get3A_9] : memref<16x3200xf32, #tpu.memory_space<vmem>>, vector<16x3200xf32>
    %broadcast_in_dim3A = arith.constant 1.000000e+00 : f32
    %broadcast_in_dim3A_11 = vector.broadcast %broadcast_in_dim3A : f32 to vector<1x3200xf32>
    %concatenate3A_12 = tpu.concatenate %get3A_7, %get3A_10, %broadcast_in_dim3A_11 in 0 : vector<16x3200xf32>, vector<16x3200xf32>, vector<1x3200xf32> -> vector<33x3200xf32>
    %get3A_13 = arith.constant 0 : index
    %get3A_14 = arith.constant 0 : index
    %get3A_15 = vector.load %arg5[%get3A_13, %get3A_14] : memref<33x128xf32, #tpu.memory_space<vmem>>, vector<33x128xf32>
    %dot_general3A = arith.constant dense<0.000000e+00> : vector<3200x128xf32>
    %dot_general3A_16 = tpu.matmul %concatenate3A_12, %get3A_15, %dot_general3A {dimension_numbers = #tpu.dot_dimension_numbers<[0], [0], [1], [1], [0, 1, 1, 1], [], []>, transpose_lhs_hint = false} : vector<33x3200xf32>, vector<33x128xf32>, vector<3200x128xf32> -> vector<3200x128xf32>
    %add3A = arith.addf %concatenate3A, %dot_general3A_16 : vector<3200x128xf32>
    %gt3A = arith.constant 0.000000e+00 : f32
    %gt3A_17 = vector.broadcast %gt3A : f32 to vector<3200x128xf32>
    %gt3A_18 = arith.cmpf ogt, %add3A, %gt3A_17 : vector<3200x128xf32>
    %exp3A = math.exp %add3A : vector<3200x128xf32>
    %sub3A = arith.constant 1.000000e+00 : f32
    %sub3A_19 = vector.broadcast %sub3A : f32 to vector<3200x128xf32>
    %sub3A_20 = arith.subf %exp3A, %sub3A_19 : vector<3200x128xf32>
    %select_n3A = arith.select %gt3A_18, %add3A, %sub3A_20 : vector<3200x128xi1>, vector<3200x128xf32>
    %get3A_21 = arith.constant 0 : index
    %get3A_22 = arith.constant 0 : index
    %get3A_23 = vector.load %arg6[%get3A_21, %get3A_22] : memref<128x128xf32, #tpu.memory_space<vmem>>, vector<128x128xf32>
    %dot_general3A_24 = arith.constant dense<0.000000e+00> : vector<3200x128xf32>
    %dot_general3A_25 = tpu.matmul %select_n3A, %get3A_23, %dot_general3A_24 {dimension_numbers = #tpu.dot_dimension_numbers<[1], [0], [0], [1], [0, 0, 1, 1], [], []>, transpose_lhs_hint = false} : vector<3200x128xf32>, vector<128x128xf32>, vector<3200x128xf32> -> vector<3200x128xf32>
    %get3A_26 = arith.constant 0 : index
    %get3A_27 = arith.constant 0 : index
    %get3A_28 = vector.load %arg7[%get3A_26, %get3A_27] : memref<1x128xf32, #tpu.memory_space<vmem>>, vector<1x128xf32>
    %add3A_29 = vector.broadcast %get3A_28 : vector<1x128xf32> to vector<3200x128xf32>
    %add3A_30 = arith.addf %dot_general3A_25, %add3A_29 : vector<3200x128xf32>
    %gt3A_31 = arith.constant 0.000000e+00 : f32
    %gt3A_32 = vector.broadcast %gt3A_31 : f32 to vector<3200x128xf32>
    %gt3A_33 = arith.cmpf ogt, %add3A_30, %gt3A_32 : vector<3200x128xf32>
    %exp3A_34 = math.exp %add3A_30 : vector<3200x128xf32>
    %sub3A_35 = arith.constant 1.000000e+00 : f32
    %sub3A_36 = vector.broadcast %sub3A_35 : f32 to vector<3200x128xf32>
    %sub3A_37 = arith.subf %exp3A_34, %sub3A_36 : vector<3200x128xf32>
    %select_n3A_38 = arith.select %gt3A_33, %add3A_30, %sub3A_37 : vector<3200x128xi1>, vector<3200x128xf32>
    %get3A_39 = arith.constant 0 : index
    %get3A_40 = arith.constant 0 : index
    %get3A_41 = vector.load %arg8[%get3A_39, %get3A_40] : memref<2x128xf32, #tpu.memory_space<vmem>>, vector<2x128xf32>
    %dot_general3A_42 = arith.constant dense<0.000000e+00> : vector<2x3200xf32>
    %dot_general3A_43 = tpu.matmul %get3A_41, %select_n3A_38, %dot_general3A_42 {dimension_numbers = #tpu.dot_dimension_numbers<[1], [1], [0], [0], [0, 0, 1, 0], [], []>, transpose_lhs_hint = false} : vector<2x128xf32>, vector<3200x128xf32>, vector<2x3200xf32> -> vector<2x3200xf32>
    %get3A_44 = arith.constant 0 : index
    %get3A_45 = arith.constant 0 : index
    %get3A_46 = vector.load %arg9[%get3A_44, %get3A_45] : memref<1x1xf32, #tpu.memory_space<vmem>>, vector<1x1xf32>
    %add3A_47 = vector.broadcast %get3A_46 : vector<1x1xf32> to vector<2x3200xf32>
    %add3A_48 = arith.addf %dot_general3A_43, %add3A_47 : vector<2x3200xf32>
    %max3A = arith.constant 0.000000e+00 : f32
    %max3A_49 = vector.broadcast %max3A : f32 to vector<2x3200xf32>
    %max3A_50 = arith.maximumf %add3A_48, %max3A_49 : vector<2x3200xf32>
    %abs3A = math.absf %add3A_48 : vector<2x3200xf32>
    %neg3A = arith.constant 0.000000e+00 : f32
    %neg3A_51 = vector.broadcast %neg3A : f32 to vector<2x3200xf32>
    %neg3A_52 = arith.subf %neg3A_51, %abs3A : vector<2x3200xf32>
    %exp3A_53 = math.exp %neg3A_52 : vector<2x3200xf32>
    %add3A_54 = arith.constant 1.000000e+00 : f32
    %add3A_55 = vector.broadcast %add3A_54 : f32 to vector<2x3200xf32>
    %add3A_56 = arith.addf %add3A_55, %exp3A_53 : vector<2x3200xf32>
    %log3A = math.log %add3A_56 : vector<2x3200xf32>
    %add3A_57 = arith.addf %max3A_50, %log3A : vector<2x3200xf32>
    %slice3A = vector.extract_strided_slice %add3A_57 {offsets = [0, 0], sizes = [1, 3200], strides = [1, 1]} : vector<2x3200xf32> to vector<1x3200xf32>
    %swap3A = arith.constant 0 : index
    %swap3A_58 = arith.constant 0 : index
    %swap3A_59 = arith.constant 0 : index
    %swap3A_60 = vector.load %arg10[%swap3A, %swap3A_58, %swap3A_59] : memref<1x1x3200xf32, #tpu.memory_space<vmem>>, vector<1x1x3200xf32>
    %swap3A_61 = vector.shape_cast %swap3A_60 : vector<1x1x3200xf32> to vector<1x3200xf32>
    %swap3A_62 = vector.shape_cast %slice3A : vector<1x3200xf32> to vector<1x1x3200xf32>
    tpu.vector_store %arg10[%swap3A, %swap3A_58, %swap3A_59], %swap3A_62 {strides = array<i32>} : memref<1x1x3200xf32, #tpu.memory_space<vmem>>, vector<1x1x3200xf32>,
    %slice3A_63 = vector.extract_strided_slice %add3A_57 {offsets = [1, 0], sizes = [1, 3200], strides = [1, 1]} : vector<2x3200xf32> to vector<1x3200xf32>
    %swap3A_64 = arith.constant 0 : index
    %swap3A_65 = arith.constant 0 : index
    %swap3A_66 = arith.constant 0 : index
    %swap3A_67 = vector.load %arg11[%swap3A_64, %swap3A_65, %swap3A_66] : memref<1x1x3200xf32, #tpu.memory_space<vmem>>, vector<1x1x3200xf32>
    %swap3A_68 = vector.shape_cast %swap3A_67 : vector<1x1x3200xf32> to vector<1x3200xf32>
    %swap3A_69 = vector.shape_cast %slice3A_63 : vector<1x3200xf32> to vector<1x1x3200xf32>
    tpu.vector_store %arg11[%swap3A_64, %swap3A_65, %swap3A_66], %swap3A_69 {strides = array<i32>} : memref<1x1x3200xf32, #tpu.memory_space<vmem>>, vector<1x1x3200xf32>,
    return
  }
  func.func @transform_0(%arg0: i32) -> (i32, i32) {
    %mul3A = arith.constant 2 : i32
    %mul3A_0 = arith.muli %mul3A, %arg0 : i32
    %c0_i32 = arith.constant 0 : i32
    %c0_i32_1 = arith.constant 0 : i32
    return %mul3A_0, %c0_i32 : i32, i32
  }
  func.func @transform_1(%arg0: i32) -> (i32, i32) {
    %mul3A = arith.constant 2 : i32
    %mul3A_0 = arith.muli %mul3A, %arg0 : i32
    %add3A = arith.constant 1 : i32
    %add3A_1 = arith.addi %mul3A_0, %add3A : i32
    %c0_i32 = arith.constant 0 : i32
    %c0_i32_2 = arith.constant 0 : i32
    return %add3A_1, %c0_i32 : i32, i32
  }
  func.func @transform_2(%arg0: i32) -> (i32, i32) {
    %add3A = arith.constant 0 : i32
    %add3A_0 = arith.addi %arg0, %add3A : i32
    %c0_i32 = arith.constant 0 : i32
    %c0_i32_1 = arith.constant 0 : i32
    return %c0_i32, %add3A_0 : i32, i32
  }
  func.func @transform_3(%arg0: i32) -> (i32, i32) {
    %add3A = arith.constant 14 : i32
    %add3A_0 = arith.addi %arg0, %add3A : i32
    %c0_i32 = arith.constant 0 : i32
    %c0_i32_1 = arith.constant 0 : i32
    return %c0_i32, %add3A_0 : i32, i32
  }
  func.func @transform_4(%arg0: i32) -> (i32, i32) {
    %c0_i32 = arith.constant 0 : i32
    %c0_i32_0 = arith.constant 0 : i32
    %c0_i32_1 = arith.constant 0 : i32
    return %c0_i32, %c0_i32_0 : i32, i32
  }
  func.func @transform_5(%arg0: i32) -> (i32, i32) {
    %c0_i32 = arith.constant 0 : i32
    %c0_i32_0 = arith.constant 0 : i32
    %c0_i32_1 = arith.constant 0 : i32
    return %c0_i32, %c0_i32_0 : i32, i32
  }
  func.func @transform_6(%arg0: i32) -> (i32, i32) {
    %c0_i32 = arith.constant 0 : i32
    %c0_i32_0 = arith.constant 0 : i32
    %c0_i32_1 = arith.constant 0 : i32
    return %c0_i32, %c0_i32_0 : i32, i32
  }
  func.func @transform_7(%arg0: i32) -> (i32, i32) {
    %c0_i32 = arith.constant 0 : i32
    %c0_i32_0 = arith.constant 0 : i32
    %c0_i32_1 = arith.constant 0 : i32
    return %c0_i32, %c0_i32_0 : i32, i32
  }
  func.func @transform_8(%arg0: i32) -> (i32, i32) {
    %c0_i32 = arith.constant 0 : i32
    %c0_i32_0 = arith.constant 0 : i32
    %c0_i32_1 = arith.constant 0 : i32
    return %c0_i32, %c0_i32_0 : i32, i32
  }
  func.func @transform_9(%arg0: i32) -> (i32, i32, i32) {
    %c0_i32 = arith.constant 0 : i32
    %c0_i32_0 = arith.constant 0 : i32
    %c0_i32_1 = arith.constant 0 : i32
    return %arg0, %c0_i32, %c0_i32_0 : i32, i32, i32
  }
  func.func @transform_10(%arg0: i32) -> (i32, i32, i32) {
    %c0_i32 = arith.constant 0 : i32
    %c0_i32_0 = arith.constant 0 : i32
    %c0_i32_1 = arith.constant 0 : i32
    return %arg0, %c0_i32, %c0_i32_0 : i32, i32, i32
  }
}

module attributes {stable_mosaic.version = 14 : i64} {
  func.func @_mlp_body(%arg0: i32, %arg1: memref<1600x128xf32, #tpu.memory_space<vmem>>, %arg2: memref<1600x128xf32, #tpu.memory_space<vmem>>, %arg3: memref<16x3200xf32, #tpu.memory_space<vmem>>, %arg4: memref<16x3200xf32, #tpu.memory_space<vmem>>, %arg5: memref<33x128xf32, #tpu.memory_space<vmem>>, %arg6: memref<128x128xf32, #tpu.memory_space<vmem>>, %arg7: memref<1x128xf32, #tpu.memory_space<vmem>>, %arg8: memref<2x128xf32, #tpu.memory_space<vmem>>, %arg9: memref<1x1xf32, #tpu.memory_space<vmem>>, %arg10: memref<1x1x3200xf32, #tpu.memory_space<vmem>>, %arg11: memref<1x1x3200xf32, #tpu.memory_space<vmem>>) attributes {dimension_semantics = [#tpu.dimension_semantics<arbitrary>], iteration_bounds = array<i64: 22>, scalar_prefetch = 0 : i64, scratch_operands = 0 : i64, tpu.core_type = #tpu.core_type<tc>, window_params = [{transform_indices = @transform_0, window_bounds = array<i64: 1600, 128>}, {transform_indices = @transform_1, window_bounds = array<i64: 1600, 128>}, {transform_indices = @transform_2, window_bounds = array<i64: 16, 3200>}, {transform_indices = @transform_3, window_bounds = array<i64: 16, 3200>}, {pipeline_mode = #tpu.pipeline_mode<synchronous>, transform_indices = @transform_4, window_bounds = array<i64: 33, 128>}, {pipeline_mode = #tpu.pipeline_mode<synchronous>, transform_indices = @transform_5, window_bounds = array<i64: 128, 128>}, {pipeline_mode = #tpu.pipeline_mode<synchronous>, transform_indices = @transform_6, window_bounds = array<i64: 1, 128>}, {pipeline_mode = #tpu.pipeline_mode<synchronous>, transform_indices = @transform_7, window_bounds = array<i64: 2, 128>}, {pipeline_mode = #tpu.pipeline_mode<synchronous>, transform_indices = @transform_8, window_bounds = array<i64: 1, 1>}, {transform_indices = @transform_9, window_bounds = array<i64: 1, 1, 3200>}, {transform_indices = @transform_10, window_bounds = array<i64: 1, 1, 3200>}]} {
    %get3A = arith.constant 0 : index
    %get3A_0 = arith.constant 0 : index
    %get3A_1 = vector.load %arg1[%get3A, %get3A_0] : memref<1600x128xf32, #tpu.memory_space<vmem>>, vector<1600x128xf32>
    %get3A_2 = arith.constant 0 : index
    %get3A_3 = arith.constant 0 : index
    %get3A_4 = vector.load %arg2[%get3A_2, %get3A_3] : memref<1600x128xf32, #tpu.memory_space<vmem>>, vector<1600x128xf32>
    %concatenate3A = tpu.concatenate %get3A_1, %get3A_4 in 0 : vector<1600x128xf32>, vector<1600x128xf32> -> vector<3200x128xf32>
    %get3A_5 = arith.constant 0 : index
    %get3A_6 = arith.constant 0 : index
    %get3A_7 = vector.load %arg3[%get3A_5, %get3A_6] : memref<16x3200xf32, #tpu.memory_space<vmem>>, vector<16x3200xf32>
    %get3A_8 = arith.constant 0 : index
    %get3A_9 = arith.constant 0 : index
    %get3A_10 = vector.load %arg4[%get3A_8, %get3A_9] : memref<16x3200xf32, #tpu.memory_space<vmem>>, vector<16x3200xf32>
    %broadcast_in_dim3A = arith.constant 1.000000e+00 : f32
    %broadcast_in_dim3A_11 = vector.broadcast %broadcast_in_dim3A : f32 to vector<1x3200xf32>
    %concatenate3A_12 = tpu.concatenate %get3A_7, %get3A_10, %broadcast_in_dim3A_11 in 0 : vector<16x3200xf32>, vector<16x3200xf32>, vector<1x3200xf32> -> vector<33x3200xf32>
    %get3A_13 = arith.constant 0 : index
    %get3A_14 = arith.constant 0 : index
    %get3A_15 = vector.load %arg5[%get3A_13, %get3A_14] : memref<33x128xf32, #tpu.memory_space<vmem>>, vector<33x128xf32>
    %dot_general3A = arith.constant dense<0.000000e+00> : vector<3200x128xf32>
    %dot_general3A_16 = tpu.matmul %concatenate3A_12, %get3A_15, %dot_general3A {dimension_numbers = #tpu.dot_dimension_numbers<[0], [0], [1], [1], [0, 1, 1, 1], [], []>, transpose_lhs_hint = false} : vector<33x3200xf32>, vector<33x128xf32>, vector<3200x128xf32> -> vector<3200x128xf32>
    %add3A = arith.addf %concatenate3A, %dot_general3A_16 : vector<3200x128xf32>
    %gt3A = arith.constant 0.000000e+00 : f32
    %gt3A_17 = vector.broadcast %gt3A : f32 to vector<3200x128xf32>
    %gt3A_18 = arith.cmpf ogt, %add3A, %gt3A_17 : vector<3200x128xf32>
    %exp3A = math.exp %add3A : vector<3200x128xf32>
    %sub3A = arith.constant 1.000000e+00 : f32
    %sub3A_19 = vector.broadcast %sub3A : f32 to vector<3200x128xf32>
    %sub3A_20 = arith.subf %exp3A, %sub3A_19 : vector<3200x128xf32>
    %select_n3A = arith.select %gt3A_18, %add3A, %sub3A_20 : vector<3200x128xi1>, vector<3200x128xf32>
    %get3A_21 = arith.constant 0 : index
    %get3A_22 = arith.constant 0 : index
    %get3A_23 = vector.load %arg6[%get3A_21, %get3A_22] : memref<128x128xf32, #tpu.memory_space<vmem>>, vector<128x128xf32>
    %dot_general3A_24 = arith.constant dense<0.000000e+00> : vector<3200x128xf32>
    %dot_general3A_25 = tpu.matmul %select_n3A, %get3A_23, %dot_general3A_24 {dimension_numbers = #tpu.dot_dimension_numbers<[1], [0], [0], [1], [0, 0, 1, 1], [], []>, transpose_lhs_hint = false} : vector<3200x128xf32>, vector<128x128xf32>, vector<3200x128xf32> -> vector<3200x128xf32>
    %get3A_26 = arith.constant 0 : index
    %get3A_27 = arith.constant 0 : index
    %get3A_28 = vector.load %arg7[%get3A_26, %get3A_27] : memref<1x128xf32, #tpu.memory_space<vmem>>, vector<1x128xf32>
    %add3A_29 = vector.broadcast %get3A_28 : vector<1x128xf32> to vector<3200x128xf32>
    %add3A_30 = arith.addf %dot_general3A_25, %add3A_29 : vector<3200x128xf32>
    %gt3A_31 = arith.constant 0.000000e+00 : f32
    %gt3A_32 = vector.broadcast %gt3A_31 : f32 to vector<3200x128xf32>
    %gt3A_33 = arith.cmpf ogt, %add3A_30, %gt3A_32 : vector<3200x128xf32>
    %exp3A_34 = math.exp %add3A_30 : vector<3200x128xf32>
    %sub3A_35 = arith.constant 1.000000e+00 : f32
    %sub3A_36 = vector.broadcast %sub3A_35 : f32 to vector<3200x128xf32>
    %sub3A_37 = arith.subf %exp3A_34, %sub3A_36 : vector<3200x128xf32>
    %select_n3A_38 = arith.select %gt3A_33, %add3A_30, %sub3A_37 : vector<3200x128xi1>, vector<3200x128xf32>
    %get3A_39 = arith.constant 0 : index
    %get3A_40 = arith.constant 0 : index
    %get3A_41 = vector.load %arg8[%get3A_39, %get3A_40] : memref<2x128xf32, #tpu.memory_space<vmem>>, vector<2x128xf32>
    %dot_general3A_42 = arith.constant dense<0.000000e+00> : vector<2x3200xf32>
    %dot_general3A_43 = tpu.matmul %get3A_41, %select_n3A_38, %dot_general3A_42 {dimension_numbers = #tpu.dot_dimension_numbers<[1], [1], [0], [0], [0, 0, 1, 0], [], []>, transpose_lhs_hint = false} : vector<2x128xf32>, vector<3200x128xf32>, vector<2x3200xf32> -> vector<2x3200xf32>
    %get3A_44 = arith.constant 0 : index
    %get3A_45 = arith.constant 0 : index
    %get3A_46 = vector.load %arg9[%get3A_44, %get3A_45] : memref<1x1xf32, #tpu.memory_space<vmem>>, vector<1x1xf32>
    %add3A_47 = vector.broadcast %get3A_46 : vector<1x1xf32> to vector<2x3200xf32>
    %add3A_48 = arith.addf %dot_general3A_43, %add3A_47 : vector<2x3200xf32>
    %max3A = arith.constant 0.000000e+00 : f32
    %max3A_49 = vector.broadcast %max3A : f32 to vector<2x3200xf32>
    %max3A_50 = arith.maximumf %add3A_48, %max3A_49 : vector<2x3200xf32>
    %abs3A = math.absf %add3A_48 : vector<2x3200xf32>
    %neg3A = arith.constant 0.000000e+00 : f32
    %neg3A_51 = vector.broadcast %neg3A : f32 to vector<2x3200xf32>
    %neg3A_52 = arith.subf %neg3A_51, %abs3A : vector<2x3200xf32>
    %exp3A_53 = math.exp %neg3A_52 : vector<2x3200xf32>
    %add3A_54 = arith.constant 1.000000e+00 : f32
    %add3A_55 = vector.broadcast %add3A_54 : f32 to vector<2x3200xf32>
    %add3A_56 = arith.addf %add3A_55, %exp3A_53 : vector<2x3200xf32>
    %log3A = math.log %add3A_56 : vector<2x3200xf32>
    %add3A_57 = arith.addf %max3A_50, %log3A : vector<2x3200xf32>
    %slice3A = vector.extract_strided_slice %add3A_57 {offsets = [0, 0], sizes = [1, 3200], strides = [1, 1]} : vector<2x3200xf32> to vector<1x3200xf32>
    %swap3A = arith.constant 0 : index
    %swap3A_58 = arith.constant 0 : index
    %swap3A_59 = arith.constant 0 : index
    %swap3A_60 = vector.load %arg10[%swap3A, %swap3A_58, %swap3A_59] : memref<1x1x3200xf32, #tpu.memory_space<vmem>>, vector<1x1x3200xf32>
    %swap3A_61 = vector.shape_cast %swap3A_60 : vector<1x1x3200xf32> to vector<1x3200xf32>
    %swap3A_62 = vector.shape_cast %slice3A : vector<1x3200xf32> to vector<1x1x3200xf32>
    tpu.vector_store %arg10[%swap3A, %swap3A_58, %swap3A_59], %swap3A_62 {strides = array<i32>} : memref<1x1x3200xf32, #tpu.memory_space<vmem>>, vector<1x1x3200xf32>,
    %slice3A_63 = vector.extract_strided_slice %add3A_57 {offsets = [1, 0], sizes = [1, 3200], strides = [1, 1]} : vector<2x3200xf32> to vector<1x3200xf32>
    %swap3A_64 = arith.constant 0 : index
    %swap3A_65 = arith.constant 0 : index
    %swap3A_66 = arith.constant 0 : index
    %swap3A_67 = vector.load %arg11[%swap3A_64, %swap3A_65, %swap3A_66] : memref<1x1x3200xf32, #tpu.memory_space<vmem>>, vector<1x1x3200xf32>
    %swap3A_68 = vector.shape_cast %swap3A_67 : vector<1x1x3200xf32> to vector<1x3200xf32>
    %swap3A_69 = vector.shape_cast %slice3A_63 : vector<1x3200xf32> to vector<1x1x3200xf32>
    tpu.vector_store %arg11[%swap3A_64, %swap3A_65, %swap3A_66], %swap3A_69 {strides = array<i32>} : memref<1x1x3200xf32, #tpu.memory_space<vmem>>, vector<1x1x3200xf32>,
    return
  }
  func.func @transform_0(%arg0: i32) -> (i32, i32) {
    %mul3A = arith.constant 2 : i32
    %mul3A_0 = arith.muli %mul3A, %arg0 : i32
    %c0_i32 = arith.constant 0 : i32
    %c0_i32_1 = arith.constant 0 : i32
    return %mul3A_0, %c0_i32 : i32, i32
  }
  func.func @transform_1(%arg0: i32) -> (i32, i32) {
    %mul3A = arith.constant 2 : i32
    %mul3A_0 = arith.muli %mul3A, %arg0 : i32
    %add3A = arith.constant 1 : i32
    %add3A_1 = arith.addi %mul3A_0, %add3A : i32
    %c0_i32 = arith.constant 0 : i32
    %c0_i32_2 = arith.constant 0 : i32
    return %add3A_1, %c0_i32 : i32, i32
  }
  func.func @transform_2(%arg0: i32) -> (i32, i32) {
    %add3A = arith.constant 28 : i32
    %add3A_0 = arith.addi %arg0, %add3A : i32
    %c0_i32 = arith.constant 0 : i32
    %c0_i32_1 = arith.constant 0 : i32
    return %c0_i32, %add3A_0 : i32, i32
  }
  func.func @transform_3(%arg0: i32) -> (i32, i32) {
    %add3A = arith.constant 50 : i32
    %add3A_0 = arith.addi %arg0, %add3A : i32
    %c0_i32 = arith.constant 0 : i32
    %c0_i32_1 = arith.constant 0 : i32
    return %c0_i32, %add3A_0 : i32, i32
  }
  func.func @transform_4(%arg0: i32) -> (i32, i32) {
    %c0_i32 = arith.constant 0 : i32
    %c0_i32_0 = arith.constant 0 : i32
    %c0_i32_1 = arith.constant 0 : i32
    return %c0_i32, %c0_i32_0 : i32, i32
  }
  func.func @transform_5(%arg0: i32) -> (i32, i32) {
    %c0_i32 = arith.constant 0 : i32
    %c0_i32_0 = arith.constant 0 : i32
    %c0_i32_1 = arith.constant 0 : i32
    return %c0_i32, %c0_i32_0 : i32, i32
  }
  func.func @transform_6(%arg0: i32) -> (i32, i32) {
    %c0_i32 = arith.constant 0 : i32
    %c0_i32_0 = arith.constant 0 : i32
    %c0_i32_1 = arith.constant 0 : i32
    return %c0_i32, %c0_i32_0 : i32, i32
  }
  func.func @transform_7(%arg0: i32) -> (i32, i32) {
    %c0_i32 = arith.constant 0 : i32
    %c0_i32_0 = arith.constant 0 : i32
    %c0_i32_1 = arith.constant 0 : i32
    return %c0_i32, %c0_i32_0 : i32, i32
  }
  func.func @transform_8(%arg0: i32) -> (i32, i32) {
    %c0_i32 = arith.constant 0 : i32
    %c0_i32_0 = arith.constant 0 : i32
    %c0_i32_1 = arith.constant 0 : i32
    return %c0_i32, %c0_i32_0 : i32, i32
  }
  func.func @transform_9(%arg0: i32) -> (i32, i32, i32) {
    %c0_i32 = arith.constant 0 : i32
    %c0_i32_0 = arith.constant 0 : i32
    %c0_i32_1 = arith.constant 0 : i32
    return %arg0, %c0_i32, %c0_i32_0 : i32, i32, i32
  }
  func.func @transform_10(%arg0: i32) -> (i32, i32, i32) {
    %c0_i32 = arith.constant 0 : i32
    %c0_i32_0 = arith.constant 0 : i32
    %c0_i32_1 = arith.constant 0 : i32
    return %arg0, %c0_i32, %c0_i32_0 : i32, i32, i32
  }
}

</mosaic_0001>

<sc_bundles>
// kernel: kernel.12.cloned.1.call-start
scs
__scs_entry_jumppad:
0x0: {  	(pc) =	sbr.rel $0x88, $3  }
0x1: {  	(tag) =	ssettag $0x0;
	lr =	simm.s32 $0x1  }
0x2: {  	[smem:$0x3F98] =	sst lr;
	_ =	strace $0xD0000000  }
0x3: {  	_ = 	snop  }
0x4: {  	_ = 	snop  }
0x5: {  	_ = 	snop  }
0x6: {  	_ = 	snop  }
0x7: {  	_ = 	snop  }
__scs_overlays_trampoline_lowered:
0x8: {  	[smem:$0x3FA7] =	sst s0  }
0x9: {  	[smem:$0x3FA8] =	sst s1  }
0xa: {  	[smem:$0x3FA9] =	sst s2  }
0xb: {  	[smem:$0x3FAA] =	sst s3  }
0xc: {  	[smem:$0x3FAB] =	sst s4  }
0xd: {  	[smem:$0x3FAC] =	sst s5  }
0xe: {  	[smem:$0x3FAD] =	sst s6  }
0xf: {  	[smem:$0x3FAE] =	sst s7  }
0x10: {  	[smem:$0x3FAF] =	sst s8  }
0x11: {  	[smem:$0x3FB0] =	sst s9;
	s0 =	simm.s32 @!p0 $0x0  }
0x12: {  	s1 =	sld [smem:$0x3F96];
	s0 =	simm.s32 @p0 $0x1  }
0x13: {  	[smem:$0x3FB1] =	sst s0;
	s0 =	simm.s32 @!p1 $0x0  }
0x14: {  	s2 =	sld [smem:$0x3F95];
	s0 =	simm.s32 @p1 $0x1  }
0x15: {  	[smem:$0x3FB2] =	sst s0;
	s0 =	simm.s32 @!p2 $0x0  }
0x16: {  	s3 =	sld [smem:$0x3FDB];
	s0 =	simm.s32 @p2 $0x1  }
0x17: {  	s4 =	simm.s32 $0x1BF5;
	[smem:$0x3FB4] =	sst s0  }
0x18: {  	s0 =	sld [smem:$0x3F97];
	_ =	swait.ge [sflag:s4], $0x0  }
0x19: {  	s7 =	sld [smem:$0x3F98]  }
0x1a: {  	s8 =	sadd.s32 $0xFFFFE003, lr  }
0x1b: {  	s9 =	sadd.s32 $0xFFFFFEF7, lr;
	s5 =	simm.s32 $0xFFFFFFFF;
	p2 =	slt.u32 s8, $0xFFFFF086  }
0x1c: {  	p1 =	slt.u32 s9, $0xF7A;
	s5 =	simm.s32 @!p2 $0x0  }
0x1d: {  	s5 =	simm.s32 @p1 $0x1;
	p0 =	seq.s32 s7, s2  }
0x1e: {  	s7 =	smul.u32 @!p0 $0xF7A, s2;
	p2 =	seq.s32 @!p0 s5, $0x0  }
0x1f: {  	s9 =	smul.u32 $0xF7A, s1;
	s8 =	simm.s32 @!p0 $0x1BF5;
	p2 =	por !p2, p0  }
0x20: {  	[sflag:s8] =	ssyncset.s32 @!p0 $0xFFFFF086;
	s6 =	sadd.s32 @!p0 s3, s7;
	s7 =	simm.s32 @!p0 $0x108  }
0x21: {  	s3 =	sadd.s32 s3, s9;
	s6 =	sadd.s32 @!p0 $0x88, s6;
	s7 =	simm.s32 @p2 $0x1082  }
0x22: {  	[simem:s7], [sflag:s8] =	dma.local @!p0 [hbm:s6], $0xF7A  }
0x23: {  	s9 =	sor.u32 $0xD0000000, s2;
	s6 =	simm.s32 $0x108;
	_ =	swait.ge @!p0 [sflag:s8], $0x0  }
0x24: {  	s3 =	sadd.s32 $0x88, s3;
	s6 =	simm.s32 @!p1 $0x1082;
	[sflag:s4] =	ssyncset.s32 $0xFFFFF086  }
0x25: {  	[simem:s6], [sflag:s4] =	dma.local [hbm:s3], $0xF7A  }
0x26: {  	[smem:$0x3F98] =	sst s1;
	(tag) =	ssettag s2;
	_ =	strace s9  }
0x27: {  	s1 =	sld [smem:$0x3FA8]  }
0x28: {  	s2 =	sld [smem:$0x3FA9]  }
0x29: {  	s4 =	sld [smem:$0x3FAB]  }
0x2a: {  	p0 =	seq.s32 s5, $0x0;
	s5 =	sld [smem:$0x3FAC]  }
0x2b: {  	s6 =	sld [smem:$0x3FAD]  }
0x2c: {  	s7 =	sld [smem:$0x3FAE]  }
0x2d: {  	s3 =	simm.s32 $0x108;
	s8 =	sld [smem:$0x3FAF]  }
0x2e: {  	s3 =	simm.s32 @!p0 $0x1082;
	s9 =	sld [smem:$0x3FB0]  }
0x2f: {  	lr =	sadd.s32 s0, s3;
	s0 =	sld [smem:$0x3FA7]  }
0x30: {  	s3 =	sld [smem:$0x3FAA]  }
0x31: {  	[smem:$0x3FB3] =	sst s10  }
0x32: {  	s10 =	sld [smem:$0x3FB1];
	_ =	sdelay $0x3  }
0x33: {  	p0 =	seq.s32 s10, $0x1;
	s10 =	sld [smem:$0x3FB3];
	_ =	sdelay $0x3  }
0x34: {  	[smem:$0x3FB3] =	sst s10  }
0x35: {  	s10 =	sld [smem:$0x3FB2];
	_ =	sdelay $0x3  }
0x36: {  	p1 =	seq.s32 s10, $0x1;
	s10 =	sld [smem:$0x3FB3];
	_ =	sdelay $0x3  }
0x37: {  	[smem:$0x3FB3] =	sst s10  }
0x38: {  	s10 =	sld [smem:$0x3FB4]  }
0x39: {  	_ = 	snop;
	(pc) =	sbr.ind lr, $3  }
0x3a: {  	_ = 	snop  }
0x3b: {  	_ = 	snop  }
0x3c: {  	p2 =	seq.s32 s10, $0x1;
	s10 =	sld [smem:$0x3FB3]  }
0x3d: {  	_ =	shalt  }
0x3e: {  	_ =	shalt  }
0x3f: {  	_ =	shalt  }
0x40: {  	_ =	shalt  }
0x41: {  	_ =	shalt  }
0x42: {  	_ =	shalt  }
0x43: {  	_ =	shalt  }
0x44: {  	_ =	shalt  }
0x45: {  	_ =	shalt  }
0x46: {  	_ =	shalt  }
0x47: {  	_ =	shalt  }
0x48: {  	_ =	shalt  }
0x49: {  	_ =	shalt  }
0x4a: {  	_ =	shalt  }
0x4b: {  	_ =	shalt  }
0x4c: {  	_ =	shalt  }
0x4d: {  	_ =	shalt  }
0x4e: {  	_ =	shalt  }
0x4f: {  	_ =	shalt  }
0x50: {  	_ =	shalt  }
0x51: {  	_ =	shalt  }
0x52: {  	_ =	shalt  }
0x53: {  	_ =	shalt  }
0x54: {  	_ =	shalt  }
0x55: {  	_ =	shalt  }
0x56: {  	_ =	shalt  }
0x57: {  	_ =	shalt  }
0x58: {  	_ =	shalt  }
0x59: {  	_ =	shalt  }
0x5a: {  	_ =	shalt  }
0x5b: {  	_ =	shalt  }
0x5c: {  	_ =	shalt  }
0x5d: {  	_ =	shalt  }
0x5e: {  	_ =	shalt  }
0x5f: {  	_ =	shalt  }
0x60: {  	_ =	shalt  }
0x61: {  	_ =	shalt  }
0x62: {  	_ =	shalt  }
0x63: {  	_ =	shalt  }
0x64: {  	_ =	shalt  }
0x65: {  	_ =	shalt  }
0x66: {  	_ =	shalt  }
0x67: {  	_ =	shalt  }
0x68: {  	_ =	shalt  }
0x69: {  	_ =	shalt  }
0x6a: {  	_ =	shalt  }
0x6b: {  	_ =	shalt  }
0x6c: {  	_ =	shalt  }
0x6d: {  	_ =	shalt  }
0x6e: {  	_ =	shalt  }
0x6f: {  	_ =	shalt  }
0x70: {  	_ =	shalt  }
0x71: {  	_ =	shalt  }
0x72: {  	_ =	shalt  }
0x73: {  	_ =	shalt  }
0x74: {  	_ =	shalt  }
0x75: {  	_ =	shalt  }
0x76: {  	_ =	shalt  }
0x77: {  	_ =	shalt  }
0x78: {  	_ =	shalt  }
0x79: {  	_ =	shalt  }
0x7a: {  	_ =	shalt  }
0x7b: {  	_ =	shalt  }
0x7c: {  	_ =	shalt  }
0x7d: {  	_ =	shalt  }
0x7e: {  	_ =	shalt  }
0x7f: {  	_ =	shalt  }
0x80: {  	_ =	shalt  }
0x81: {  	_ =	shalt  }
0x82: {  	_ =	shalt  }
0x83: {  	_ =	shalt  }
0x84: {  	_ =	shalt  }
0x85: {  	_ =	shalt  }
0x86: {  	_ =	shalt  }
0x87: {  	_ =	shalt  }
.Lfunc_end0:
.L_simem_size_0:
called_computation.1_lowered:
.L_overlay_start_0:
0x88: {  	s2 =	sld [smem:$0x3FD9]  }
0x89: {  	s3 =	sld [smem:$0x3FFE];
	_ =	sdelay $0x1  }
0x8a: {  	s1 =	srdreg.scid  }
0x8b: {  	s0 =	sand.u32 $0x1, s1  }
0x8c: {  	s17 =	sshll.u32 s0, $0xA;
	s2 =	sadd.s32 s3, s2  }
0x8d: {  	s2 =	sadd.s32 s2, s17  }
0x8e: {  	[smem:$0x3FBF] =	sst s2  }
0x8f: {  	_ = 	snop  }
0x90: {  	s18 =	sld [smem:$0x3FD0];
	(tm) =	ssettm $0x1  }
0x91: {  	s19 =	sld [smem:$0x3FFB];
	_ =	sdelay $0x3  }
0x92: {  	_ =	strace s19  }
0x93: {  	s2 =	sld [smem:$0x3FFC];
	_ =	sdelay $0x3  }
0x94: {  	_ =	strace s2  }
0x95: {  	s2 =	sld [smem:$0x3FFD];
	_ =	sdelay $0x3  }
0x96: {  	_ =	strace s2  }
0x97: {  	_ =	strace $0x8FFFFFFF  }
0x98: {  	s20 =	sld [smem:$0x3FDB];
	_ =	sdelay $0x1  }
0x99: {  	s4 =	simm.s32 $_scs_section_size  }
0x9a: {  	s5 =	simm.s32 $_size__tile_overlayer_lowered;
	s6 =	simm.s32 $_tile_overlayer_lowered  }
0x9b: {  	s7 =	simm.s32 $0x1BFF;
	s21 =	sshll.u32 s6, $0x1;
	s4 =	sadd.s32 s4, s20  }
0x9c: {  	s22 =	simm.s32 $0x0;
	s5 =	sshll.u32 s5, $0x1;
	s6 =	sadd.s32 s21, s4  }
0x9d: {  	[timem:s22], [sflag:s7] =	dma.local [hbm:s6], s5  }
0x9e: {  	_ =	swait.ge [sflag:s7], s5  }
0x9f: {  	s5 =	ssub.s32 $0x0, s5;
	[sflag:s7] =	ssyncset.done $0x0  }
0xa0: {  	[sflag:s7] =	ssyncadd.s32 s5;
	_ =	sdelay $0x1  }
0xa1: {  	s23 =	simm.s32 $0x1B8B  }
0xa2: {  	_ =	swait.ge [sflag:s23], $0x1  }
0xa3: {  	[sflag:s23] =	ssyncset.done $0x0  }
0xa4: {  	[sflag:s23] =	ssyncadd.s32 $0xFFFFFFFF  }
0xa5: {  	s5 =	sld [smem:$0x0]  }
0xa6: {  	s6 =	sand.u32 $0xFFFFFFFE, s1  }
0xa7: {  	p0 =	sne.s32 s1, s6  }
0xa8: {  	s6 =	sshll.u32 @p0 s6, $0xE  }
0xa9: {  	s6 =	sadd.s32 @p0 $0x11B8D, s6;
	s7 =	sshll.u32 @p0 s5, $0x11  }
0xaa: {  	s6 =	sor.u32 @p0 s7, s6  }
0xab: {  	[sflag:s6] =	ssyncadd.remote.s32 @p0 $0x1;
	_ =	sdelay $0x1  }
0xac: {  	s6 =	simm.s32 @p0 $0x1B8D  }
0xad: {  	_ =	swait.eq @p0 [sflag:s6], $0x1  }
0xae: {  	[sflag:s6] =	ssyncadd.s32 @p0 $0xFFFFFFFF  }
0xaf: {  	s7 =	sshll.u32 @!p0 s1, $0xE  }
0xb0: {  	s7 =	sor.u32 @!p0 $0x4000, s7;
	s6 =	simm.s32 @!p0 $0x1B8D  }
0xb1: {  	s5 =	sshll.u32 @!p0 s5, $0x11;
	s7 =	sadd.s32 @!p0 $0x11B8D, s7;
	_ =	swait.eq @!p0 [sflag:s6], $0x1  }
0xb2: {  	s5 =	sor.u32 @!p0 s5, s7;
	[sflag:s6] =	ssyncadd.s32 @!p0 $0xFFFFFFFF  }
0xb3: {  	s25 =	simm.s32 $0x1B8E;
	s24 =	sld [smem:$0x3FFE];
	[sflag:s5] =	ssyncadd.remote.s32 @!p0 $0x1  }
0xb4: {  	s26 =	simm.s32 $execute0_lowered;
	[smem:$0x3FD2] =	sst s25  }
0xb5: {  	s6 =	sshll.u32 s26, $0x1;
	_ =	strace $0x8000004C;
	[dreg:$0x1] =	wrdreg $0xFFFFFFFF  }
0xb6: {  	s28 =	simm.s32 $_size_execute0_lowered;
	s4 =	sadd.s32 s4, s6;
	[dreg:$0x0] =	wrdreg $0x0  }
0xb7: {  	s6 =	sshll.u32 s28, $0x1;
	[dreg:$0x2] =	wrdreg s4  }
0xb8: {  	[dreg:$0x3] =	wrdreg s6  }
0xb9: {  	[dreg:$0x4] =	wrdreg $0xC0  }
0xba: {  	_ =	task [dreg:s22], $0x5FFFF  }
0xbb: {  	[dreg:$0x1] =	wrdreg $0xFFFFFFFF  }
0xbc: {  	[dreg:$0x0] =	wrdreg $0x60  }
0xbd: {  	[dreg:$0x2] =	wrdreg s24  }
0xbe: {  	[dreg:$0x3] =	wrdreg s18  }
0xbf: {  	[dreg:$0x4] =	wrdreg $0xA  }
0xc0: {  	_ =	task.clear_ibuf [dreg:s22], $0x5FFFF;
	_ =	strace $0x9000004C  }
0xc1: {  	s29 =	simm.s32 $0xA;
	_ =	strace $0x8000004E  }
0xc2: {  	_ =	swait.ge [sflag:s29], $0x1  }
0xc3: {  	[sflag:s29] =	ssyncadd.s32 $0xFFFFFFFF  }
0xc4: {  	_ =	strace $0x9000004E  }
0xc5: {  	_ =	sfence  }
0xc6: {  	s30 =	sld [smem:$0x0];
	_ =	sdelay $0x2  }
0xc7: {  	s31 =	sshll.u32 s1, $0xD;
	s1 =	sshrl.u32 s1, $0x2  }
0xc8: {  	s4 =	sand.u32 $0x4000, s31;
	s1 =	sadd.s32 s1, s30  }
0xc9: {  	s0 =	sor.u32 s4, s0;
	s1 =	sshll.u32 s1, $0x11  }
0xca: {  	s0 =	sor.u32 s1, s0  }
0xcb: {  	s0 =	sadd.s32 $0x8F2B, s0  }
0xcc: {  	[sflag:s0] =	ssyncadd.remote.s32 $0x1  }
0xcd: {  	_ =	sfence.sel $0xFFFF  }
0xce: {  	[dreg:$0x0] =	wrdreg $0xFFFFFFFF;
	(pc) =	sbr.abs _section_cstart, $3  }
0xcf: {  	[dreg:$0x1] =	wrdreg $0xFFFFFFFF  }
0xd0: {  	_ =	task.clear_ibuf [dreg:s22], $0x2FFFF;
	_ =	strace $0x9FFFFFFF  }
0xd1: {  	(tm) =	ssettm $0x7FFFFFFF  }
tec
execute0_lowered:
.L_overlay_start_1:
0x0: {  	(tag) =	ssettag $0x1  }
0x1: {  	s0 =	rddreg [dreg:$0x0]  }
0x2: {  	s1 =	rddreg [dreg:$0x1]  }
0x3: {  	s3 =	srdreg.scid;
	s4 =	stileid.u32  }
0x4: {  	s2 =	simm.s32 $0x0;
	s13 =	simm.s32 $0x5;
	s14 =	simm.s32 $0x898  }
0x5: {  	s15 =	simm.s32 $0x1130;
	s16 =	simm.s32 $0x19C8;
	s17 =	simm.s32 $0xC8  }
0x6: {  	s22 =	simm.s32 $0x1;
	s23 =	simm.s32 $0x40;
	s24 =	simm.s32 $0x80  }
0x7: {  	s25 =	simm.s32 $0x8660;
	s28 =	simm.s32 $0x11C60;
	s29 =	simm.s32 $0x3  }
0x8: {  	s30 =	simm.s32 $0x4;
	s31 =	simm.s32 $0x0;
	s6 =	sand.u32 $0x1, s3  }
0x9: {  	s26 =	sshll.u32 s4, $0x1;
	[smem:$0x7FF] =	sst s2;
	s4 =	sadd.s32 $0x2A00, s0  }
0xa: {  	s5 =	sadd.s32 $0x16400, s0;
	s3 =	sor.u32 s6, s26;
	s7 =	ssub.s32 $0x2, s6  }
0xb: {  	s10 =	sadd.s32 $0x2F600, s0;
	s3 =	smul.u32 $0x898, s3;
	s8 =	sshrl.u32 s7, $0x1  }
0xc: {  	_ =	strace $0x8000004D;
	s6 =	sadd.s32 $0x197400, s0;
	s12 =	ssub.s32 s7, s8  }
0xd: {  	s26 =	simm.s32 $0x2;
	s9 =	sshrl.u32 s3, $0x3;
	s12 =	smax.u32 s12, $0x1  }
0xe: {  	s11 =	sadd.s32 $0x2260, s9;
	s7 =	sadd.s32 s1, s9;
	s9 =	sadd.s32 s10, s9  }
0xf: {  	s8 =	sadd.s32 s1, s11;
	s10 =	sadd.s32 s10, s11;
	s11 =	sadd.s32 $0x197408, s0  }
.LBB2_1:
0x10: {  	[tilespmem:s2], [sflag:$0x5] =	stream.linear.gather [hbm4b:s7+s2], $0x898, $0x38;
	[tilespmem:$0x14E60] =	vst v63  }
0x11: {  	_ =	swait.ge [sflag:s13], $0x898  }
0x12: {  	[sflag:s13] =	ssyncset.done $0x0  }
0x13: {  	[sflag:s13] =	ssyncadd.s32 $0xFFFFF768  }
0x14: {  	[tilespmem:s14], [sflag:$0x5] =	stream.linear.gather [hbm4b:s8+s2], $0x898, $0x38;
	[tilespmem:$0x14E60] =	vst v63  }
0x15: {  	_ =	swait.ge [sflag:s13], $0x898  }
0x16: {  	[sflag:s13] =	ssyncset.done $0x0  }
0x17: {  	[sflag:s13] =	ssyncadd.s32 $0xFFFFF768  }
0x18: {  	[tilespmem:s15], [sflag:$0x5] =	stream.linear.gather [hbm4b:s9+s2], $0x898, $0x38;
	[tilespmem:$0x14E60] =	vst v63  }
0x19: {  	_ =	swait.ge [sflag:s13], $0x898  }
0x1a: {  	[sflag:s13] =	ssyncset.done $0x0  }
0x1b: {  	[sflag:s13] =	ssyncadd.s32 $0xFFFFF768  }
0x1c: {  	[tilespmem:s16], [sflag:$0x5] =	stream.linear.gather [hbm4b:s10+s2], $0x898, $0x38;
	[tilespmem:$0x14E60] =	vst v63  }
0x1d: {  	_ =	swait.ge [sflag:s13], $0x898  }
0x1e: {  	[sflag:s13] =	ssyncset.done $0x0  }
0x1f: {  	s0 =	simm.s32 $0x2260;
	[sflag:s13] =	ssyncadd.s32 $0xFFFFF768  }
0x20: {  	[tilespmem:s0], [sflag:$0x1] =	stream.indirect.gather [hbm4b:s4+s17], $0x40, s2, s17, $0xb8;
	[tilespmem:$0x14E60] =	vst v63  }
0x21: {  	s19 =	simm.s32 $0x5460  }
0x22: {  	[tilespmem:s19], [sflag:$0x1] =	stream.indirect.gather [hbm4b:s5+s17], $0x40, s15, s17, $0xb8;
	[tilespmem:$0x14E60] =	vst v63  }
0x23: {  	s20 =	simm.s32 $0xB860  }
0x24: {  	[tilespmem:s20], [sflag:$0x2] =	stream.indirect.gather [hbm4b:s4+s17], $0x40, s14, s17, $0xb8;
	[tilespmem:$0x14E60] =	vst v63  }
0x25: {  	s21 =	simm.s32 $0xEA60;
	s0 =	simm.s32 $0x0  }
0x26: {  	[tilespmem:s21], [sflag:$0x2] =	stream.indirect.gather [hbm4b:s5+s17], $0x40, s16, s17, $0xb8;
	[tilespmem:$0x14E60] =	vst v63  }
.LBB2_2:
0x27: {  	_ =	swait.ge [sflag:s22], $0x3200  }
0x28: {  	[sflag:s22] =	ssyncset.done $0x0  }
0x29: {  	[sflag:s22] =	ssyncadd.s32 $0xFFFFCE00  }
0x2a: {  	_ =	swait.ge [sflag:s22], $0x3200  }
0x2b: {  	p0 =	seq.s32 s0, $0x0;
	[sflag:s22] =	ssyncset.done $0x0  }
0x2c: {  	s1 =	simm.s32 @!p0 $0x3;
	[sflag:s22] =	ssyncadd.s32 $0xFFFFCE00  }
0x2d: {  	_ =	swait.ge @!p0 [sflag:s1], $0x3200  }
0x2e: {  	[sflag:s1] =	ssyncset.done @!p0 $0x0  }
0x2f: {  	s19 =	simm.s32 $0x0;
	[sflag:s1] =	ssyncadd.s32 @!p0 $0xFFFFCE00  }
0x30: {  	v2 =	vld [tilespmem:s19+$0x2290]  }
0x31: {  	v4 =	vld [tilespmem:s19+$0x5490]  }
0x32: {  	v5 =	vld [tilespmem:s19+$0x2260]  }
0x33: {  	v6 =	vld [tilespmem:s19+$0x5460]  }
0x34: {  	v1 =	vld [tilespmem:s19+$0x2270]  }
0x35: {  	v3 =	vld [tilespmem:s19+$0x5470]  }
0x36: {  	s1 =	smul.u32 $0xC8, s0;
	v0 =	vld [tilespmem:s19+$0x2280];
	v7 =	vadd.f32 v4, v2  }
0x37: {  	s20 =	simm.s32 $0x40;
	v4 =	vld [tilespmem:s19+$0x5480]  }
0x38: {  	s21 =	simm.s32 $0x200;
	s18 =	sadd.s32 s3, s1;
	v2 =	vld [tilespmem:s20+$0x2290];
	v5 =	vadd.f32 v6, v5;
	[tilespmem:s19+$0x8690] =	vst v7  }
.LBB2_3:
0x39: {  	p1 =	sne.s32 s21, $0xC700;
	v6 =	vld [tilespmem:s20+$0x5490]  }
0x3a: {  	v7 =	vld [tilespmem:s20+$0x2260];
	[tilespmem:s19+$0x8660] =	vst v5;
	v3 =	vadd.f32 v3, v1  }
0x3b: {  	v5 =	vld [tilespmem:s20+$0x5460]  }
.Ltmp0:
0x3c: {  	v1 =	vld [tilespmem:s20+$0x2270];
	[tilespmem:s19+$0x8670] =	vst v3;
	v4 =	vadd.f32 v4, v0;
	(pc) =	sbr.rel @p1 .LBB2_3-.Ltmp0, $4  }
0x3d: {  	v3 =	vld [tilespmem:s20+$0x5470]  }
0x3e: {  	v0 =	vld [tilespmem:s20+$0x2280];
	v6 =	vadd.f32 v6, v2;
	[tilespmem:s19+$0x8680] =	vst v4;
	s19 =	smov.u32 s20  }
0x3f: {  	s20 =	sshra.s32 s21, $0x2;
	v4 =	vld [tilespmem:s19+$0x5480]  }
0x40: {  	s21 =	sadd.s32 $0x100, s21;
	v2 =	vld [tilespmem:s20+$0x2290];
	v5 =	vadd.f32 v5, v7;
	[tilespmem:s19+$0x8690] =	vst v6  }
0x41: {  	v6 =	vld [tilespmem:s20+$0x5490]  }
0x42: {  	v7 =	vld [tilespmem:s20+$0x2260];
	[tilespmem:s19+$0x8660] =	vst v5;
	v1 =	vadd.f32 v3, v1  }
0x43: {  	v3 =	vld [tilespmem:s20+$0x5460]  }
0x44: {  	v5 =	vld [tilespmem:s20+$0x2270];
	[tilespmem:s19+$0x8670] =	vst v1;
	v0 =	vadd.f32 v4, v0  }
0x45: {  	v1 =	vld [tilespmem:s20+$0x5470]  }
0x46: {  	v4 =	vld [tilespmem:s20+$0x2280];
	[tilespmem:s19+$0x8680] =	vst v0  }
0x47: {  	v0 =	vld [tilespmem:s20+$0x5480];
	_ =	sdelay $0x1  }
0x48: {  	v2 =	vadd.f32 v6, v2  }
0x49: {  	v3 =	vadd.f32 v3, v7  }
0x4a: {  	[tilespmem:s20+$0x8690] =	vst v2;
	v1 =	vadd.f32 v1, v5  }
0x4b: {  	[tilespmem:s20+$0x8660] =	vst v3;
	v0 =	vadd.f32 v0, v4  }
0x4c: {  	p1 =	seq.s32 s0, $0xA;
	[tilespmem:s20+$0x8670] =	vst v1  }
0x4d: {  	s21 =	simm.s32 @!p1 $0x2260;
	s19 =	sadd.s32 @!p1 $0xC8, s1;
	[tilespmem:s20+$0x8680] =	vst v0;
	s20 =	simm.s32 @!p1 $0xC8  }
0x4e: {  	[tilespmem:s21], [sflag:$0x1] =	stream.indirect.gather @!p1 [hbm4b:s4+s20], $0x40, s19, s20, $0xb8;
	[tilespmem:$0x14E60] =	vst v63  }
0x4f: {  	s18 =	sshll.u32 s18, $0x4;
	s19 =	sadd.s32 @!p1 $0x11F8, s1;
	s21 =	simm.s32 @!p1 $0x5460  }
0x50: {  	[tilespmem:s21], [sflag:$0x1] =	stream.indirect.gather @!p1 [hbm4b:s5+s20], $0x40, s19, s20, $0xb8;
	[tilespmem:$0x14E60] =	vst v63  }
0x51: {  	s21 =	sadd.s32 s6, s18  }
0x52: {  	[hbm4b:s21+s23] =	stream.strided.scatter [tilespmem:s25], [sflag:$0x3], $0x3200, s24, s23, $0x38;
	[tilespmem:$0x14E60] =	vst v63  }
0x53: {  	_ =	swait.ge [sflag:s26], $0x3200  }
0x54: {  	[sflag:s26] =	ssyncset.done $0x0  }
0x55: {  	[sflag:s26] =	ssyncadd.s32 $0xFFFFCE00  }
0x56: {  	_ =	swait.ge [sflag:s26], $0x3200  }
0x57: {  	[sflag:s26] =	ssyncset.done $0x0  }
0x58: {  	s19 =	simm.s32 @!p0 $0x4;
	[sflag:s26] =	ssyncadd.s32 $0xFFFFCE00  }
0x59: {  	_ =	swait.ge @!p0 [sflag:s19], $0x3200  }
0x5a: {  	[sflag:s19] =	ssyncset.done @!p0 $0x0  }
0x5b: {  	[sflag:s19] =	ssyncadd.s32 @!p0 $0xFFFFCE00;
	s19 =	simm.s32 $0x0  }
0x5c: {  	v2 =	vld [tilespmem:s19+$0xB890]  }
0x5d: {  	v4 =	vld [tilespmem:s19+$0xEA90]  }
0x5e: {  	v5 =	vld [tilespmem:s19+$0xB860]  }
0x5f: {  	v6 =	vld [tilespmem:s19+$0xEA60]  }
0x60: {  	v1 =	vld [tilespmem:s19+$0xB870]  }
0x61: {  	v3 =	vld [tilespmem:s19+$0xEA70]  }
0x62: {  	v0 =	vld [tilespmem:s19+$0xB880];
	v7 =	vadd.f32 v4, v2  }
0x63: {  	s20 =	simm.s32 $0x40;
	v4 =	vld [tilespmem:s19+$0xEA80]  }
0x64: {  	s21 =	simm.s32 $0x200;
	v2 =	vld [tilespmem:s20+$0xB890];
	v5 =	vadd.f32 v6, v5;
	[tilespmem:s19+$0x11C90] =	vst v7  }
.LBB2_5:
0x65: {  	p0 =	sne.s32 s21, $0xC700;
	v6 =	vld [tilespmem:s20+$0xEA90]  }
0x66: {  	v7 =	vld [tilespmem:s20+$0xB860];
	[tilespmem:s19+$0x11C60] =	vst v5;
	v3 =	vadd.f32 v3, v1  }
0x67: {  	v5 =	vld [tilespmem:s20+$0xEA60]  }
.Ltmp1:
0x68: {  	v1 =	vld [tilespmem:s20+$0xB870];
	[tilespmem:s19+$0x11C70] =	vst v3;
	v4 =	vadd.f32 v4, v0;
	(pc) =	sbr.rel @p0 .LBB2_5-.Ltmp1, $4  }
0x69: {  	v3 =	vld [tilespmem:s20+$0xEA70]  }
0x6a: {  	v0 =	vld [tilespmem:s20+$0xB880];
	v6 =	vadd.f32 v6, v2;
	[tilespmem:s19+$0x11C80] =	vst v4;
	s19 =	smov.u32 s20  }
0x6b: {  	s20 =	sshra.s32 s21, $0x2;
	v4 =	vld [tilespmem:s19+$0xEA80]  }
0x6c: {  	s21 =	sadd.s32 $0x100, s21;
	v2 =	vld [tilespmem:s20+$0xB890];
	v5 =	vadd.f32 v5, v7;
	[tilespmem:s19+$0x11C90] =	vst v6  }
0x6d: {  	v6 =	vld [tilespmem:s20+$0xEA90]  }
0x6e: {  	v7 =	vld [tilespmem:s20+$0xB860];
	[tilespmem:s19+$0x11C60] =	vst v5;
	v1 =	vadd.f32 v3, v1  }
0x6f: {  	v62 =	vld [tilespmem:s20+$0xEA60]  }
0x70: {  	v5 =	vld [tilespmem:s20+$0xB870];
	[tilespmem:s19+$0x11C70] =	vst v1;
	v0 =	vadd.f32 v4, v0  }
0x71: {  	v1 =	vld [tilespmem:s20+$0xEA70]  }
0x72: {  	v63 =	vld [tilespmem:s20+$0xB880];
	[tilespmem:s19+$0x11C80] =	vst v0  }
0x73: {  	v0 =	vld [tilespmem:s20+$0xEA80];
	_ =	sdelay $0x1  }
0x74: {  	v2 =	vadd.f32 v6, v2  }
0x75: {  	v3 =	vadd.f32 v62, v7  }
0x76: {  	[tilespmem:s20+$0x11C90] =	vst v2;
	v1 =	vadd.f32 v1, v5  }
0x77: {  	[tilespmem:s20+$0x11C60] =	vst v3;
	v0 =	vadd.f32 v0, v63  }
0x78: {  	s21 =	simm.s32 @!p1 $0xB860;
	s0 =	sadd.s32 $0x1, s0;
	[tilespmem:s20+$0x11C70] =	vst v1  }
0x79: {  	p0 =	sne.s32 s0, $0xB;
	s19 =	sadd.s32 @!p1 $0x960, s1;
	[tilespmem:s20+$0x11C80] =	vst v0;
	s20 =	simm.s32 @!p1 $0xC8  }
0x7a: {  	[tilespmem:s21], [sflag:$0x2] =	stream.indirect.gather @!p1 [hbm4b:s4+s20], $0x40, s19, s20, $0xb8;
	[tilespmem:$0x14E60] =	vst v63  }
.Ltmp2:
0x7b: {  	_ = 	snop;
	(pc) =	sbr.rel @p0 .LBB2_2-.Ltmp2, $4  }
0x7c: {  	s1 =	sadd.s32 @!p1 $0x1A90, s1;
	s19 =	simm.s32 @!p1 $0xEA60  }
0x7d: {  	[tilespmem:s19], [sflag:$0x2] =	stream.indirect.gather @!p1 [hbm4b:s5+s20], $0x40, s1, s20, $0xb8;
	[tilespmem:$0x14E60] =	vst v63  }
0x7e: {  	s21 =	sadd.s32 s18, s11  }
0x7f: {  	[hbm4b:s21+s23] =	stream.strided.scatter [tilespmem:s28], [sflag:$0x4], $0x3200, s24, s23, $0x38;
	[tilespmem:$0x14E60] =	vst v63  }
0x80: {  	s31 =	sadd.s32 $0x1, s31  }
0x81: {  	_ =	swait.ge [sflag:s29], $0x3200;
	p0 =	sne.s32 s31, s12  }
.Ltmp3:
0x82: {  	[sflag:s29] =	ssyncset.done $0x0;
	(pc) =	sbr.rel @p0 .LBB2_1-.Ltmp3, $4  }
0x83: {  	[sflag:s29] =	ssyncadd.s32 $0xFFFFCE00  }
0x84: {  	_ =	swait.ge [sflag:s30], $0x3200  }
0x85: {  	[sflag:s30] =	ssyncset.done $0x0  }
0x86: {  	[sflag:s30] =	ssyncadd.s32 $0xFFFFCE00  }
0x87: {  	_ =	sfence.sel $0x180000  }
0x88: {  	[bflag:$0x0] =	sbarrier.arrive $0xFFFF  }
0x89: {  	_ =	strace $0x9000004D  }
0x8a: {  	s0 =	stileid.u32;
	[bflag:$0x2] =	sbarrier.arrive $0xFFFF  }
0x8b: {  	p0 =	sne.s32 s0, $0x0;
	s0 =	rddreg [dreg:$0x2]  }
0x8c: {  	s0 =	sadd.s32 @!p0 $0x100000, s0  }
0x8d: {  	[sflag:s0] =	ssyncadd.tile.s32 @!p0 $0x1;
	_ =	shalt  }
.Lfunc_end2:
_tile_overlayer_lowered:
.L_overlay_start_2:
0x8e: {  	(tag) =	ssettag $0x2  }
0x8f: {  	s0 =	rddreg [dreg:$0x0];
	s2 =	stileid.u32  }
0x90: {  	s1 =	rddreg [dreg:$0x1];
	p0 =	sne.s32 s2, $0x0  }
0x91: {  	s3 =	rddreg [dreg:$0x2];
	[bflag:$0x3] =	sbarrier.arrive $0xFFFF;
	s2 =	simm.s32 @!p0 $0x1C05  }
0x92: {  	[timem:s3], [sflag:s2] =	dma.local @!p0 [hbm:s0], s1  }
0x93: {  	s0 =	simm.s32 @!p0 $0x5  }
0x94: {  	_ =	swait.ge @!p0 [sflag:s0], s1  }
0x95: {  	s1 =	ssub.s32 @!p0 $0x0, s1;
	[sflag:s0] =	ssyncset.done @!p0 $0x0  }
0x96: {  	[sflag:s0] =	ssyncadd.s32 @!p0 s1  }
0x97: {  	[bflag:$0x3] =	sbarrier.arrive $0xFFFF  }
0x98: {  	_ =	shalt  }

// kernel: kernel.15.cloned.1.call-start
scs
__scs_entry_jumppad:
0x0: {  	(pc) =	sbr.rel $0x88, $3  }
0x1: {  	(tag) =	ssettag $0x0;
	lr =	simm.s32 $0x1  }
0x2: {  	[smem:$0x3F98] =	sst lr;
	_ =	strace $0xD0000000  }
0x3: {  	_ = 	snop  }
0x4: {  	_ = 	snop  }
0x5: {  	_ = 	snop  }
0x6: {  	_ = 	snop  }
0x7: {  	_ = 	snop  }
__scs_overlays_trampoline_lowered:
0x8: {  	[smem:$0x3FA7] =	sst s0  }
0x9: {  	[smem:$0x3FA8] =	sst s1  }
0xa: {  	[smem:$0x3FA9] =	sst s2  }
0xb: {  	[smem:$0x3FAA] =	sst s3  }
0xc: {  	[smem:$0x3FAB] =	sst s4  }
0xd: {  	[smem:$0x3FAC] =	sst s5  }
0xe: {  	[smem:$0x3FAD] =	sst s6  }
0xf: {  	[smem:$0x3FAE] =	sst s7  }
0x10: {  	[smem:$0x3FAF] =	sst s8  }
0x11: {  	[smem:$0x3FB0] =	sst s9;
	s0 =	simm.s32 @!p0 $0x0  }
0x12: {  	s1 =	sld [smem:$0x3F96];
	s0 =	simm.s32 @p0 $0x1  }
0x13: {  	[smem:$0x3FB1] =	sst s0;
	s0 =	simm.s32 @!p1 $0x0  }
0x14: {  	s2 =	sld [smem:$0x3F95];
	s0 =	simm.s32 @p1 $0x1  }
0x15: {  	[smem:$0x3FB2] =	sst s0;
	s0 =	simm.s32 @!p2 $0x0  }
0x16: {  	s3 =	sld [smem:$0x3FDB];
	s0 =	simm.s32 @p2 $0x1  }
0x17: {  	s4 =	simm.s32 $0x1BF5;
	[smem:$0x3FB4] =	sst s0  }
0x18: {  	s0 =	sld [smem:$0x3F97];
	_ =	swait.ge [sflag:s4], $0x0  }
0x19: {  	s7 =	sld [smem:$0x3F98]  }
0x1a: {  	s8 =	sadd.s32 $0xFFFFE003, lr  }
0x1b: {  	s9 =	sadd.s32 $0xFFFFFEF7, lr;
	s5 =	simm.s32 $0xFFFFFFFF;
	p2 =	slt.u32 s8, $0xFFFFF086  }
0x1c: {  	p1 =	slt.u32 s9, $0xF7A;
	s5 =	simm.s32 @!p2 $0x0  }
0x1d: {  	s5 =	simm.s32 @p1 $0x1;
	p0 =	seq.s32 s7, s2  }
0x1e: {  	s7 =	smul.u32 @!p0 $0xF7A, s2;
	p2 =	seq.s32 @!p0 s5, $0x0  }
0x1f: {  	s9 =	smul.u32 $0xF7A, s1;
	s8 =	simm.s32 @!p0 $0x1BF5;
	p2 =	por !p2, p0  }
0x20: {  	[sflag:s8] =	ssyncset.s32 @!p0 $0xFFFFF086;
	s6 =	sadd.s32 @!p0 s3, s7;
	s7 =	simm.s32 @!p0 $0x108  }
0x21: {  	s3 =	sadd.s32 s3, s9;
	s6 =	sadd.s32 @!p0 $0x88, s6;
	s7 =	simm.s32 @p2 $0x1082  }
0x22: {  	[simem:s7], [sflag:s8] =	dma.local @!p0 [hbm:s6], $0xF7A  }
0x23: {  	s9 =	sor.u32 $0xD0000000, s2;
	s6 =	simm.s32 $0x108;
	_ =	swait.ge @!p0 [sflag:s8], $0x0  }
0x24: {  	s3 =	sadd.s32 $0x88, s3;
	s6 =	simm.s32 @!p1 $0x1082;
	[sflag:s4] =	ssyncset.s32 $0xFFFFF086  }
0x25: {  	[simem:s6], [sflag:s4] =	dma.local [hbm:s3], $0xF7A  }
0x26: {  	[smem:$0x3F98] =	sst s1;
	(tag) =	ssettag s2;
	_ =	strace s9  }
0x27: {  	s1 =	sld [smem:$0x3FA8]  }
0x28: {  	s2 =	sld [smem:$0x3FA9]  }
0x29: {  	s4 =	sld [smem:$0x3FAB]  }
0x2a: {  	p0 =	seq.s32 s5, $0x0;
	s5 =	sld [smem:$0x3FAC]  }
0x2b: {  	s6 =	sld [smem:$0x3FAD]  }
0x2c: {  	s7 =	sld [smem:$0x3FAE]  }
0x2d: {  	s3 =	simm.s32 $0x108;
	s8 =	sld [smem:$0x3FAF]  }
0x2e: {  	s3 =	simm.s32 @!p0 $0x1082;
	s9 =	sld [smem:$0x3FB0]  }
0x2f: {  	lr =	sadd.s32 s0, s3;
	s0 =	sld [smem:$0x3FA7]  }
0x30: {  	s3 =	sld [smem:$0x3FAA]  }
0x31: {  	[smem:$0x3FB3] =	sst s10  }
0x32: {  	s10 =	sld [smem:$0x3FB1];
	_ =	sdelay $0x3  }
0x33: {  	p0 =	seq.s32 s10, $0x1;
	s10 =	sld [smem:$0x3FB3];
	_ =	sdelay $0x3  }
0x34: {  	[smem:$0x3FB3] =	sst s10  }
0x35: {  	s10 =	sld [smem:$0x3FB2];
	_ =	sdelay $0x3  }
0x36: {  	p1 =	seq.s32 s10, $0x1;
	s10 =	sld [smem:$0x3FB3];
	_ =	sdelay $0x3  }
0x37: {  	[smem:$0x3FB3] =	sst s10  }
0x38: {  	s10 =	sld [smem:$0x3FB4]  }
0x39: {  	_ = 	snop;
	(pc) =	sbr.ind lr, $3  }
0x3a: {  	_ = 	snop  }
0x3b: {  	_ = 	snop  }
0x3c: {  	p2 =	seq.s32 s10, $0x1;
	s10 =	sld [smem:$0x3FB3]  }
0x3d: {  	_ =	shalt  }
0x3e: {  	_ =	shalt  }
0x3f: {  	_ =	shalt  }
0x40: {  	_ =	shalt  }
0x41: {  	_ =	shalt  }
0x42: {  	_ =	shalt  }
0x43: {  	_ =	shalt  }
0x44: {  	_ =	shalt  }
0x45: {  	_ =	shalt  }
0x46: {  	_ =	shalt  }
0x47: {  	_ =	shalt  }
0x48: {  	_ =	shalt  }
0x49: {  	_ =	shalt  }
0x4a: {  	_ =	shalt  }
0x4b: {  	_ =	shalt  }
0x4c: {  	_ =	shalt  }
0x4d: {  	_ =	shalt  }
0x4e: {  	_ =	shalt  }
0x4f: {  	_ =	shalt  }
0x50: {  	_ =	shalt  }
0x51: {  	_ =	shalt  }
0x52: {  	_ =	shalt  }
0x53: {  	_ =	shalt  }
0x54: {  	_ =	shalt  }
0x55: {  	_ =	shalt  }
0x56: {  	_ =	shalt  }
0x57: {  	_ =	shalt  }
0x58: {  	_ =	shalt  }
0x59: {  	_ =	shalt  }
0x5a: {  	_ =	shalt  }
0x5b: {  	_ =	shalt  }
0x5c: {  	_ =	shalt  }
0x5d: {  	_ =	shalt  }
0x5e: {  	_ =	shalt  }
0x5f: {  	_ =	shalt  }
0x60: {  	_ =	shalt  }
0x61: {  	_ =	shalt  }
0x62: {  	_ =	shalt  }
0x63: {  	_ =	shalt  }
0x64: {  	_ =	shalt  }
0x65: {  	_ =	shalt  }
0x66: {  	_ =	shalt  }
0x67: {  	_ =	shalt  }
0x68: {  	_ =	shalt  }
0x69: {  	_ =	shalt  }
0x6a: {  	_ =	shalt  }
0x6b: {  	_ =	shalt  }
0x6c: {  	_ =	shalt  }
0x6d: {  	_ =	shalt  }
0x6e: {  	_ =	shalt  }
0x6f: {  	_ =	shalt  }
0x70: {  	_ =	shalt  }
0x71: {  	_ =	shalt  }
0x72: {  	_ =	shalt  }
0x73: {  	_ =	shalt  }
0x74: {  	_ =	shalt  }
0x75: {  	_ =	shalt  }
0x76: {  	_ =	shalt  }
0x77: {  	_ =	shalt  }
0x78: {  	_ =	shalt  }
0x79: {  	_ =	shalt  }
0x7a: {  	_ =	shalt  }
0x7b: {  	_ =	shalt  }
0x7c: {  	_ =	shalt  }
0x7d: {  	_ =	shalt  }
0x7e: {  	_ =	shalt  }
0x7f: {  	_ =	shalt  }
0x80: {  	_ =	shalt  }
0x81: {  	_ =	shalt  }
0x82: {  	_ =	shalt  }
0x83: {  	_ =	shalt  }
0x84: {  	_ =	shalt  }
0x85: {  	_ =	shalt  }
0x86: {  	_ =	shalt  }
0x87: {  	_ =	shalt  }
.Lfunc_end0:
.L_simem_size_0:
called_computation.2_lowered:
.L_overlay_start_0:
0x88: {  	s2 =	sld [smem:$0x3FD9]  }
0x89: {  	s3 =	sld [smem:$0x3FFE];
	_ =	sdelay $0x1  }
0x8a: {  	s1 =	srdreg.scid  }
0x8b: {  	s0 =	sand.u32 $0x1, s1  }
0x8c: {  	s16 =	sshll.u32 s0, $0xA;
	s2 =	sadd.s32 s3, s2  }
0x8d: {  	s2 =	sadd.s32 s2, s16  }
0x8e: {  	[smem:$0x3FBF] =	sst s2  }
0x8f: {  	_ = 	snop  }
0x90: {  	(tm) =	ssettm $0x1  }
0x91: {  	s17 =	sld [smem:$0x3FFB];
	_ =	sdelay $0x3  }
0x92: {  	_ =	strace s17  }
0x93: {  	s2 =	sld [smem:$0x3FFC];
	_ =	sdelay $0x3  }
0x94: {  	_ =	strace s2  }
0x95: {  	s2 =	sld [smem:$0x3FFD];
	_ =	sdelay $0x3  }
0x96: {  	_ =	strace s2  }
0x97: {  	_ =	strace $0x8FFFFFFF  }
0x98: {  	s18 =	sld [smem:$0x3FDB];
	_ =	sdelay $0x1  }
0x99: {  	s19 =	simm.s32 $_scs_section_size  }
0x9a: {  	s4 =	simm.s32 $_size__tile_overlayer_lowered;
	s5 =	simm.s32 $_tile_overlayer_lowered  }
0x9b: {  	s22 =	simm.s32 $0x1BFF;
	s21 =	sshll.u32 s5, $0x1;
	s2 =	sadd.s32 s19, s18  }
0x9c: {  	s6 =	simm.s32 $0x0;
	s20 =	sshll.u32 s4, $0x1;
	s4 =	sadd.s32 s21, s2  }
0x9d: {  	[timem:s6], [sflag:s22] =	dma.local [hbm:s4], s20  }
0x9e: {  	_ =	swait.ge [sflag:s22], s20  }
0x9f: {  	s3 =	ssub.s32 $0x0, s20;
	[sflag:s22] =	ssyncset.done $0x0  }
0xa0: {  	[sflag:s22] =	ssyncadd.s32 s3;
	_ =	sdelay $0x1  }
0xa1: {  	s23 =	simm.s32 $0x1B8B  }
0xa2: {  	_ =	swait.ge [sflag:s23], $0x1  }
0xa3: {  	[sflag:s23] =	ssyncset.done $0x0  }
0xa4: {  	s25 =	simm.s32 $0x1B8E;
	s24 =	sld [smem:$0x3FFE];
	[sflag:s23] =	ssyncadd.s32 $0xFFFFFFFF  }
0xa5: {  	s26 =	simm.s32 $execute0_lowered;
	[smem:$0x3FD2] =	sst s25  }
0xa6: {  	s4 =	sshll.u32 s26, $0x1;
	_ =	strace $0x80000046;
	[dreg:$0x1] =	wrdreg $0xFFFFFFFF  }
0xa7: {  	s28 =	simm.s32 $_size_execute0_lowered;
	s2 =	sadd.s32 s2, s4;
	[dreg:$0x0] =	wrdreg $0x0  }
0xa8: {  	s4 =	sshll.u32 s28, $0x1;
	[dreg:$0x2] =	wrdreg s2  }
0xa9: {  	[dreg:$0x3] =	wrdreg s4  }
0xaa: {  	[dreg:$0x4] =	wrdreg $0xC0  }
0xab: {  	_ =	task [dreg:s6], $0x5FFFF  }
0xac: {  	[dreg:$0x1] =	wrdreg $0xFFFFFFFF  }
0xad: {  	[dreg:$0x0] =	wrdreg $0x60  }
0xae: {  	[dreg:$0x2] =	wrdreg s24  }
0xaf: {  	[dreg:$0x3] =	wrdreg $0xB  }
0xb0: {  	_ =	task.clear_ibuf [dreg:s6], $0x4FFFF;
	_ =	strace $0x90000046  }
0xb1: {  	s29 =	simm.s32 $0xB;
	_ =	strace $0x80000048  }
0xb2: {  	_ =	swait.ge [sflag:s29], $0x1  }
0xb3: {  	[sflag:s29] =	ssyncadd.s32 $0xFFFFFFFF  }
0xb4: {  	_ =	strace $0x90000048  }
0xb5: {  	_ =	sfence  }
0xb6: {  	s30 =	sld [smem:$0x0];
	_ =	sdelay $0x2  }
0xb7: {  	s31 =	sshll.u32 s1, $0xD;
	s1 =	sshrl.u32 s1, $0x2  }
0xb8: {  	s3 =	sand.u32 $0x4000, s31;
	s1 =	sadd.s32 s1, s30  }
0xb9: {  	s0 =	sor.u32 s3, s0;
	s1 =	sshll.u32 s1, $0x11  }
0xba: {  	s0 =	sor.u32 s1, s0  }
0xbb: {  	s0 =	sadd.s32 $0x8F2B, s0  }
0xbc: {  	[sflag:s0] =	ssyncadd.remote.s32 $0x1  }
0xbd: {  	_ =	sfence.sel $0xFFFF  }
0xbe: {  	[dreg:$0x0] =	wrdreg $0xFFFFFFFF;
	(pc) =	sbr.abs _section_cstart, $3  }
0xbf: {  	[dreg:$0x1] =	wrdreg $0xFFFFFFFF  }
0xc0: {  	_ =	task.clear_ibuf [dreg:s6], $0x2FFFF;
	_ =	strace $0x9FFFFFFF  }
0xc1: {  	(tm) =	ssettm $0x7FFFFFFF  }
tec
execute0_lowered:
.L_overlay_start_1:
0x0: {  	(tag) =	ssettag $0x1  }
0x1: {  	s0 =	rddreg [dreg:$0x0]  }
0x2: {  	s1 =	srdreg.scid;
	s3 =	stileid.u32;
	s2 =	simm.s32 $0x0  }
0x3: {  	s13 =	simm.s32 $0x5;
	s14 =	simm.s32 $0x578;
	s15 =	simm.s32 $0xAF0  }
0x4: {  	s16 =	simm.s32 $0x1068;
	s17 =	simm.s32 $0xC8;
	s22 =	simm.s32 $0x1  }
0x5: {  	s23 =	simm.s32 $0x40;
	s24 =	simm.s32 $0x80;
	s25 =	simm.s32 $0x79E0  }
0x6: {  	s26 =	simm.s32 $0x2;
	s28 =	simm.s32 $0x10FE0;
	s29 =	simm.s32 $0x3  }
0x7: {  	s30 =	simm.s32 $0x4;
	s31 =	simm.s32 $0x0;
	s1 =	sand.u32 $0x1, s1  }
0x8: {  	s3 =	sshll.u32 s3, $0x1;
	[smem:$0x7FF] =	sst s2;
	s5 =	sadd.s32 $0x16400, s0  }
0x9: {  	s8 =	sadd.s32 $0x29E00, s0;
	s4 =	sor.u32 s1, s3;
	s1 =	ssub.s32 $0x2, s1  }
0xa: {  	s10 =	sadd.s32 $0x2CA00, s0;
	s4 =	smul.u32 $0x578, s4;
	s7 =	sshrl.u32 s1, $0x1  }
0xb: {  	s6 =	sadd.s32 $0x39400, s0;
	_ =	strace $0x80000047;
	s1 =	ssub.s32 s1, s7  }
0xc: {  	s3 =	sadd.s32 $0x2A00, s0;
	s9 =	sshrl.u32 s4, $0x3;
	s12 =	smax.u32 s1, $0x1  }
0xd: {  	s11 =	sadd.s32 $0x15E0, s9;
	s7 =	sadd.s32 s8, s9;
	s9 =	sadd.s32 s10, s9  }
0xe: {  	s8 =	sadd.s32 s8, s11;
	s10 =	sadd.s32 s10, s11;
	s11 =	sadd.s32 $0x39408, s0  }
.LBB2_1:
0xf: {  	[tilespmem:s2], [sflag:$0x5] =	stream.linear.gather [hbm4b:s7+s2], $0x578, $0x38;
	[tilespmem:$0x141E0] =	vst v63  }
0x10: {  	_ =	swait.ge [sflag:s13], $0x578  }
0x11: {  	[sflag:s13] =	ssyncset.done $0x0  }
0x12: {  	[sflag:s13] =	ssyncadd.s32 $0xFFFFFA88  }
0x13: {  	[tilespmem:s14], [sflag:$0x5] =	stream.linear.gather [hbm4b:s8+s2], $0x578, $0x38;
	[tilespmem:$0x141E0] =	vst v63  }
0x14: {  	_ =	swait.ge [sflag:s13], $0x578  }
0x15: {  	[sflag:s13] =	ssyncset.done $0x0  }
0x16: {  	[sflag:s13] =	ssyncadd.s32 $0xFFFFFA88  }
0x17: {  	[tilespmem:s15], [sflag:$0x5] =	stream.linear.gather [hbm4b:s9+s2], $0x578, $0x38;
	[tilespmem:$0x141E0] =	vst v63  }
0x18: {  	_ =	swait.ge [sflag:s13], $0x578  }
0x19: {  	[sflag:s13] =	ssyncset.done $0x0  }
0x1a: {  	[sflag:s13] =	ssyncadd.s32 $0xFFFFFA88  }
0x1b: {  	[tilespmem:s16], [sflag:$0x5] =	stream.linear.gather [hbm4b:s10+s2], $0x578, $0x38;
	[tilespmem:$0x141E0] =	vst v63  }
0x1c: {  	_ =	swait.ge [sflag:s13], $0x578  }
0x1d: {  	[sflag:s13] =	ssyncset.done $0x0  }
0x1e: {  	s0 =	simm.s32 $0x15E0;
	[sflag:s13] =	ssyncadd.s32 $0xFFFFFA88  }
0x1f: {  	[tilespmem:s0], [sflag:$0x1] =	stream.indirect.gather [hbm4b:s3+s17], $0x40, s2, s17, $0xb8;
	[tilespmem:$0x141E0] =	vst v63  }
0x20: {  	s19 =	simm.s32 $0x47E0  }
0x21: {  	[tilespmem:s19], [sflag:$0x1] =	stream.indirect.gather [hbm4b:s5+s17], $0x40, s15, s17, $0xb8;
	[tilespmem:$0x141E0] =	vst v63  }
0x22: {  	s20 =	simm.s32 $0xABE0  }
0x23: {  	[tilespmem:s20], [sflag:$0x2] =	stream.indirect.gather [hbm4b:s3+s17], $0x40, s14, s17, $0xb8;
	[tilespmem:$0x141E0] =	vst v63  }
0x24: {  	s21 =	simm.s32 $0xDDE0;
	s0 =	simm.s32 $0x0  }
0x25: {  	[tilespmem:s21], [sflag:$0x2] =	stream.indirect.gather [hbm4b:s5+s17], $0x40, s16, s17, $0xb8;
	[tilespmem:$0x141E0] =	vst v63  }
.LBB2_2:
0x26: {  	_ =	swait.ge [sflag:s22], $0x3200  }
0x27: {  	[sflag:s22] =	ssyncset.done $0x0  }
0x28: {  	[sflag:s22] =	ssyncadd.s32 $0xFFFFCE00  }
0x29: {  	_ =	swait.ge [sflag:s22], $0x3200  }
0x2a: {  	p0 =	seq.s32 s0, $0x0;
	[sflag:s22] =	ssyncset.done $0x0  }
0x2b: {  	s1 =	simm.s32 @!p0 $0x3;
	[sflag:s22] =	ssyncadd.s32 $0xFFFFCE00  }
0x2c: {  	_ =	swait.ge @!p0 [sflag:s1], $0x3200  }
0x2d: {  	[sflag:s1] =	ssyncset.done @!p0 $0x0  }
0x2e: {  	s19 =	simm.s32 $0x0;
	[sflag:s1] =	ssyncadd.s32 @!p0 $0xFFFFCE00  }
0x2f: {  	v2 =	vld [tilespmem:s19+$0x1610]  }
0x30: {  	v4 =	vld [tilespmem:s19+$0x4810]  }
0x31: {  	v5 =	vld [tilespmem:s19+$0x15E0]  }
0x32: {  	v6 =	vld [tilespmem:s19+$0x47E0]  }
0x33: {  	v1 =	vld [tilespmem:s19+$0x15F0]  }
0x34: {  	v3 =	vld [tilespmem:s19+$0x47F0]  }
0x35: {  	s1 =	smul.u32 $0xC8, s0;
	v0 =	vld [tilespmem:s19+$0x1600];
	v7 =	vadd.f32 v4, v2  }
0x36: {  	s20 =	simm.s32 $0x40;
	v4 =	vld [tilespmem:s19+$0x4800]  }
0x37: {  	s21 =	simm.s32 $0x200;
	s18 =	sadd.s32 s4, s1;
	v2 =	vld [tilespmem:s20+$0x1610];
	v5 =	vadd.f32 v6, v5;
	[tilespmem:s19+$0x7A10] =	vst v7  }
.LBB2_3:
0x38: {  	p1 =	sne.s32 s21, $0xC700;
	v6 =	vld [tilespmem:s20+$0x4810]  }
0x39: {  	v7 =	vld [tilespmem:s20+$0x15E0];
	[tilespmem:s19+$0x79E0] =	vst v5;
	v3 =	vadd.f32 v3, v1  }
0x3a: {  	v5 =	vld [tilespmem:s20+$0x47E0]  }
.Ltmp0:
0x3b: {  	v1 =	vld [tilespmem:s20+$0x15F0];
	[tilespmem:s19+$0x79F0] =	vst v3;
	v4 =	vadd.f32 v4, v0;
	(pc) =	sbr.rel @p1 .LBB2_3-.Ltmp0, $4  }
0x3c: {  	v3 =	vld [tilespmem:s20+$0x47F0]  }
0x3d: {  	v0 =	vld [tilespmem:s20+$0x1600];
	v6 =	vadd.f32 v6, v2;
	[tilespmem:s19+$0x7A00] =	vst v4;
	s19 =	smov.u32 s20  }
0x3e: {  	s20 =	sshra.s32 s21, $0x2;
	v4 =	vld [tilespmem:s19+$0x4800]  }
0x3f: {  	s21 =	sadd.s32 $0x100, s21;
	v2 =	vld [tilespmem:s20+$0x1610];
	v5 =	vadd.f32 v5, v7;
	[tilespmem:s19+$0x7A10] =	vst v6  }
0x40: {  	v6 =	vld [tilespmem:s20+$0x4810]  }
0x41: {  	v7 =	vld [tilespmem:s20+$0x15E0];
	[tilespmem:s19+$0x79E0] =	vst v5;
	v1 =	vadd.f32 v3, v1  }
0x42: {  	v3 =	vld [tilespmem:s20+$0x47E0]  }
0x43: {  	v5 =	vld [tilespmem:s20+$0x15F0];
	[tilespmem:s19+$0x79F0] =	vst v1;
	v0 =	vadd.f32 v4, v0  }
0x44: {  	v1 =	vld [tilespmem:s20+$0x47F0]  }
0x45: {  	v4 =	vld [tilespmem:s20+$0x1600];
	[tilespmem:s19+$0x7A00] =	vst v0  }
0x46: {  	v0 =	vld [tilespmem:s20+$0x4800];
	_ =	sdelay $0x1  }
0x47: {  	v2 =	vadd.f32 v6, v2  }
0x48: {  	v3 =	vadd.f32 v3, v7  }
0x49: {  	[tilespmem:s20+$0x7A10] =	vst v2;
	v1 =	vadd.f32 v1, v5  }
0x4a: {  	[tilespmem:s20+$0x79E0] =	vst v3;
	v0 =	vadd.f32 v0, v4  }
0x4b: {  	p1 =	seq.s32 s0, $0x6;
	[tilespmem:s20+$0x79F0] =	vst v1  }
0x4c: {  	s21 =	simm.s32 @!p1 $0x15E0;
	s19 =	sadd.s32 @!p1 $0xC8, s1;
	[tilespmem:s20+$0x7A00] =	vst v0;
	s20 =	simm.s32 @!p1 $0xC8  }
0x4d: {  	[tilespmem:s21], [sflag:$0x1] =	stream.indirect.gather @!p1 [hbm4b:s3+s20], $0x40, s19, s20, $0xb8;
	[tilespmem:$0x141E0] =	vst v63  }
0x4e: {  	s18 =	sshll.u32 s18, $0x4;
	s19 =	sadd.s32 @!p1 $0xBB8, s1;
	s21 =	simm.s32 @!p1 $0x47E0  }
0x4f: {  	[tilespmem:s21], [sflag:$0x1] =	stream.indirect.gather @!p1 [hbm4b:s5+s20], $0x40, s19, s20, $0xb8;
	[tilespmem:$0x141E0] =	vst v63  }
0x50: {  	s21 =	sadd.s32 s6, s18  }
0x51: {  	[hbm4b:s21+s23] =	stream.strided.scatter [tilespmem:s25], [sflag:$0x3], $0x3200, s24, s23, $0x38;
	[tilespmem:$0x141E0] =	vst v63  }
0x52: {  	_ =	swait.ge [sflag:s26], $0x3200  }
0x53: {  	[sflag:s26] =	ssyncset.done $0x0  }
0x54: {  	[sflag:s26] =	ssyncadd.s32 $0xFFFFCE00  }
0x55: {  	_ =	swait.ge [sflag:s26], $0x3200  }
0x56: {  	[sflag:s26] =	ssyncset.done $0x0  }
0x57: {  	s19 =	simm.s32 @!p0 $0x4;
	[sflag:s26] =	ssyncadd.s32 $0xFFFFCE00  }
0x58: {  	_ =	swait.ge @!p0 [sflag:s19], $0x3200  }
0x59: {  	[sflag:s19] =	ssyncset.done @!p0 $0x0  }
0x5a: {  	[sflag:s19] =	ssyncadd.s32 @!p0 $0xFFFFCE00;
	s19 =	simm.s32 $0x0  }
0x5b: {  	v2 =	vld [tilespmem:s19+$0xAC10]  }
0x5c: {  	v4 =	vld [tilespmem:s19+$0xDE10]  }
0x5d: {  	v5 =	vld [tilespmem:s19+$0xABE0]  }
0x5e: {  	v6 =	vld [tilespmem:s19+$0xDDE0]  }
0x5f: {  	v1 =	vld [tilespmem:s19+$0xABF0]  }
0x60: {  	v3 =	vld [tilespmem:s19+$0xDDF0]  }
0x61: {  	v0 =	vld [tilespmem:s19+$0xAC00];
	v7 =	vadd.f32 v4, v2  }
0x62: {  	s20 =	simm.s32 $0x40;
	v4 =	vld [tilespmem:s19+$0xDE00]  }
0x63: {  	s21 =	simm.s32 $0x200;
	v2 =	vld [tilespmem:s20+$0xAC10];
	v5 =	vadd.f32 v6, v5;
	[tilespmem:s19+$0x11010] =	vst v7  }
.LBB2_5:
0x64: {  	p0 =	sne.s32 s21, $0xC700;
	v6 =	vld [tilespmem:s20+$0xDE10]  }
0x65: {  	v7 =	vld [tilespmem:s20+$0xABE0];
	[tilespmem:s19+$0x10FE0] =	vst v5;
	v3 =	vadd.f32 v3, v1  }
0x66: {  	v5 =	vld [tilespmem:s20+$0xDDE0]  }
.Ltmp1:
0x67: {  	v1 =	vld [tilespmem:s20+$0xABF0];
	[tilespmem:s19+$0x10FF0] =	vst v3;
	v4 =	vadd.f32 v4, v0;
	(pc) =	sbr.rel @p0 .LBB2_5-.Ltmp1, $4  }
0x68: {  	v3 =	vld [tilespmem:s20+$0xDDF0]  }
0x69: {  	v0 =	vld [tilespmem:s20+$0xAC00];
	v6 =	vadd.f32 v6, v2;
	[tilespmem:s19+$0x11000] =	vst v4;
	s19 =	smov.u32 s20  }
0x6a: {  	s20 =	sshra.s32 s21, $0x2;
	v4 =	vld [tilespmem:s19+$0xDE00]  }
0x6b: {  	s21 =	sadd.s32 $0x100, s21;
	v2 =	vld [tilespmem:s20+$0xAC10];
	v5 =	vadd.f32 v5, v7;
	[tilespmem:s19+$0x11010] =	vst v6  }
0x6c: {  	v6 =	vld [tilespmem:s20+$0xDE10]  }
0x6d: {  	v7 =	vld [tilespmem:s20+$0xABE0];
	[tilespmem:s19+$0x10FE0] =	vst v5;
	v1 =	vadd.f32 v3, v1  }
0x6e: {  	v62 =	vld [tilespmem:s20+$0xDDE0]  }
0x6f: {  	v5 =	vld [tilespmem:s20+$0xABF0];
	[tilespmem:s19+$0x10FF0] =	vst v1;
	v0 =	vadd.f32 v4, v0  }
0x70: {  	v1 =	vld [tilespmem:s20+$0xDDF0]  }
0x71: {  	v63 =	vld [tilespmem:s20+$0xAC00];
	[tilespmem:s19+$0x11000] =	vst v0  }
0x72: {  	v0 =	vld [tilespmem:s20+$0xDE00];
	_ =	sdelay $0x1  }
0x73: {  	v2 =	vadd.f32 v6, v2  }
0x74: {  	v3 =	vadd.f32 v62, v7  }
0x75: {  	[tilespmem:s20+$0x11010] =	vst v2;
	v1 =	vadd.f32 v1, v5  }
0x76: {  	[tilespmem:s20+$0x10FE0] =	vst v3;
	v0 =	vadd.f32 v0, v63  }
0x77: {  	s21 =	simm.s32 @!p1 $0xABE0;
	s0 =	sadd.s32 $0x1, s0;
	[tilespmem:s20+$0x10FF0] =	vst v1  }
0x78: {  	p0 =	sne.s32 s0, $0x7;
	s19 =	sadd.s32 @!p1 $0x640, s1;
	[tilespmem:s20+$0x11000] =	vst v0;
	s20 =	simm.s32 @!p1 $0xC8  }
0x79: {  	[tilespmem:s21], [sflag:$0x2] =	stream.indirect.gather @!p1 [hbm4b:s3+s20], $0x40, s19, s20, $0xb8;
	[tilespmem:$0x141E0] =	vst v63  }
.Ltmp2:
0x7a: {  	_ = 	snop;
	(pc) =	sbr.rel @p0 .LBB2_2-.Ltmp2, $4  }
0x7b: {  	s1 =	sadd.s32 @!p1 $0x1130, s1;
	s19 =	simm.s32 @!p1 $0xDDE0  }
0x7c: {  	[tilespmem:s19], [sflag:$0x2] =	stream.indirect.gather @!p1 [hbm4b:s5+s20], $0x40, s1, s20, $0xb8;
	[tilespmem:$0x141E0] =	vst v63  }
0x7d: {  	s21 =	sadd.s32 s18, s11  }
0x7e: {  	[hbm4b:s21+s23] =	stream.strided.scatter [tilespmem:s28], [sflag:$0x4], $0x3200, s24, s23, $0x38;
	[tilespmem:$0x141E0] =	vst v63  }
0x7f: {  	s31 =	sadd.s32 $0x1, s31  }
0x80: {  	_ =	swait.ge [sflag:s29], $0x3200;
	p0 =	sne.s32 s31, s12  }
.Ltmp3:
0x81: {  	[sflag:s29] =	ssyncset.done $0x0;
	(pc) =	sbr.rel @p0 .LBB2_1-.Ltmp3, $4  }
0x82: {  	[sflag:s29] =	ssyncadd.s32 $0xFFFFCE00  }
0x83: {  	_ =	swait.ge [sflag:s30], $0x3200  }
0x84: {  	[sflag:s30] =	ssyncset.done $0x0  }
0x85: {  	[sflag:s30] =	ssyncadd.s32 $0xFFFFCE00  }
0x86: {  	_ =	sfence.sel $0x180000  }
0x87: {  	[bflag:$0x0] =	sbarrier.arrive $0xFFFF  }
0x88: {  	_ =	strace $0x90000047  }
0x89: {  	s0 =	stileid.u32;
	[bflag:$0x2] =	sbarrier.arrive $0xFFFF  }
0x8a: {  	p0 =	sne.s32 s0, $0x0;
	s0 =	rddreg [dreg:$0x1]  }
0x8b: {  	s0 =	sadd.s32 @!p0 $0x100000, s0  }
0x8c: {  	[sflag:s0] =	ssyncadd.tile.s32 @!p0 $0x1;
	_ =	shalt  }
.Lfunc_end2:
_tile_overlayer_lowered:
.L_overlay_start_2:
0x8d: {  	(tag) =	ssettag $0x2  }
0x8e: {  	s0 =	rddreg [dreg:$0x0];
	s2 =	stileid.u32  }
0x8f: {  	s1 =	rddreg [dreg:$0x1];
	p0 =	sne.s32 s2, $0x0  }
0x90: {  	s3 =	rddreg [dreg:$0x2];
	[bflag:$0x3] =	sbarrier.arrive $0xFFFF;
	s2 =	simm.s32 @!p0 $0x1C05  }
0x91: {  	[timem:s3], [sflag:s2] =	dma.local @!p0 [hbm:s0], s1  }
0x92: {  	s0 =	simm.s32 @!p0 $0x5  }
0x93: {  	_ =	swait.ge @!p0 [sflag:s0], s1  }
0x94: {  	s1 =	ssub.s32 @!p0 $0x0, s1;
	[sflag:s0] =	ssyncset.done @!p0 $0x0  }
0x95: {  	[sflag:s0] =	ssyncadd.s32 @!p0 s1  }
0x96: {  	[bflag:$0x3] =	sbarrier.arrive $0xFFFF  }
0x97: {  	_ =	shalt  }

// kernel: kernel.9.cloned.1.call-start
scs
__scs_entry_jumppad:
0x0: {  	(pc) =	sbr.rel $0x88, $3  }
0x1: {  	(tag) =	ssettag $0x0;
	lr =	simm.s32 $0x1  }
0x2: {  	[smem:$0x3F98] =	sst lr;
	_ =	strace $0xD0000000  }
0x3: {  	_ = 	snop  }
0x4: {  	_ = 	snop  }
0x5: {  	_ = 	snop  }
0x6: {  	_ = 	snop  }
0x7: {  	_ = 	snop  }
__scs_overlays_trampoline_lowered:
0x8: {  	[smem:$0x3FA7] =	sst s0  }
0x9: {  	[smem:$0x3FA8] =	sst s1  }
0xa: {  	[smem:$0x3FA9] =	sst s2  }
0xb: {  	[smem:$0x3FAA] =	sst s3  }
0xc: {  	[smem:$0x3FAB] =	sst s4  }
0xd: {  	[smem:$0x3FAC] =	sst s5  }
0xe: {  	[smem:$0x3FAD] =	sst s6  }
0xf: {  	[smem:$0x3FAE] =	sst s7  }
0x10: {  	[smem:$0x3FAF] =	sst s8  }
0x11: {  	[smem:$0x3FB0] =	sst s9;
	s0 =	simm.s32 @!p0 $0x0  }
0x12: {  	s1 =	sld [smem:$0x3F96];
	s0 =	simm.s32 @p0 $0x1  }
0x13: {  	[smem:$0x3FB1] =	sst s0;
	s0 =	simm.s32 @!p1 $0x0  }
0x14: {  	s2 =	sld [smem:$0x3F95];
	s0 =	simm.s32 @p1 $0x1  }
0x15: {  	[smem:$0x3FB2] =	sst s0;
	s0 =	simm.s32 @!p2 $0x0  }
0x16: {  	s3 =	sld [smem:$0x3FDB];
	s0 =	simm.s32 @p2 $0x1  }
0x17: {  	s4 =	simm.s32 $0x1BF5;
	[smem:$0x3FB4] =	sst s0  }
0x18: {  	s0 =	sld [smem:$0x3F97];
	_ =	swait.ge [sflag:s4], $0x0  }
0x19: {  	s7 =	sld [smem:$0x3F98]  }
0x1a: {  	s8 =	sadd.s32 $0xFFFFE003, lr  }
0x1b: {  	s9 =	sadd.s32 $0xFFFFFEF7, lr;
	s5 =	simm.s32 $0xFFFFFFFF;
	p2 =	slt.u32 s8, $0xFFFFF086  }
0x1c: {  	p1 =	slt.u32 s9, $0xF7A;
	s5 =	simm.s32 @!p2 $0x0  }
0x1d: {  	s5 =	simm.s32 @p1 $0x1;
	p0 =	seq.s32 s7, s2  }
0x1e: {  	s7 =	smul.u32 @!p0 $0xF7A, s2;
	p2 =	seq.s32 @!p0 s5, $0x0  }
0x1f: {  	s9 =	smul.u32 $0xF7A, s1;
	s8 =	simm.s32 @!p0 $0x1BF5;
	p2 =	por !p2, p0  }
0x20: {  	[sflag:s8] =	ssyncset.s32 @!p0 $0xFFFFF086;
	s6 =	sadd.s32 @!p0 s3, s7;
	s7 =	simm.s32 @!p0 $0x108  }
0x21: {  	s3 =	sadd.s32 s3, s9;
	s6 =	sadd.s32 @!p0 $0x88, s6;
	s7 =	simm.s32 @p2 $0x1082  }
0x22: {  	[simem:s7], [sflag:s8] =	dma.local @!p0 [hbm:s6], $0xF7A  }
0x23: {  	s9 =	sor.u32 $0xD0000000, s2;
	s6 =	simm.s32 $0x108;
	_ =	swait.ge @!p0 [sflag:s8], $0x0  }
0x24: {  	s3 =	sadd.s32 $0x88, s3;
	s6 =	simm.s32 @!p1 $0x1082;
	[sflag:s4] =	ssyncset.s32 $0xFFFFF086  }
0x25: {  	[simem:s6], [sflag:s4] =	dma.local [hbm:s3], $0xF7A  }
0x26: {  	[smem:$0x3F98] =	sst s1;
	(tag) =	ssettag s2;
	_ =	strace s9  }
0x27: {  	s1 =	sld [smem:$0x3FA8]  }
0x28: {  	s2 =	sld [smem:$0x3FA9]  }
0x29: {  	s4 =	sld [smem:$0x3FAB]  }
0x2a: {  	p0 =	seq.s32 s5, $0x0;
	s5 =	sld [smem:$0x3FAC]  }
0x2b: {  	s6 =	sld [smem:$0x3FAD]  }
0x2c: {  	s7 =	sld [smem:$0x3FAE]  }
0x2d: {  	s3 =	simm.s32 $0x108;
	s8 =	sld [smem:$0x3FAF]  }
0x2e: {  	s3 =	simm.s32 @!p0 $0x1082;
	s9 =	sld [smem:$0x3FB0]  }
0x2f: {  	lr =	sadd.s32 s0, s3;
	s0 =	sld [smem:$0x3FA7]  }
0x30: {  	s3 =	sld [smem:$0x3FAA]  }
0x31: {  	[smem:$0x3FB3] =	sst s10  }
0x32: {  	s10 =	sld [smem:$0x3FB1];
	_ =	sdelay $0x3  }
0x33: {  	p0 =	seq.s32 s10, $0x1;
	s10 =	sld [smem:$0x3FB3];
	_ =	sdelay $0x3  }
0x34: {  	[smem:$0x3FB3] =	sst s10  }
0x35: {  	s10 =	sld [smem:$0x3FB2];
	_ =	sdelay $0x3  }
0x36: {  	p1 =	seq.s32 s10, $0x1;
	s10 =	sld [smem:$0x3FB3];
	_ =	sdelay $0x3  }
0x37: {  	[smem:$0x3FB3] =	sst s10  }
0x38: {  	s10 =	sld [smem:$0x3FB4]  }
0x39: {  	_ = 	snop;
	(pc) =	sbr.ind lr, $3  }
0x3a: {  	_ = 	snop  }
0x3b: {  	_ = 	snop  }
0x3c: {  	p2 =	seq.s32 s10, $0x1;
	s10 =	sld [smem:$0x3FB3]  }
0x3d: {  	_ =	shalt  }
0x3e: {  	_ =	shalt  }
0x3f: {  	_ =	shalt  }
0x40: {  	_ =	shalt  }
0x41: {  	_ =	shalt  }
0x42: {  	_ =	shalt  }
0x43: {  	_ =	shalt  }
0x44: {  	_ =	shalt  }
0x45: {  	_ =	shalt  }
0x46: {  	_ =	shalt  }
0x47: {  	_ =	shalt  }
0x48: {  	_ =	shalt  }
0x49: {  	_ =	shalt  }
0x4a: {  	_ =	shalt  }
0x4b: {  	_ =	shalt  }
0x4c: {  	_ =	shalt  }
0x4d: {  	_ =	shalt  }
0x4e: {  	_ =	shalt  }
0x4f: {  	_ =	shalt  }
0x50: {  	_ =	shalt  }
0x51: {  	_ =	shalt  }
0x52: {  	_ =	shalt  }
0x53: {  	_ =	shalt  }
0x54: {  	_ =	shalt  }
0x55: {  	_ =	shalt  }
0x56: {  	_ =	shalt  }
0x57: {  	_ =	shalt  }
0x58: {  	_ =	shalt  }
0x59: {  	_ =	shalt  }
0x5a: {  	_ =	shalt  }
0x5b: {  	_ =	shalt  }
0x5c: {  	_ =	shalt  }
0x5d: {  	_ =	shalt  }
0x5e: {  	_ =	shalt  }
0x5f: {  	_ =	shalt  }
0x60: {  	_ =	shalt  }
0x61: {  	_ =	shalt  }
0x62: {  	_ =	shalt  }
0x63: {  	_ =	shalt  }
0x64: {  	_ =	shalt  }
0x65: {  	_ =	shalt  }
0x66: {  	_ =	shalt  }
0x67: {  	_ =	shalt  }
0x68: {  	_ =	shalt  }
0x69: {  	_ =	shalt  }
0x6a: {  	_ =	shalt  }
0x6b: {  	_ =	shalt  }
0x6c: {  	_ =	shalt  }
0x6d: {  	_ =	shalt  }
0x6e: {  	_ =	shalt  }
0x6f: {  	_ =	shalt  }
0x70: {  	_ =	shalt  }
0x71: {  	_ =	shalt  }
0x72: {  	_ =	shalt  }
0x73: {  	_ =	shalt  }
0x74: {  	_ =	shalt  }
0x75: {  	_ =	shalt  }
0x76: {  	_ =	shalt  }
0x77: {  	_ =	shalt  }
0x78: {  	_ =	shalt  }
0x79: {  	_ =	shalt  }
0x7a: {  	_ =	shalt  }
0x7b: {  	_ =	shalt  }
0x7c: {  	_ =	shalt  }
0x7d: {  	_ =	shalt  }
0x7e: {  	_ =	shalt  }
0x7f: {  	_ =	shalt  }
0x80: {  	_ =	shalt  }
0x81: {  	_ =	shalt  }
0x82: {  	_ =	shalt  }
0x83: {  	_ =	shalt  }
0x84: {  	_ =	shalt  }
0x85: {  	_ =	shalt  }
0x86: {  	_ =	shalt  }
0x87: {  	_ =	shalt  }
.Lfunc_end0:
.L_simem_size_0:
called_computation_lowered:
.L_overlay_start_0:
0x88: {  	s2 =	sld [smem:$0x3FD9]  }
0x89: {  	s3 =	sld [smem:$0x3FFE];
	_ =	sdelay $0x1  }
0x8a: {  	s1 =	srdreg.scid  }
0x8b: {  	s0 =	sand.u32 $0x1, s1  }
0x8c: {  	s17 =	sshll.u32 s0, $0xA;
	s2 =	sadd.s32 s3, s2  }
0x8d: {  	s2 =	sadd.s32 s2, s17  }
0x8e: {  	[smem:$0x3FBF] =	sst s2  }
0x8f: {  	_ = 	snop  }
0x90: {  	(tm) =	ssettm $0x1  }
0x91: {  	s18 =	sld [smem:$0x3FFB];
	_ =	sdelay $0x3  }
0x92: {  	_ =	strace s18  }
0x93: {  	s2 =	sld [smem:$0x3FFC];
	_ =	sdelay $0x3  }
0x94: {  	_ =	strace s2  }
0x95: {  	s2 =	sld [smem:$0x3FFD];
	_ =	sdelay $0x3  }
0x96: {  	_ =	strace s2  }
0x97: {  	_ =	strace $0x8FFFFFFF  }
0x98: {  	s19 =	sld [smem:$0x3FDB];
	_ =	sdelay $0x1  }
0x99: {  	s20 =	simm.s32 $_scs_section_size  }
0x9a: {  	s4 =	simm.s32 $_size__tile_overlayer_lowered;
	s5 =	simm.s32 $_tile_overlayer_lowered  }
0x9b: {  	s6 =	simm.s32 $0x1BFF;
	s21 =	sshll.u32 s5, $0x1;
	s3 =	sadd.s32 s20, s19  }
0x9c: {  	s22 =	simm.s32 $0x0;
	s4 =	sshll.u32 s4, $0x1;
	s5 =	sadd.s32 s21, s3  }
0x9d: {  	[timem:s22], [sflag:s6] =	dma.local [hbm:s5], s4  }
0x9e: {  	_ =	swait.ge [sflag:s6], s4  }
0x9f: {  	s4 =	ssub.s32 $0x0, s4;
	[sflag:s6] =	ssyncset.done $0x0  }
0xa0: {  	[sflag:s6] =	ssyncadd.s32 s4;
	_ =	sdelay $0x1  }
0xa1: {  	s23 =	simm.s32 $0x1B8B  }
0xa2: {  	_ =	swait.ge [sflag:s23], $0x1  }
0xa3: {  	[sflag:s23] =	ssyncset.done $0x0  }
0xa4: {  	[sflag:s23] =	ssyncadd.s32 $0xFFFFFFFF  }
0xa5: {  	s4 =	sld [smem:$0x0]  }
0xa6: {  	s5 =	sand.u32 $0xFFFFFFFE, s1  }
0xa7: {  	p0 =	sne.s32 s1, s5  }
0xa8: {  	s5 =	sshll.u32 @p0 s5, $0xE  }
0xa9: {  	s5 =	sadd.s32 @p0 $0x11B8D, s5;
	s6 =	sshll.u32 @p0 s4, $0x11  }
0xaa: {  	s5 =	sor.u32 @p0 s6, s5  }
0xab: {  	[sflag:s5] =	ssyncadd.remote.s32 @p0 $0x1;
	_ =	sdelay $0x1  }
0xac: {  	s5 =	simm.s32 @p0 $0x1B8D  }
0xad: {  	_ =	swait.eq @p0 [sflag:s5], $0x1  }
0xae: {  	[sflag:s5] =	ssyncadd.s32 @p0 $0xFFFFFFFF  }
0xaf: {  	s6 =	sshll.u32 @!p0 s1, $0xE  }
0xb0: {  	s6 =	sor.u32 @!p0 $0x4000, s6;
	s5 =	simm.s32 @!p0 $0x1B8D  }
0xb1: {  	s4 =	sshll.u32 @!p0 s4, $0x11;
	s6 =	sadd.s32 @!p0 $0x11B8D, s6;
	_ =	swait.eq @!p0 [sflag:s5], $0x1  }
0xb2: {  	s4 =	sor.u32 @!p0 s4, s6;
	[sflag:s5] =	ssyncadd.s32 @!p0 $0xFFFFFFFF  }
0xb3: {  	s25 =	simm.s32 $0x1B8E;
	s24 =	sld [smem:$0x3FFE];
	[sflag:s4] =	ssyncadd.remote.s32 @!p0 $0x1  }
0xb4: {  	s26 =	simm.s32 $execute0_lowered;
	[smem:$0x3FD2] =	sst s25  }
0xb5: {  	s5 =	sshll.u32 s26, $0x1;
	_ =	strace $0x80000049;
	[dreg:$0x1] =	wrdreg $0xFFFFFFFF  }
0xb6: {  	s28 =	simm.s32 $_size_execute0_lowered;
	s3 =	sadd.s32 s3, s5;
	[dreg:$0x0] =	wrdreg $0x0  }
0xb7: {  	s5 =	sshll.u32 s28, $0x1;
	[dreg:$0x2] =	wrdreg s3  }
0xb8: {  	[dreg:$0x3] =	wrdreg s5  }
0xb9: {  	[dreg:$0x4] =	wrdreg $0xC0  }
0xba: {  	_ =	task [dreg:s22], $0x5FFFF  }
0xbb: {  	[dreg:$0x1] =	wrdreg $0xFFFFFFFF  }
0xbc: {  	[dreg:$0x0] =	wrdreg $0x60  }
0xbd: {  	[dreg:$0x2] =	wrdreg s24  }
0xbe: {  	[dreg:$0x3] =	wrdreg $0x9  }
0xbf: {  	_ =	task.clear_ibuf [dreg:s22], $0x4FFFF;
	_ =	strace $0x90000049  }
0xc0: {  	s29 =	simm.s32 $0x9;
	_ =	strace $0x8000004B  }
0xc1: {  	_ =	swait.ge [sflag:s29], $0x1  }
0xc2: {  	[sflag:s29] =	ssyncadd.s32 $0xFFFFFFFF  }
0xc3: {  	_ =	strace $0x9000004B  }
0xc4: {  	_ =	sfence  }
0xc5: {  	s30 =	sld [smem:$0x0];
	_ =	sdelay $0x2  }
0xc6: {  	s31 =	sshll.u32 s1, $0xD;
	s1 =	sshrl.u32 s1, $0x2  }
0xc7: {  	s4 =	sand.u32 $0x4000, s31;
	s1 =	sadd.s32 s1, s30  }
0xc8: {  	s0 =	sor.u32 s4, s0;
	s1 =	sshll.u32 s1, $0x11  }
0xc9: {  	s0 =	sor.u32 s1, s0  }
0xca: {  	s0 =	sadd.s32 $0x8F2B, s0  }
0xcb: {  	[sflag:s0] =	ssyncadd.remote.s32 $0x1  }
0xcc: {  	_ =	sfence.sel $0xFFFF  }
0xcd: {  	[dreg:$0x0] =	wrdreg $0xFFFFFFFF;
	(pc) =	sbr.abs _section_cstart, $3  }
0xce: {  	[dreg:$0x1] =	wrdreg $0xFFFFFFFF  }
0xcf: {  	_ =	task.clear_ibuf [dreg:s22], $0x2FFFF;
	_ =	strace $0x9FFFFFFF  }
0xd0: {  	(tm) =	ssettm $0x7FFFFFFF  }
0xd1: {  	_ =	shalt  }
tec
execute0_lowered:
.L_overlay_start_1:
0x0: {  	(tag) =	ssettag $0x1  }
0x1: {  	s0 =	rddreg [dreg:$0x0]  }
0x2: {  	s1 =	srdreg.scid;
	s3 =	stileid.u32;
	s2 =	simm.s32 $0x0  }
0x3: {  	s13 =	simm.s32 $0x5;
	s14 =	simm.s32 $0x578;
	s15 =	simm.s32 $0xAF0  }
0x4: {  	s16 =	simm.s32 $0x1068;
	s17 =	simm.s32 $0xC8;
	s22 =	simm.s32 $0x1  }
0x5: {  	s23 =	simm.s32 $0x40;
	s24 =	simm.s32 $0x80;
	s25 =	simm.s32 $0x79E0  }
0x6: {  	s26 =	simm.s32 $0x2;
	s28 =	simm.s32 $0x10FE0;
	s29 =	simm.s32 $0x3  }
0x7: {  	s30 =	simm.s32 $0x4;
	s31 =	simm.s32 $0x0;
	s1 =	sand.u32 $0x1, s1  }
0x8: {  	s3 =	sshll.u32 s3, $0x1;
	[smem:$0x7FF] =	sst s2;
	s5 =	sadd.s32 $0x16400, s0  }
0x9: {  	s8 =	sadd.s32 $0x33C00, s0;
	s4 =	sor.u32 s1, s3;
	s1 =	ssub.s32 $0x2, s1  }
0xa: {  	s10 =	sadd.s32 $0x36800, s0;
	s4 =	smul.u32 $0x578, s4;
	s7 =	sshrl.u32 s1, $0x1  }
0xb: {  	s6 =	sadd.s32 $0xE8400, s0;
	_ =	strace $0x8000004A;
	s1 =	ssub.s32 s1, s7  }
0xc: {  	s3 =	sadd.s32 $0x2A00, s0;
	s9 =	sshrl.u32 s4, $0x3;
	s12 =	smax.u32 s1, $0x1  }
0xd: {  	s11 =	sadd.s32 $0x15E0, s9;
	s7 =	sadd.s32 s8, s9;
	s9 =	sadd.s32 s10, s9  }
0xe: {  	s8 =	sadd.s32 s8, s11;
	s10 =	sadd.s32 s10, s11;
	s11 =	sadd.s32 $0xE8408, s0  }
.LBB2_1:
0xf: {  	[tilespmem:s2], [sflag:$0x5] =	stream.linear.gather [hbm4b:s7+s2], $0x578, $0x38;
	[tilespmem:$0x141E0] =	vst v63  }
0x10: {  	_ =	swait.ge [sflag:s13], $0x578  }
0x11: {  	[sflag:s13] =	ssyncset.done $0x0  }
0x12: {  	[sflag:s13] =	ssyncadd.s32 $0xFFFFFA88  }
0x13: {  	[tilespmem:s14], [sflag:$0x5] =	stream.linear.gather [hbm4b:s8+s2], $0x578, $0x38;
	[tilespmem:$0x141E0] =	vst v63  }
0x14: {  	_ =	swait.ge [sflag:s13], $0x578  }
0x15: {  	[sflag:s13] =	ssyncset.done $0x0  }
0x16: {  	[sflag:s13] =	ssyncadd.s32 $0xFFFFFA88  }
0x17: {  	[tilespmem:s15], [sflag:$0x5] =	stream.linear.gather [hbm4b:s9+s2], $0x578, $0x38;
	[tilespmem:$0x141E0] =	vst v63  }
0x18: {  	_ =	swait.ge [sflag:s13], $0x578  }
0x19: {  	[sflag:s13] =	ssyncset.done $0x0  }
0x1a: {  	[sflag:s13] =	ssyncadd.s32 $0xFFFFFA88  }
0x1b: {  	[tilespmem:s16], [sflag:$0x5] =	stream.linear.gather [hbm4b:s10+s2], $0x578, $0x38;
	[tilespmem:$0x141E0] =	vst v63  }
0x1c: {  	_ =	swait.ge [sflag:s13], $0x578  }
0x1d: {  	[sflag:s13] =	ssyncset.done $0x0  }
0x1e: {  	s0 =	simm.s32 $0x15E0;
	[sflag:s13] =	ssyncadd.s32 $0xFFFFFA88  }
0x1f: {  	[tilespmem:s0], [sflag:$0x1] =	stream.indirect.gather [hbm4b:s3+s17], $0x40, s2, s17, $0xb8;
	[tilespmem:$0x141E0] =	vst v63  }
0x20: {  	s19 =	simm.s32 $0x47E0  }
0x21: {  	[tilespmem:s19], [sflag:$0x1] =	stream.indirect.gather [hbm4b:s5+s17], $0x40, s15, s17, $0xb8;
	[tilespmem:$0x141E0] =	vst v63  }
0x22: {  	s20 =	simm.s32 $0xABE0  }
0x23: {  	[tilespmem:s20], [sflag:$0x2] =	stream.indirect.gather [hbm4b:s3+s17], $0x40, s14, s17, $0xb8;
	[tilespmem:$0x141E0] =	vst v63  }
0x24: {  	s21 =	simm.s32 $0xDDE0;
	s0 =	simm.s32 $0x0  }
0x25: {  	[tilespmem:s21], [sflag:$0x2] =	stream.indirect.gather [hbm4b:s5+s17], $0x40, s16, s17, $0xb8;
	[tilespmem:$0x141E0] =	vst v63  }
.LBB2_2:
0x26: {  	_ =	swait.ge [sflag:s22], $0x3200  }
0x27: {  	[sflag:s22] =	ssyncset.done $0x0  }
0x28: {  	[sflag:s22] =	ssyncadd.s32 $0xFFFFCE00  }
0x29: {  	_ =	swait.ge [sflag:s22], $0x3200  }
0x2a: {  	p0 =	seq.s32 s0, $0x0;
	[sflag:s22] =	ssyncset.done $0x0  }
0x2b: {  	s1 =	simm.s32 @!p0 $0x3;
	[sflag:s22] =	ssyncadd.s32 $0xFFFFCE00  }
0x2c: {  	_ =	swait.ge @!p0 [sflag:s1], $0x3200  }
0x2d: {  	[sflag:s1] =	ssyncset.done @!p0 $0x0  }
0x2e: {  	s19 =	simm.s32 $0x0;
	[sflag:s1] =	ssyncadd.s32 @!p0 $0xFFFFCE00  }
0x2f: {  	v2 =	vld [tilespmem:s19+$0x1610]  }
0x30: {  	v4 =	vld [tilespmem:s19+$0x4810]  }
0x31: {  	v5 =	vld [tilespmem:s19+$0x15E0]  }
0x32: {  	v6 =	vld [tilespmem:s19+$0x47E0]  }
0x33: {  	v1 =	vld [tilespmem:s19+$0x15F0]  }
0x34: {  	v3 =	vld [tilespmem:s19+$0x47F0]  }
0x35: {  	s1 =	smul.u32 $0xC8, s0;
	v0 =	vld [tilespmem:s19+$0x1600];
	v7 =	vadd.f32 v4, v2  }
0x36: {  	s20 =	simm.s32 $0x40;
	v4 =	vld [tilespmem:s19+$0x4800]  }
0x37: {  	s21 =	simm.s32 $0x200;
	s18 =	sadd.s32 s4, s1;
	v2 =	vld [tilespmem:s20+$0x1610];
	v5 =	vadd.f32 v6, v5;
	[tilespmem:s19+$0x7A10] =	vst v7  }
.LBB2_3:
0x38: {  	p1 =	sne.s32 s21, $0xC700;
	v6 =	vld [tilespmem:s20+$0x4810]  }
0x39: {  	v7 =	vld [tilespmem:s20+$0x15E0];
	[tilespmem:s19+$0x79E0] =	vst v5;
	v3 =	vadd.f32 v3, v1  }
0x3a: {  	v5 =	vld [tilespmem:s20+$0x47E0]  }
.Ltmp0:
0x3b: {  	v1 =	vld [tilespmem:s20+$0x15F0];
	[tilespmem:s19+$0x79F0] =	vst v3;
	v4 =	vadd.f32 v4, v0;
	(pc) =	sbr.rel @p1 .LBB2_3-.Ltmp0, $4  }
0x3c: {  	v3 =	vld [tilespmem:s20+$0x47F0]  }
0x3d: {  	v0 =	vld [tilespmem:s20+$0x1600];
	v6 =	vadd.f32 v6, v2;
	[tilespmem:s19+$0x7A00] =	vst v4;
	s19 =	smov.u32 s20  }
0x3e: {  	s20 =	sshra.s32 s21, $0x2;
	v4 =	vld [tilespmem:s19+$0x4800]  }
0x3f: {  	s21 =	sadd.s32 $0x100, s21;
	v2 =	vld [tilespmem:s20+$0x1610];
	v5 =	vadd.f32 v5, v7;
	[tilespmem:s19+$0x7A10] =	vst v6  }
0x40: {  	v6 =	vld [tilespmem:s20+$0x4810]  }
0x41: {  	v7 =	vld [tilespmem:s20+$0x15E0];
	[tilespmem:s19+$0x79E0] =	vst v5;
	v1 =	vadd.f32 v3, v1  }
0x42: {  	v3 =	vld [tilespmem:s20+$0x47E0]  }
0x43: {  	v5 =	vld [tilespmem:s20+$0x15F0];
	[tilespmem:s19+$0x79F0] =	vst v1;
	v0 =	vadd.f32 v4, v0  }
0x44: {  	v1 =	vld [tilespmem:s20+$0x47F0]  }
0x45: {  	v4 =	vld [tilespmem:s20+$0x1600];
	[tilespmem:s19+$0x7A00] =	vst v0  }
0x46: {  	v0 =	vld [tilespmem:s20+$0x4800];
	_ =	sdelay $0x1  }
0x47: {  	v2 =	vadd.f32 v6, v2  }
0x48: {  	v3 =	vadd.f32 v3, v7  }
0x49: {  	[tilespmem:s20+$0x7A10] =	vst v2;
	v1 =	vadd.f32 v1, v5  }
0x4a: {  	[tilespmem:s20+$0x79E0] =	vst v3;
	v0 =	vadd.f32 v0, v4  }
0x4b: {  	p1 =	seq.s32 s0, $0x6;
	[tilespmem:s20+$0x79F0] =	vst v1  }
0x4c: {  	s21 =	simm.s32 @!p1 $0x15E0;
	s19 =	sadd.s32 @!p1 $0xC8, s1;
	[tilespmem:s20+$0x7A00] =	vst v0;
	s20 =	simm.s32 @!p1 $0xC8  }
0x4d: {  	[tilespmem:s21], [sflag:$0x1] =	stream.indirect.gather @!p1 [hbm4b:s3+s20], $0x40, s19, s20, $0xb8;
	[tilespmem:$0x141E0] =	vst v63  }
0x4e: {  	s18 =	sshll.u32 s18, $0x4;
	s19 =	sadd.s32 @!p1 $0xBB8, s1;
	s21 =	simm.s32 @!p1 $0x47E0  }
0x4f: {  	[tilespmem:s21], [sflag:$0x1] =	stream.indirect.gather @!p1 [hbm4b:s5+s20], $0x40, s19, s20, $0xb8;
	[tilespmem:$0x141E0] =	vst v63  }
0x50: {  	s21 =	sadd.s32 s6, s18  }
0x51: {  	[hbm4b:s21+s23] =	stream.strided.scatter [tilespmem:s25], [sflag:$0x3], $0x3200, s24, s23, $0x38;
	[tilespmem:$0x141E0] =	vst v63  }
0x52: {  	_ =	swait.ge [sflag:s26], $0x3200  }
0x53: {  	[sflag:s26] =	ssyncset.done $0x0  }
0x54: {  	[sflag:s26] =	ssyncadd.s32 $0xFFFFCE00  }
0x55: {  	_ =	swait.ge [sflag:s26], $0x3200  }
0x56: {  	[sflag:s26] =	ssyncset.done $0x0  }
0x57: {  	s19 =	simm.s32 @!p0 $0x4;
	[sflag:s26] =	ssyncadd.s32 $0xFFFFCE00  }
0x58: {  	_ =	swait.ge @!p0 [sflag:s19], $0x3200  }
0x59: {  	[sflag:s19] =	ssyncset.done @!p0 $0x0  }
0x5a: {  	[sflag:s19] =	ssyncadd.s32 @!p0 $0xFFFFCE00;
	s19 =	simm.s32 $0x0  }
0x5b: {  	v2 =	vld [tilespmem:s19+$0xAC10]  }
0x5c: {  	v4 =	vld [tilespmem:s19+$0xDE10]  }
0x5d: {  	v5 =	vld [tilespmem:s19+$0xABE0]  }
0x5e: {  	v6 =	vld [tilespmem:s19+$0xDDE0]  }
0x5f: {  	v1 =	vld [tilespmem:s19+$0xABF0]  }
0x60: {  	v3 =	vld [tilespmem:s19+$0xDDF0]  }
0x61: {  	v0 =	vld [tilespmem:s19+$0xAC00];
	v7 =	vadd.f32 v4, v2  }
0x62: {  	s20 =	simm.s32 $0x40;
	v4 =	vld [tilespmem:s19+$0xDE00]  }
0x63: {  	s21 =	simm.s32 $0x200;
	v2 =	vld [tilespmem:s20+$0xAC10];
	v5 =	vadd.f32 v6, v5;
	[tilespmem:s19+$0x11010] =	vst v7  }
.LBB2_5:
0x64: {  	p0 =	sne.s32 s21, $0xC700;
	v6 =	vld [tilespmem:s20+$0xDE10]  }
0x65: {  	v7 =	vld [tilespmem:s20+$0xABE0];
	[tilespmem:s19+$0x10FE0] =	vst v5;
	v3 =	vadd.f32 v3, v1  }
0x66: {  	v5 =	vld [tilespmem:s20+$0xDDE0]  }
.Ltmp1:
0x67: {  	v1 =	vld [tilespmem:s20+$0xABF0];
	[tilespmem:s19+$0x10FF0] =	vst v3;
	v4 =	vadd.f32 v4, v0;
	(pc) =	sbr.rel @p0 .LBB2_5-.Ltmp1, $4  }
0x68: {  	v3 =	vld [tilespmem:s20+$0xDDF0]  }
0x69: {  	v0 =	vld [tilespmem:s20+$0xAC00];
	v6 =	vadd.f32 v6, v2;
	[tilespmem:s19+$0x11000] =	vst v4;
	s19 =	smov.u32 s20  }
0x6a: {  	s20 =	sshra.s32 s21, $0x2;
	v4 =	vld [tilespmem:s19+$0xDE00]  }
0x6b: {  	s21 =	sadd.s32 $0x100, s21;
	v2 =	vld [tilespmem:s20+$0xAC10];
	v5 =	vadd.f32 v5, v7;
	[tilespmem:s19+$0x11010] =	vst v6  }
0x6c: {  	v6 =	vld [tilespmem:s20+$0xDE10]  }
0x6d: {  	v7 =	vld [tilespmem:s20+$0xABE0];
	[tilespmem:s19+$0x10FE0] =	vst v5;
	v1 =	vadd.f32 v3, v1  }
0x6e: {  	v62 =	vld [tilespmem:s20+$0xDDE0]  }
0x6f: {  	v5 =	vld [tilespmem:s20+$0xABF0];
	[tilespmem:s19+$0x10FF0] =	vst v1;
	v0 =	vadd.f32 v4, v0  }
0x70: {  	v1 =	vld [tilespmem:s20+$0xDDF0]  }
0x71: {  	v63 =	vld [tilespmem:s20+$0xAC00];
	[tilespmem:s19+$0x11000] =	vst v0  }
0x72: {  	v0 =	vld [tilespmem:s20+$0xDE00];
	_ =	sdelay $0x1  }
0x73: {  	v2 =	vadd.f32 v6, v2  }
0x74: {  	v3 =	vadd.f32 v62, v7  }
0x75: {  	[tilespmem:s20+$0x11010] =	vst v2;
	v1 =	vadd.f32 v1, v5  }
0x76: {  	[tilespmem:s20+$0x10FE0] =	vst v3;
	v0 =	vadd.f32 v0, v63  }
0x77: {  	s21 =	simm.s32 @!p1 $0xABE0;
	s0 =	sadd.s32 $0x1, s0;
	[tilespmem:s20+$0x10FF0] =	vst v1  }
0x78: {  	p0 =	sne.s32 s0, $0x7;
	s19 =	sadd.s32 @!p1 $0x640, s1;
	[tilespmem:s20+$0x11000] =	vst v0;
	s20 =	simm.s32 @!p1 $0xC8  }
0x79: {  	[tilespmem:s21], [sflag:$0x2] =	stream.indirect.gather @!p1 [hbm4b:s3+s20], $0x40, s19, s20, $0xb8;
	[tilespmem:$0x141E0] =	vst v63  }
.Ltmp2:
0x7a: {  	_ = 	snop;
	(pc) =	sbr.rel @p0 .LBB2_2-.Ltmp2, $4  }
0x7b: {  	s1 =	sadd.s32 @!p1 $0x1130, s1;
	s19 =	simm.s32 @!p1 $0xDDE0  }
0x7c: {  	[tilespmem:s19], [sflag:$0x2] =	stream.indirect.gather @!p1 [hbm4b:s5+s20], $0x40, s1, s20, $0xb8;
	[tilespmem:$0x141E0] =	vst v63  }
0x7d: {  	s21 =	sadd.s32 s18, s11  }
0x7e: {  	[hbm4b:s21+s23] =	stream.strided.scatter [tilespmem:s28], [sflag:$0x4], $0x3200, s24, s23, $0x38;
	[tilespmem:$0x141E0] =	vst v63  }
0x7f: {  	s31 =	sadd.s32 $0x1, s31  }
0x80: {  	_ =	swait.ge [sflag:s29], $0x3200;
	p0 =	sne.s32 s31, s12  }
.Ltmp3:
0x81: {  	[sflag:s29] =	ssyncset.done $0x0;
	(pc) =	sbr.rel @p0 .LBB2_1-.Ltmp3, $4  }
0x82: {  	[sflag:s29] =	ssyncadd.s32 $0xFFFFCE00  }
0x83: {  	_ =	swait.ge [sflag:s30], $0x3200  }
0x84: {  	[sflag:s30] =	ssyncset.done $0x0  }
0x85: {  	[sflag:s30] =	ssyncadd.s32 $0xFFFFCE00  }
0x86: {  	_ =	sfence.sel $0x180000  }
0x87: {  	[bflag:$0x0] =	sbarrier.arrive $0xFFFF  }
0x88: {  	_ =	strace $0x9000004A  }
0x89: {  	s0 =	stileid.u32;
	[bflag:$0x2] =	sbarrier.arrive $0xFFFF  }
0x8a: {  	p0 =	sne.s32 s0, $0x0;
	s0 =	rddreg [dreg:$0x1]  }
0x8b: {  	s0 =	sadd.s32 @!p0 $0x100000, s0  }
0x8c: {  	[sflag:s0] =	ssyncadd.tile.s32 @!p0 $0x1;
	_ =	shalt  }
.Lfunc_end2:
_tile_overlayer_lowered:
.L_overlay_start_2:
0x8d: {  	(tag) =	ssettag $0x2  }
0x8e: {  	s0 =	rddreg [dreg:$0x0];
	s2 =	stileid.u32  }
0x8f: {  	s1 =	rddreg [dreg:$0x1];
	p0 =	sne.s32 s2, $0x0  }
0x90: {  	s3 =	rddreg [dreg:$0x2];
	[bflag:$0x3] =	sbarrier.arrive $0xFFFF;
	s2 =	simm.s32 @!p0 $0x1C05  }
0x91: {  	[timem:s3], [sflag:s2] =	dma.local @!p0 [hbm:s0], s1  }
0x92: {  	s0 =	simm.s32 @!p0 $0x5  }
0x93: {  	_ =	swait.ge @!p0 [sflag:s0], s1  }
0x94: {  	s1 =	ssub.s32 @!p0 $0x0, s1;
	[sflag:s0] =	ssyncset.done @!p0 $0x0  }
0x95: {  	[sflag:s0] =	ssyncadd.s32 @!p0 s1  }
0x96: {  	[bflag:$0x3] =	sbarrier.arrive $0xFFFF  }
0x97: {  	_ =	shalt  }

</sc_bundles>
